<compile_context>
chip_gen: v7x
topology: tpu7x:2x2x1
jax: 0.10.2.dev20260603
libtpu: 0.0.44.dev20260713+nightly
codegen_flags: <defaults>
</compile_context>

<pallas_src>
import functools

import jax
import jax.numpy as jnp
from jax import lax
from jax.experimental import pallas as pl
from jax.experimental.pallas import tpu as pltpu
from jax.experimental.pallas import tpu_sc as plsc

_N = 10000
_NP = 10240
_D = 128
_E = 320000
_EPS = 1e-5

_NC = 2
_NS = 16
_ET = _E // (_NC * _NS)
_CH2 = 64
_TCH = 160
_NSLOT = 5
_EP = _NC * _NS * _TCH * _CH2
_RT = _NP // _NS
_DW = 16

_RB = 1024



def _sc_mesh():
    return plsc.VectorSubcoreMesh(core_axis_name="c", subcore_axis_name="s")


def _deg_call(col):

    @functools.partial(
        pl.kernel,
        mesh=_sc_mesh(),
        compiler_params=pltpu.CompilerParams(needs_layout_passes=False),
        out_type=jax.ShapeDtypeStruct((_NC * _NS, _NP), jnp.float32),
        scratch_types=[
            pltpu.VMEM((_ET,), jnp.int32),
            pltpu.VMEM((_NP,), jnp.float32),
        ],
    )
    def deg_kernel(col_ref, out_ref, colv, hist):
        c = lax.axis_index("c")
        s = lax.axis_index("s")
        wid = c * _NS + s
        pltpu.sync_copy(col_ref.at[pl.ds(wid * _ET, _ET)], colv)
        zeros16 = jnp.zeros((16,), jnp.float32)
        ones16 = jnp.ones((16,), jnp.float32)

        def zbody(i, carry):
            hist[pl.ds(i * 16, 16)] = zeros16
            return carry

        lax.fori_loop(0, _NP // 16, zbody, 0)

        def body(i, carry):
            idx = colv[pl.ds(i * 16, 16)]
            plsc.addupdate_scatter(hist, [idx], ones16)
            return carry

        lax.fori_loop(0, _ET // 16, body, 0)
        pltpu.sync_copy(hist, out_ref.at[wid])

    return deg_kernel(col)


def _hop_call(row, col, table, zeros_hbm):

    @functools.partial(
        pl.kernel,
        mesh=_sc_mesh(),
        out_type=jax.ShapeDtypeStruct((_NC, _NP, _D), jnp.float32),
        scratch_types=(
            [pltpu.VMEM((_CH2,), jnp.int32) for _ in range(2 * _NSLOT)]
            + [pltpu.VMEM((_CH2, _D), jnp.float32) for _ in range(_NSLOT)]
            + [pltpu.VMEM_SHARED((_NP, _D), jnp.float32)]
            + [pltpu.SemaphoreType.DMA for _ in range(4 * _NSLOT)]
        ),
    )
    def hop_kernel(row_ref, col_ref, tab_ref, zeros_ref, out_ref, *refs):
        cs = refs[0:_NSLOT]
        rs = refs[_NSLOT:2 * _NSLOT]
        bufs = refs[2 * _NSLOT:3 * _NSLOT]
        acc = refs[3 * _NSLOT]
        csem = refs[1 + 3 * _NSLOT:1 + 4 * _NSLOT]
        gsem = refs[1 + 4 * _NSLOT:1 + 5 * _NSLOT]
        rsem = refs[1 + 5 * _NSLOT:1 + 6 * _NSLOT]
        ssem = refs[1 + 6 * _NSLOT:1 + 7 * _NSLOT]
        c = lax.axis_index("c")
        s = lax.axis_index("s")
        wid = c * _NS + s
        ebase = wid * _TCH * _CH2
        pltpu.sync_copy(zeros_ref, acc.at[pl.ds(s * _RT, _RT)])
        plsc.subcore_barrier()

        def cidx(k):
            return col_ref.at[pl.ds(ebase + k * _CH2, _CH2)]

        def ridx(k):
            return row_ref.at[pl.ds(ebase + k * _CH2, _CH2)]

        for j in range(_NSLOT):
            pltpu.async_copy(cidx(j), cs[j], csem[j])
            pltpu.async_copy(ridx(j), rs[j], rsem[j])
        for j in range(_NSLOT):
            pltpu.make_async_copy(cidx(j), cs[j], csem[j]).wait()
            pltpu.async_copy(tab_ref.at[cs[j]], bufs[j], gsem[j])

        ngroups = _TCH // _NSLOT

        def body(g, carry):
            k0 = g * _NSLOT
            kn = k0 + _NSLOT
            for j in range(_NSLOT):
                pltpu.make_async_copy(tab_ref.at[cs[j]], bufs[j],
                                      gsem[j]).wait()

                @pl.when(g + 1 < ngroups)
                def _():
                    pltpu.async_copy(cidx(kn + j), cs[j], csem[j])

                pltpu.make_async_copy(ridx(k0 + j), rs[j], rsem[j]).wait()
                pltpu.async_copy(bufs[j], acc.at[rs[j]], ssem[j],
                                 add=True)

            @pl.when(g + 1 < ngroups)
            def _():
                for j in range(_NSLOT):
                    pltpu.make_async_copy(bufs[j], acc.at[rs[j]],
                                          ssem[j]).wait()
                    pltpu.async_copy(ridx(kn + j), rs[j], rsem[j])
                    pltpu.make_async_copy(cidx(kn + j), cs[j],
                                          csem[j]).wait()
                    pltpu.async_copy(tab_ref.at[cs[j]], bufs[j], gsem[j])

            return carry

        lax.fori_loop(0, ngroups, body, 0)
        for j in range(_NSLOT):
            pltpu.make_async_copy(bufs[j], acc.at[rs[j]], ssem[j]).wait()
        plsc.subcore_barrier()
        pltpu.sync_copy(acc.at[pl.ds(s * _RT, _RT)],
                        out_ref.at[c, pl.ds(s * _RT, _RT)])

    return hop_kernel(row, col, table, zeros_hbm)



def _scale_body(degp_ref, x_ref, u_ref, degv_ref):
    deg = jnp.sum(degp_ref[...], axis=1, keepdims=True) + 1.0
    degv_ref[...] = jnp.broadcast_to(deg, degv_ref.shape)
    dis = lax.rsqrt(deg)
    i = pl.program_id(0)
    rows = i * _RB + lax.broadcasted_iota(jnp.int32, (_RB, 1), 0)
    valid = rows < _N
    u_ref[...] = jnp.where(valid, x_ref[...] * dis, 0.0)


def _scale_call(degp_t, x):
    return pl.pallas_call(
        _scale_body,
        grid=(_NP // _RB,),
        in_specs=[
            pl.BlockSpec((_RB, _NC * _NS), lambda i: (i, 0)),
            pl.BlockSpec((_RB, _D), lambda i: (i, 0)),
        ],
        out_specs=[
            pl.BlockSpec((_RB, _D), lambda i: (i, 0)),
            pl.BlockSpec((_RB, _DW), lambda i: (i, 0)),
        ],
        out_shape=[
            jax.ShapeDtypeStruct((_NP, _D), jnp.float32),
            jax.ShapeDtypeStruct((_NP, _DW), jnp.float32),
        ],
    )(degp_t, x)


def _mid_body(p_ref, u_ref, degv_ref, v_ref):
    full = p_ref[0] + p_ref[1] + u_ref[...]
    dis = lax.rsqrt(degv_ref[:, 0:1])
    v_ref[...] = full * (dis * dis)


def _mid_call(p, u, degv):
    return pl.pallas_call(
        _mid_body,
        grid=(_NP // _RB,),
        in_specs=[
            pl.BlockSpec((_NC, _RB, _D), lambda i: (0, i, 0)),
            pl.BlockSpec((_RB, _D), lambda i: (i, 0)),
            pl.BlockSpec((_RB, _DW), lambda i: (i, 0)),
        ],
        out_specs=pl.BlockSpec((_RB, _D), lambda i: (i, 0)),
        out_shape=jax.ShapeDtypeStruct((_NP, _D), jnp.float32),
    )(p, u, degv)


def _mlp_body(q_ref, v_ref, degv_ref, W1_ref, sc1_ref, W2_ref, sc2_ref,
              W3_ref, b3_ref, out_ref):
    dis = lax.rsqrt(degv_ref[:, 0:1])
    h = (q_ref[0] + q_ref[1] + v_ref[...]) * dis
    z = jnp.dot(h, W1_ref[...], preferred_element_type=jnp.float32)
    z = jnp.maximum(z * sc1_ref[0:1, :] + sc1_ref[1:2, :], 0.0)
    z = jnp.dot(z, W2_ref[...], preferred_element_type=jnp.float32)
    z = jnp.maximum(z * sc2_ref[0:1, :] + sc2_ref[1:2, :], 0.0)
    z = jnp.dot(z, W3_ref[...], preferred_element_type=jnp.float32)
    out_ref[...] = z + b3_ref[...]


def _mlp_call(q, v, degv, W1, sc1, W2, sc2, W3, b3row):
    h1 = W1.shape[1]
    h2 = W2.shape[1]
    no = W3.shape[1]
    return pl.pallas_call(
        _mlp_body,
        grid=(_NP // _RB,),
        in_specs=[
            pl.BlockSpec((_NC, _RB, _D), lambda i: (0, i, 0)),
            pl.BlockSpec((_RB, _D), lambda i: (i, 0)),
            pl.BlockSpec((_RB, _DW), lambda i: (i, 0)),
            pl.BlockSpec((_D, h1), lambda i: (0, 0)),
            pl.BlockSpec((2, h1), lambda i: (0, 0)),
            pl.BlockSpec((h1, h2), lambda i: (0, 0)),
            pl.BlockSpec((2, h2), lambda i: (0, 0)),
            pl.BlockSpec((h2, no), lambda i: (0, 0)),
            pl.BlockSpec((1, no), lambda i: (0, 0)),
        ],
        out_specs=pl.BlockSpec((_RB, no), lambda i: (i, 0)),
        out_shape=jax.ShapeDtypeStruct((_NP, no), jnp.float32),
    )(q, v, degv, W1, sc1, W2, sc2, W3, b3row)



def kernel(x, edge_index, W1, b1, g1, be1, rm1, rv1, W2, b2, g2, be2,
           rm2, rv2, W3, b3):
    row = edge_index[0]
    col = edge_index[1]
    pad_idx = _N + (jnp.arange(_EP - _E, dtype=jnp.int32) % (_NP - _N))
    row_pad = jnp.concatenate([row, pad_idx])
    col_pad = jnp.concatenate([col, pad_idx])

    zeros_d = jnp.zeros((_RT, _D), jnp.float32)

    a1 = g1 / jnp.sqrt(rv1 + _EPS)
    c1 = (b1 - rm1) * a1 + be1
    a2 = g2 / jnp.sqrt(rv2 + _EPS)
    c2 = (b2 - rm2) * a2 + be2
    sc1 = jnp.stack([a1, c1])
    sc2 = jnp.stack([a2, c2])
    b3row = b3.reshape(1, -1)

    degp = _deg_call(col)
    u, degv = _scale_call(degp.T, x)
    p = _hop_call(row_pad, col_pad, u, zeros_d)
    v = _mid_call(p, u, degv)
    q = _hop_call(row_pad, col_pad, v, zeros_d)
    logits = _mlp_call(q, v, degv, W1, sc1, W2, sc2, W3, b3row)
    return logits[:_N]

# --- scband reference (transcript-rebuilt; emitter-appended) ---
"""Pipeline reference for scband-sgc-b-39170101740081 (READ-ONLY COPY).

The authoritative reference and input builder live on the scoring server;
editing this copy changes nothing except your own understanding.
"""

import jax, jax.numpy as jnp
import numpy as np

N = 10000
E = 320000
D = 128
H = 256
K = 2
EPS = 1e-5


def setup_inputs(seed: int = 0) -> dict:
    key = jax.random.key(seed)
    ks = jax.random.split(key, 8)
    x = jax.random.normal(ks[0], (N, D), dtype=jnp.float32)
    edge_index = jax.random.randint(ks[1], (2, E), 0, N, dtype=jnp.int32)
    # MLP parameters (Linear uses (in, out) layout here)
    W1 = jax.random.normal(ks[2], (D, H), dtype=jnp.float32) * (1.0 / np.sqrt(D))
    b1 = jnp.zeros((H,), dtype=jnp.float32)
    g1 = jnp.ones((H,), dtype=jnp.float32)
    be1 = jnp.zeros((H,), dtype=jnp.float32)
    rm1 = jnp.zeros((H,), dtype=jnp.float32)
    rv1 = jnp.ones((H,), dtype=jnp.float32)
    W2 = jax.random.normal(ks[3], (H, H // 2), dtype=jnp.float32) * (1.0 / np.sqrt(H))
    b2 = jnp.zeros((H // 2,), dtype=jnp.float32)
    g2 = jnp.ones((H // 2,), dtype=jnp.float32)
    be2 = jnp.zeros((H // 2,), dtype=jnp.float32)
    rm2 = jnp.zeros((H // 2,), dtype=jnp.float32)
    rv2 = jnp.ones((H // 2,), dtype=jnp.float32)
    W3 = jax.random.normal(ks[4], (H // 2, 2), dtype=jnp.float32) * (1.0 / np.sqrt(H // 2))
    b3 = jnp.zeros((2,), dtype=jnp.float32)
    return {"x": x, "edge_index": edge_index,
            "W1": W1, "b1": b1, "g1": g1, "be1": be1, "rm1": rm1, "rv1": rv1,
            "W2": W2, "b2": b2, "g2": g2, "be2": be2, "rm2": rm2, "rv2": rv2,
            "W3": W3, "b3": b3}


def _bn(h, g, b, rm, rv):
    return (h - rm) / jnp.sqrt(rv + EPS) * g + b


def _precompute_sgc(x, edge_index):
    row = edge_index[0]
    col = edge_index[1]
    loop = jnp.arange(N, dtype=row.dtype)
    row = jnp.concatenate([row, loop])
    col = jnp.concatenate([col, loop])
    ones = jnp.ones(row.shape[0], dtype=jnp.float32)
    deg = jnp.zeros((N,), dtype=jnp.float32).at[col].add(ones)
    deg_inv_sqrt = jnp.where(deg > 0, deg ** -0.5, 0.0)
    w = deg_inv_sqrt[row] * deg_inv_sqrt[col]
    h = x.astype(jnp.float32)
    for _ in range(K):
        h = jnp.zeros((N, h.shape[1]), dtype=jnp.float32).at[row].add(w[:, None] * h[col])
    # original stores propagated features in fp16 then upcasts for the MLP
    return h.astype(jnp.float16).astype(jnp.float32)


def reference(x, edge_index, W1, b1, g1, be1, rm1, rv1, W2, b2, g2, be2, rm2, rv2, W3, b3):
    h = _precompute_sgc(x, edge_index)
    h = jax.nn.relu(_bn(h @ W1 + b1, g1, be1, rm1, rv1))
    h = jax.nn.relu(_bn(h @ W2 + b2, g2, be2, rm2, rv2))
    logits = h @ W3 + b3
    return logits

if __name__ == "__main__":
    import jax
    _d = setup_inputs()
    print(jax.jit(kernel)(*tuple(_d.values())))

</pallas_src>

<mosaic_0001>
#map = affine_map<(d0, d1) -> (0)>
#map1 = affine_map<(d0, d1) -> (0, 0)>
module attributes {stable_mosaic.version = 14 : i64} {
  func.func @deg_kernel(%arg0: i32, %arg1: i32, %arg2: memref<320000xi32, #tpu.memory_space<hbm>>, %arg3: memref<32x10240xf32, #tpu.memory_space<hbm>>, %arg4: memref<10000xi32, #tpu.memory_space<vmem>>, %arg5: memref<10240xf32, #tpu.memory_space<vmem>>) attributes {dimension_semantics = [#tpu.dimension_semantics<core_parallel>, #tpu.dimension_semantics<subcore_parallel>], iteration_bounds = array<i64: 2, 16>, scalar_prefetch = 0 : i64, scratch_operands = 2 : i64, tpu.core_type = #tpu.core_type<sc_vector_subcore>, window_params = [{transform_indices = #map}, {transform_indices = #map1}]} {
    %mul3A = arith.constant 16 : i32
    %mul3A_0 = arith.muli %arg0, %mul3A : i32
    %add3A = arith.addi %mul3A_0, %arg1 : i32
    %mul3A_1 = arith.constant 10000 : i32
    %mul3A_2 = arith.muli %add3A, %mul3A_1 : i32
    "tpu.region"() ({
      %run_scoped3A = tpu.sem_alloc : memref<!tpu.dma_semaphore, #tpu.memory_space<semaphore_mem>>
      %dma_start3A = tpu.memref_slice %arg2[%mul3A_2] : memref<320000xi32, #tpu.memory_space<hbm>> -> memref<10000xi32, #tpu.memory_space<hbm>>
      %dma_start3A_17 = tpu.memref_slice %arg2[%mul3A_2] : memref<320000xi32, #tpu.memory_space<hbm>> -> memref<10000xi32, #tpu.memory_space<hbm>>
      tpu.enqueue_dma source(%dma_start3A_17 : memref<10000xi32, #tpu.memory_space<hbm>>) target(%arg4 : memref<10000xi32, #tpu.memory_space<vmem>>) target_semaphore(%run_scoped3A : memref<!tpu.dma_semaphore, #tpu.memory_space<semaphore_mem>>)
      %dma_wait3A = tpu.memref_slice %arg2[%mul3A_2] : memref<320000xi32, #tpu.memory_space<hbm>> -> memref<10000xi32, #tpu.memory_space<hbm>>
      %dma_wait3A_18 = tpu.memref_slice %arg2[%mul3A_2] : memref<320000xi32, #tpu.memory_space<hbm>> -> memref<10000xi32, #tpu.memory_space<hbm>>
      tpu.wait_dma2 semaphore(%run_scoped3A : memref<!tpu.dma_semaphore, #tpu.memory_space<semaphore_mem>>) src(%dma_wait3A_18 : memref<10000xi32, #tpu.memory_space<hbm>>) dst(%arg4 : memref<10000xi32, #tpu.memory_space<vmem>>)
      tpu.yield
    }) : () -> ()
    %broadcast_in_dim3A = arith.constant 0.000000e+00 : f32
    %broadcast_in_dim3A_3 = vector.broadcast %broadcast_in_dim3A : f32 to vector<16xf32>
    %broadcast_in_dim3A_4 = arith.constant 1.000000e+00 : f32
    %broadcast_in_dim3A_5 = vector.broadcast %broadcast_in_dim3A_4 : f32 to vector<16xf32>
    %scan3A = arith.constant 0 : i32
    %scan3A_6 = arith.constant 0 : i32
    %scan3A_7 = arith.constant 640 : i32
    %scan3A_8 = arith.addi %scan3A_6, %scan3A_7 : i32
    %scan3A_9 = arith.constant 1 : i32
    scf.for %scan3A_17 = %scan3A_6 to %scan3A_8 step %scan3A_9  : i32 {
      %mul3A_18 = arith.constant 16 : i32
      %mul3A_19 = arith.muli %scan3A_17, %mul3A_18 : i32
      %swap3A = arith.index_cast %mul3A_19 : i32 to index
      %swap3A_20 = tpu.vector_load %arg5[%swap3A] {strides = array<i32>} : memref<10240xf32, #tpu.memory_space<vmem>>, vector<16xf32>,
      tpu.vector_store %arg5[%swap3A], %broadcast_in_dim3A_3 {strides = array<i32>} : memref<10240xf32, #tpu.memory_space<vmem>>, vector<16xf32>,
    }
    %scan3A_10 = arith.constant 640 : i32
    %scan3A_11 = arith.constant 0 : i32
    %scan3A_12 = arith.constant 0 : i32
    %scan3A_13 = arith.constant 625 : i32
    %scan3A_14 = arith.addi %scan3A_12, %scan3A_13 : i32
    %scan3A_15 = arith.constant 1 : i32
    scf.for %scan3A_17 = %scan3A_12 to %scan3A_14 step %scan3A_15  : i32 {
      %mul3A_18 = arith.constant 16 : i32
      %mul3A_19 = arith.muli %scan3A_17, %mul3A_18 : i32
      %get3A = arith.index_cast %mul3A_19 : i32 to index
      %get3A_20 = tpu.vector_load %arg4[%get3A] {strides = array<i32>} : memref<10000xi32, #tpu.memory_space<vmem>>, vector<16xi32>,
      tpu.vector_store_idx %arg5[%get3A_20], %broadcast_in_dim3A_5 {add = true} : memref<10240xf32, #tpu.memory_space<vmem>>[vector<16xi32>], vector<16xf32>,
    }
    %scan3A_16 = arith.constant 625 : i32
    "tpu.region"() ({
      %run_scoped3A = tpu.sem_alloc : memref<!tpu.dma_semaphore, #tpu.memory_space<semaphore_mem>>
      %dma_start3A = arith.constant 0 : i32
      %dma_start3A_17 = tpu.memref_slice %arg3[%add3A, %dma_start3A] : memref<32x10240xf32, #tpu.memory_space<hbm>> -> memref<1x10240xf32, #tpu.memory_space<hbm>>
      %dma_start3A_18 = tpu.memref_squeeze %dma_start3A_17 : memref<1x10240xf32, #tpu.memory_space<hbm>> -> memref<10240xf32, #tpu.memory_space<hbm>>
      %dma_start3A_19 = arith.constant 0 : i32
      %dma_start3A_20 = tpu.memref_slice %arg3[%add3A, %dma_start3A_19] : memref<32x10240xf32, #tpu.memory_space<hbm>> -> memref<1x10240xf32, #tpu.memory_space<hbm>>
      %dma_start3A_21 = tpu.memref_squeeze %dma_start3A_20 : memref<1x10240xf32, #tpu.memory_space<hbm>> -> memref<10240xf32, #tpu.memory_space<hbm>>
      tpu.enqueue_dma source(%arg5 : memref<10240xf32, #tpu.memory_space<vmem>>) target(%dma_start3A_21 : memref<10240xf32, #tpu.memory_space<hbm>>) target_semaphore(%run_scoped3A : memref<!tpu.dma_semaphore, #tpu.memory_space<semaphore_mem>>)
      %dma_wait3A = arith.constant 0 : i32
      %dma_wait3A_22 = tpu.memref_slice %arg3[%add3A, %dma_wait3A] : memref<32x10240xf32, #tpu.memory_space<hbm>> -> memref<1x10240xf32, #tpu.memory_space<hbm>>
      %dma_wait3A_23 = tpu.memref_squeeze %dma_wait3A_22 : memref<1x10240xf32, #tpu.memory_space<hbm>> -> memref<10240xf32, #tpu.memory_space<hbm>>
      %dma_wait3A_24 = arith.constant 0 : i32
      %dma_wait3A_25 = tpu.memref_slice %arg3[%add3A, %dma_wait3A_24] : memref<32x10240xf32, #tpu.memory_space<hbm>> -> memref<1x10240xf32, #tpu.memory_space<hbm>>
      %dma_wait3A_26 = tpu.memref_squeeze %dma_wait3A_25 : memref<1x10240xf32, #tpu.memory_space<hbm>> -> memref<10240xf32, #tpu.memory_space<hbm>>
      tpu.wait_dma2 semaphore(%run_scoped3A : memref<!tpu.dma_semaphore, #tpu.memory_space<semaphore_mem>>) src(%arg5 : memref<10240xf32, #tpu.memory_space<vmem>>) dst(%dma_wait3A_26 : memref<10240xf32, #tpu.memory_space<hbm>>)
      tpu.yield
    }) : () -> ()
    return
  }
}

#map = affine_map<(d0, d1) -> (0)>
#map1 = affine_map<(d0, d1) -> (0, 0)>
#map2 = affine_map<(d0, d1) -> (0, 0, 0)>
module attributes {stable_mosaic.version = 14 : i64} {
  func.func @hop_kernel(%arg0: i32, %arg1: i32, %arg2: memref<327680xi32, #tpu.memory_space<hbm>>, %arg3: memref<327680xi32, #tpu.memory_space<hbm>>, %arg4: memref<10240x128xf32, #tpu.memory_space<hbm>>, %arg5: memref<640x128xf32, #tpu.memory_space<hbm>>, %arg6: memref<2x10240x128xf32, #tpu.memory_space<hbm>>, %arg7: memref<64xi32, #tpu.memory_space<vmem>>, %arg8: memref<64xi32, #tpu.memory_space<vmem>>, %arg9: memref<64xi32, #tpu.memory_space<vmem>>, %arg10: memref<64xi32, #tpu.memory_space<vmem>>, %arg11: memref<64xi32, #tpu.memory_space<vmem>>, %arg12: memref<64xi32, #tpu.memory_space<vmem>>, %arg13: memref<64xi32, #tpu.memory_space<vmem>>, %arg14: memref<64xi32, #tpu.memory_space<vmem>>, %arg15: memref<64xi32, #tpu.memory_space<vmem>>, %arg16: memref<64xi32, #tpu.memory_space<vmem>>, %arg17: memref<64x128xf32, #tpu.memory_space<vmem>>, %arg18: memref<64x128xf32, #tpu.memory_space<vmem>>, %arg19: memref<64x128xf32, #tpu.memory_space<vmem>>, %arg20: memref<64x128xf32, #tpu.memory_space<vmem>>, %arg21: memref<64x128xf32, #tpu.memory_space<vmem>>, %arg22: memref<10240x128xf32, #tpu.memory_space<vmem_shared>>, %arg23: memref<!tpu.dma_semaphore, #tpu.memory_space<semaphore_mem>>, %arg24: memref<!tpu.dma_semaphore, #tpu.memory_space<semaphore_mem>>, %arg25: memref<!tpu.dma_semaphore, #tpu.memory_space<semaphore_mem>>, %arg26: memref<!tpu.dma_semaphore, #tpu.memory_space<semaphore_mem>>, %arg27: memref<!tpu.dma_semaphore, #tpu.memory_space<semaphore_mem>>, %arg28: memref<!tpu.dma_semaphore, #tpu.memory_space<semaphore_mem>>, %arg29: memref<!tpu.dma_semaphore, #tpu.memory_space<semaphore_mem>>, %arg30: memref<!tpu.dma_semaphore, #tpu.memory_space<semaphore_mem>>, %arg31: memref<!tpu.dma_semaphore, #tpu.memory_space<semaphore_mem>>, %arg32: memref<!tpu.dma_semaphore, #tpu.memory_space<semaphore_mem>>, %arg33: memref<!tpu.dma_semaphore, #tpu.memory_space<semaphore_mem>>, %arg34: memref<!tpu.dma_semaphore, #tpu.memory_space<semaphore_mem>>, %arg35: memref<!tpu.dma_semaphore, #tpu.memory_space<semaphore_mem>>, %arg36: memref<!tpu.dma_semaphore, #tpu.memory_space<semaphore_mem>>, %arg37: memref<!tpu.dma_semaphore, #tpu.memory_space<semaphore_mem>>, %arg38: memref<!tpu.dma_semaphore, #tpu.memory_space<semaphore_mem>>, %arg39: memref<!tpu.dma_semaphore, #tpu.memory_space<semaphore_mem>>, %arg40: memref<!tpu.dma_semaphore, #tpu.memory_space<semaphore_mem>>, %arg41: memref<!tpu.dma_semaphore, #tpu.memory_space<semaphore_mem>>, %arg42: memref<!tpu.dma_semaphore, #tpu.memory_space<semaphore_mem>>) attributes {dimension_semantics = [#tpu.dimension_semantics<core_parallel>, #tpu.dimension_semantics<subcore_parallel>], iteration_bounds = array<i64: 2, 16>, scalar_prefetch = 0 : i64, scratch_operands = 36 : i64, tpu.core_type = #tpu.core_type<sc_vector_subcore>, window_params = [{transform_indices = #map}, {transform_indices = #map}, {transform_indices = #map1}, {transform_indices = #map1}, {transform_indices = #map2}]} {
    %mul3A = arith.constant 16 : i32
    %mul3A_0 = arith.muli %arg0, %mul3A : i32
    %add3A = arith.addi %mul3A_0, %arg1 : i32
    %mul3A_1 = arith.constant 160 : i32
    %mul3A_2 = arith.muli %add3A, %mul3A_1 : i32
    %mul3A_3 = arith.constant 64 : i32
    %mul3A_4 = arith.muli %mul3A_2, %mul3A_3 : i32
    %mul3A_5 = arith.constant 640 : i32
    %mul3A_6 = arith.muli %arg1, %mul3A_5 : i32
    "tpu.region"() ({
      %run_scoped3A = tpu.sem_alloc : memref<!tpu.dma_semaphore, #tpu.memory_space<semaphore_mem>>
      %dma_start3A_105 = arith.constant 0 : i32
      %dma_start3A_106 = tpu.memref_slice %arg22[%mul3A_6, %dma_start3A_105] : memref<10240x128xf32, #tpu.memory_space<vmem_shared>> -> memref<640x128xf32, #tpu.memory_space<vmem_shared>>
      tpu.enqueue_dma source(%arg5 : memref<640x128xf32, #tpu.memory_space<hbm>>) target(%dma_start3A_106 : memref<640x128xf32, #tpu.memory_space<vmem_shared>>) target_semaphore(%run_scoped3A : memref<!tpu.dma_semaphore, #tpu.memory_space<semaphore_mem>>)
      %dma_wait3A_107 = arith.constant 0 : i32
      %dma_wait3A_108 = tpu.memref_slice %arg22[%mul3A_6, %dma_wait3A_107] : memref<10240x128xf32, #tpu.memory_space<vmem_shared>> -> memref<640x128xf32, #tpu.memory_space<vmem_shared>>
      tpu.wait_dma2 semaphore(%run_scoped3A : memref<!tpu.dma_semaphore, #tpu.memory_space<semaphore_mem>>) src(%arg5 : memref<640x128xf32, #tpu.memory_space<hbm>>) dst(%dma_wait3A_108 : memref<640x128xf32, #tpu.memory_space<vmem_shared>>)
      tpu.yield
    }) : () -> ()
    %barrier3A = arith.constant 0 : index
    tpu.barrier barrier_id(%barrier3A)
    %add3A_7 = arith.constant 0 : i32
    %add3A_8 = arith.addi %mul3A_4, %add3A_7 : i32
    %dma_start3A = tpu.memref_slice %arg3[%add3A_8] : memref<327680xi32, #tpu.memory_space<hbm>> -> memref<64xi32, #tpu.memory_space<hbm>>
    %dma_start3A_9 = tpu.memref_slice %arg3[%add3A_8] : memref<327680xi32, #tpu.memory_space<hbm>> -> memref<64xi32, #tpu.memory_space<hbm>>
    tpu.enqueue_dma source(%dma_start3A_9 : memref<64xi32, #tpu.memory_space<hbm>>) target(%arg7 : memref<64xi32, #tpu.memory_space<vmem>>) target_semaphore(%arg23 : memref<!tpu.dma_semaphore, #tpu.memory_space<semaphore_mem>>)
    %add3A_10 = arith.constant 0 : i32
    %add3A_11 = arith.addi %mul3A_4, %add3A_10 : i32
    %dma_start3A_12 = tpu.memref_slice %arg2[%add3A_11] : memref<327680xi32, #tpu.memory_space<hbm>> -> memref<64xi32, #tpu.memory_space<hbm>>
    %dma_start3A_13 = tpu.memref_slice %arg2[%add3A_11] : memref<327680xi32, #tpu.memory_space<hbm>> -> memref<64xi32, #tpu.memory_space<hbm>>
    tpu.enqueue_dma source(%dma_start3A_13 : memref<64xi32, #tpu.memory_space<hbm>>) target(%arg12 : memref<64xi32, #tpu.memory_space<vmem>>) target_semaphore(%arg33 : memref<!tpu.dma_semaphore, #tpu.memory_space<semaphore_mem>>)
    %add3A_14 = arith.constant 64 : i32
    %add3A_15 = arith.addi %mul3A_4, %add3A_14 : i32
    %dma_start3A_16 = tpu.memref_slice %arg3[%add3A_15] : memref<327680xi32, #tpu.memory_space<hbm>> -> memref<64xi32, #tpu.memory_space<hbm>>
    %dma_start3A_17 = tpu.memref_slice %arg3[%add3A_15] : memref<327680xi32, #tpu.memory_space<hbm>> -> memref<64xi32, #tpu.memory_space<hbm>>
    tpu.enqueue_dma source(%dma_start3A_17 : memref<64xi32, #tpu.memory_space<hbm>>) target(%arg8 : memref<64xi32, #tpu.memory_space<vmem>>) target_semaphore(%arg24 : memref<!tpu.dma_semaphore, #tpu.memory_space<semaphore_mem>>)
    %add3A_18 = arith.constant 64 : i32
    %add3A_19 = arith.addi %mul3A_4, %add3A_18 : i32
    %dma_start3A_20 = tpu.memref_slice %arg2[%add3A_19] : memref<327680xi32, #tpu.memory_space<hbm>> -> memref<64xi32, #tpu.memory_space<hbm>>
    %dma_start3A_21 = tpu.memref_slice %arg2[%add3A_19] : memref<327680xi32, #tpu.memory_space<hbm>> -> memref<64xi32, #tpu.memory_space<hbm>>
    tpu.enqueue_dma source(%dma_start3A_21 : memref<64xi32, #tpu.memory_space<hbm>>) target(%arg13 : memref<64xi32, #tpu.memory_space<vmem>>) target_semaphore(%arg34 : memref<!tpu.dma_semaphore, #tpu.memory_space<semaphore_mem>>)
    %add3A_22 = arith.constant 128 : i32
    %add3A_23 = arith.addi %mul3A_4, %add3A_22 : i32
    %dma_start3A_24 = tpu.memref_slice %arg3[%add3A_23] : memref<327680xi32, #tpu.memory_space<hbm>> -> memref<64xi32, #tpu.memory_space<hbm>>
    %dma_start3A_25 = tpu.memref_slice %arg3[%add3A_23] : memref<327680xi32, #tpu.memory_space<hbm>> -> memref<64xi32, #tpu.memory_space<hbm>>
    tpu.enqueue_dma source(%dma_start3A_25 : memref<64xi32, #tpu.memory_space<hbm>>) target(%arg9 : memref<64xi32, #tpu.memory_space<vmem>>) target_semaphore(%arg25 : memref<!tpu.dma_semaphore, #tpu.memory_space<semaphore_mem>>)
    %add3A_26 = arith.constant 128 : i32
    %add3A_27 = arith.addi %mul3A_4, %add3A_26 : i32
    %dma_start3A_28 = tpu.memref_slice %arg2[%add3A_27] : memref<327680xi32, #tpu.memory_space<hbm>> -> memref<64xi32, #tpu.memory_space<hbm>>
    %dma_start3A_29 = tpu.memref_slice %arg2[%add3A_27] : memref<327680xi32, #tpu.memory_space<hbm>> -> memref<64xi32, #tpu.memory_space<hbm>>
    tpu.enqueue_dma source(%dma_start3A_29 : memref<64xi32, #tpu.memory_space<hbm>>) target(%arg14 : memref<64xi32, #tpu.memory_space<vmem>>) target_semaphore(%arg35 : memref<!tpu.dma_semaphore, #tpu.memory_space<semaphore_mem>>)
    %add3A_30 = arith.constant 192 : i32
    %add3A_31 = arith.addi %mul3A_4, %add3A_30 : i32
    %dma_start3A_32 = tpu.memref_slice %arg3[%add3A_31] : memref<327680xi32, #tpu.memory_space<hbm>> -> memref<64xi32, #tpu.memory_space<hbm>>
    %dma_start3A_33 = tpu.memref_slice %arg3[%add3A_31] : memref<327680xi32, #tpu.memory_space<hbm>> -> memref<64xi32, #tpu.memory_space<hbm>>
    tpu.enqueue_dma source(%dma_start3A_33 : memref<64xi32, #tpu.memory_space<hbm>>) target(%arg10 : memref<64xi32, #tpu.memory_space<vmem>>) target_semaphore(%arg26 : memref<!tpu.dma_semaphore, #tpu.memory_space<semaphore_mem>>)
    %add3A_34 = arith.constant 192 : i32
    %add3A_35 = arith.addi %mul3A_4, %add3A_34 : i32
    %dma_start3A_36 = tpu.memref_slice %arg2[%add3A_35] : memref<327680xi32, #tpu.memory_space<hbm>> -> memref<64xi32, #tpu.memory_space<hbm>>
    %dma_start3A_37 = tpu.memref_slice %arg2[%add3A_35] : memref<327680xi32, #tpu.memory_space<hbm>> -> memref<64xi32, #tpu.memory_space<hbm>>
    tpu.enqueue_dma source(%dma_start3A_37 : memref<64xi32, #tpu.memory_space<hbm>>) target(%arg15 : memref<64xi32, #tpu.memory_space<vmem>>) target_semaphore(%arg36 : memref<!tpu.dma_semaphore, #tpu.memory_space<semaphore_mem>>)
    %add3A_38 = arith.constant 256 : i32
    %add3A_39 = arith.addi %mul3A_4, %add3A_38 : i32
    %dma_start3A_40 = tpu.memref_slice %arg3[%add3A_39] : memref<327680xi32, #tpu.memory_space<hbm>> -> memref<64xi32, #tpu.memory_space<hbm>>
    %dma_start3A_41 = tpu.memref_slice %arg3[%add3A_39] : memref<327680xi32, #tpu.memory_space<hbm>> -> memref<64xi32, #tpu.memory_space<hbm>>
    tpu.enqueue_dma source(%dma_start3A_41 : memref<64xi32, #tpu.memory_space<hbm>>) target(%arg11 : memref<64xi32, #tpu.memory_space<vmem>>) target_semaphore(%arg27 : memref<!tpu.dma_semaphore, #tpu.memory_space<semaphore_mem>>)
    %add3A_42 = arith.constant 256 : i32
    %add3A_43 = arith.addi %mul3A_4, %add3A_42 : i32
    %dma_start3A_44 = tpu.memref_slice %arg2[%add3A_43] : memref<327680xi32, #tpu.memory_space<hbm>> -> memref<64xi32, #tpu.memory_space<hbm>>
    %dma_start3A_45 = tpu.memref_slice %arg2[%add3A_43] : memref<327680xi32, #tpu.memory_space<hbm>> -> memref<64xi32, #tpu.memory_space<hbm>>
    tpu.enqueue_dma source(%dma_start3A_45 : memref<64xi32, #tpu.memory_space<hbm>>) target(%arg16 : memref<64xi32, #tpu.memory_space<vmem>>) target_semaphore(%arg37 : memref<!tpu.dma_semaphore, #tpu.memory_space<semaphore_mem>>)
    %add3A_46 = arith.constant 0 : i32
    %add3A_47 = arith.addi %mul3A_4, %add3A_46 : i32
    %dma_wait3A = tpu.memref_slice %arg3[%add3A_47] : memref<327680xi32, #tpu.memory_space<hbm>> -> memref<64xi32, #tpu.memory_space<hbm>>
    %dma_wait3A_48 = tpu.memref_slice %arg3[%add3A_47] : memref<327680xi32, #tpu.memory_space<hbm>> -> memref<64xi32, #tpu.memory_space<hbm>>
    tpu.wait_dma2 semaphore(%arg23 : memref<!tpu.dma_semaphore, #tpu.memory_space<semaphore_mem>>) src(%dma_wait3A_48 : memref<64xi32, #tpu.memory_space<hbm>>) dst(%arg7 : memref<64xi32, #tpu.memory_space<vmem>>)
    %dma_start3A_49 = arith.constant 0 : i32
    %dma_start3A_50 = arith.constant 0 : i32
    %dma_start3A_51 = tpu.memref_slice %arg4[%dma_start3A_49, %dma_start3A_50] : memref<10240x128xf32, #tpu.memory_space<hbm>> -> memref<10240x128xf32, #tpu.memory_space<hbm>>
    tpu.enqueue_indirect_dma source(%dma_start3A_51 : memref<10240x128xf32, #tpu.memory_space<hbm>>) target(%arg17 : memref<64x128xf32, #tpu.memory_space<vmem>>) offsets(%arg7 : memref<64xi32, #tpu.memory_space<vmem>>) semaphore(%arg28 : memref<!tpu.dma_semaphore, #tpu.memory_space<semaphore_mem>>)
    %add3A_52 = arith.constant 64 : i32
    %add3A_53 = arith.addi %mul3A_4, %add3A_52 : i32
    %dma_wait3A_54 = tpu.memref_slice %arg3[%add3A_53] : memref<327680xi32, #tpu.memory_space<hbm>> -> memref<64xi32, #tpu.memory_space<hbm>>
    %dma_wait3A_55 = tpu.memref_slice %arg3[%add3A_53] : memref<327680xi32, #tpu.memory_space<hbm>> -> memref<64xi32, #tpu.memory_space<hbm>>
    tpu.wait_dma2 semaphore(%arg24 : memref<!tpu.dma_semaphore, #tpu.memory_space<semaphore_mem>>) src(%dma_wait3A_55 : memref<64xi32, #tpu.memory_space<hbm>>) dst(%arg8 : memref<64xi32, #tpu.memory_space<vmem>>)
    %dma_start3A_56 = arith.constant 0 : i32
    %dma_start3A_57 = arith.constant 0 : i32
    %dma_start3A_58 = tpu.memref_slice %arg4[%dma_start3A_56, %dma_start3A_57] : memref<10240x128xf32, #tpu.memory_space<hbm>> -> memref<10240x128xf32, #tpu.memory_space<hbm>>
    tpu.enqueue_indirect_dma source(%dma_start3A_58 : memref<10240x128xf32, #tpu.memory_space<hbm>>) target(%arg18 : memref<64x128xf32, #tpu.memory_space<vmem>>) offsets(%arg8 : memref<64xi32, #tpu.memory_space<vmem>>) semaphore(%arg29 : memref<!tpu.dma_semaphore, #tpu.memory_space<semaphore_mem>>)
    %add3A_59 = arith.constant 128 : i32
    %add3A_60 = arith.addi %mul3A_4, %add3A_59 : i32
    %dma_wait3A_61 = tpu.memref_slice %arg3[%add3A_60] : memref<327680xi32, #tpu.memory_space<hbm>> -> memref<64xi32, #tpu.memory_space<hbm>>
    %dma_wait3A_62 = tpu.memref_slice %arg3[%add3A_60] : memref<327680xi32, #tpu.memory_space<hbm>> -> memref<64xi32, #tpu.memory_space<hbm>>
    tpu.wait_dma2 semaphore(%arg25 : memref<!tpu.dma_semaphore, #tpu.memory_space<semaphore_mem>>) src(%dma_wait3A_62 : memref<64xi32, #tpu.memory_space<hbm>>) dst(%arg9 : memref<64xi32, #tpu.memory_space<vmem>>)
    %dma_start3A_63 = arith.constant 0 : i32
    %dma_start3A_64 = arith.constant 0 : i32
    %dma_start3A_65 = tpu.memref_slice %arg4[%dma_start3A_63, %dma_start3A_64] : memref<10240x128xf32, #tpu.memory_space<hbm>> -> memref<10240x128xf32, #tpu.memory_space<hbm>>
    tpu.enqueue_indirect_dma source(%dma_start3A_65 : memref<10240x128xf32, #tpu.memory_space<hbm>>) target(%arg19 : memref<64x128xf32, #tpu.memory_space<vmem>>) offsets(%arg9 : memref<64xi32, #tpu.memory_space<vmem>>) semaphore(%arg30 : memref<!tpu.dma_semaphore, #tpu.memory_space<semaphore_mem>>)
    %add3A_66 = arith.constant 192 : i32
    %add3A_67 = arith.addi %mul3A_4, %add3A_66 : i32
    %dma_wait3A_68 = tpu.memref_slice %arg3[%add3A_67] : memref<327680xi32, #tpu.memory_space<hbm>> -> memref<64xi32, #tpu.memory_space<hbm>>
    %dma_wait3A_69 = tpu.memref_slice %arg3[%add3A_67] : memref<327680xi32, #tpu.memory_space<hbm>> -> memref<64xi32, #tpu.memory_space<hbm>>
    tpu.wait_dma2 semaphore(%arg26 : memref<!tpu.dma_semaphore, #tpu.memory_space<semaphore_mem>>) src(%dma_wait3A_69 : memref<64xi32, #tpu.memory_space<hbm>>) dst(%arg10 : memref<64xi32, #tpu.memory_space<vmem>>)
    %dma_start3A_70 = arith.constant 0 : i32
    %dma_start3A_71 = arith.constant 0 : i32
    %dma_start3A_72 = tpu.memref_slice %arg4[%dma_start3A_70, %dma_start3A_71] : memref<10240x128xf32, #tpu.memory_space<hbm>> -> memref<10240x128xf32, #tpu.memory_space<hbm>>
    tpu.enqueue_indirect_dma source(%dma_start3A_72 : memref<10240x128xf32, #tpu.memory_space<hbm>>) target(%arg20 : memref<64x128xf32, #tpu.memory_space<vmem>>) offsets(%arg10 : memref<64xi32, #tpu.memory_space<vmem>>) semaphore(%arg31 : memref<!tpu.dma_semaphore, #tpu.memory_space<semaphore_mem>>)
    %add3A_73 = arith.constant 256 : i32
    %add3A_74 = arith.addi %mul3A_4, %add3A_73 : i32
    %dma_wait3A_75 = tpu.memref_slice %arg3[%add3A_74] : memref<327680xi32, #tpu.memory_space<hbm>> -> memref<64xi32, #tpu.memory_space<hbm>>
    %dma_wait3A_76 = tpu.memref_slice %arg3[%add3A_74] : memref<327680xi32, #tpu.memory_space<hbm>> -> memref<64xi32, #tpu.memory_space<hbm>>
    tpu.wait_dma2 semaphore(%arg27 : memref<!tpu.dma_semaphore, #tpu.memory_space<semaphore_mem>>) src(%dma_wait3A_76 : memref<64xi32, #tpu.memory_space<hbm>>) dst(%arg11 : memref<64xi32, #tpu.memory_space<vmem>>)
    %dma_start3A_77 = arith.constant 0 : i32
    %dma_start3A_78 = arith.constant 0 : i32
    %dma_start3A_79 = tpu.memref_slice %arg4[%dma_start3A_77, %dma_start3A_78] : memref<10240x128xf32, #tpu.memory_space<hbm>> -> memref<10240x128xf32, #tpu.memory_space<hbm>>
    tpu.enqueue_indirect_dma source(%dma_start3A_79 : memref<10240x128xf32, #tpu.memory_space<hbm>>) target(%arg21 : memref<64x128xf32, #tpu.memory_space<vmem>>) offsets(%arg11 : memref<64xi32, #tpu.memory_space<vmem>>) semaphore(%arg32 : memref<!tpu.dma_semaphore, #tpu.memory_space<semaphore_mem>>)
    %scan3A = arith.constant 0 : i32
    %scan3A_80 = arith.constant 0 : i32
    %scan3A_81 = arith.constant 32 : i32
    %scan3A_82 = arith.addi %scan3A_80, %scan3A_81 : i32
    %scan3A_83 = arith.constant 1 : i32
    scf.for %scan3A_105 = %scan3A_80 to %scan3A_82 step %scan3A_83  : i32 {
      %mul3A_106 = arith.constant 5 : i32
      %mul3A_107 = arith.muli %scan3A_105, %mul3A_106 : i32
      %add3A_108 = arith.constant 5 : i32
      %add3A_109 = arith.addi %mul3A_107, %add3A_108 : i32
      %dma_wait3A_110 = arith.constant 0 : i32
      %dma_wait3A_111 = arith.constant 0 : i32
      %dma_wait3A_112 = tpu.memref_slice %arg4[%dma_wait3A_110, %dma_wait3A_111] : memref<10240x128xf32, #tpu.memory_space<hbm>> -> memref<10240x128xf32, #tpu.memory_space<hbm>>
      tpu.wait_indirect_dma semaphore(%arg28 : memref<!tpu.dma_semaphore, #tpu.memory_space<semaphore_mem>>) src(%dma_wait3A_112 : memref<10240x128xf32, #tpu.memory_space<hbm>>) dst(%arg17 : memref<64x128xf32, #tpu.memory_space<vmem>>)
      %add3A_113 = arith.constant 1 : i32
      %add3A_114 = arith.addi %scan3A_105, %add3A_113 : i32
      %lt3A = arith.constant 32 : i32
      %lt3A_115 = arith.cmpi slt, %add3A_114, %lt3A : i32
      %convert_element_type3A = arith.extui %lt3A_115 : i1 to i32
      %cond3A = arith.constant 0 : i32
      %cond3A_116 = arith.cmpi ne, %convert_element_type3A, %cond3A : i32
      scf.if %cond3A_116 {
        %add3A_214 = arith.constant 0 : i32
        %add3A_215 = arith.addi %add3A_109, %add3A_214 : i32
        %mul3A_216 = arith.constant 64 : i32
        %mul3A_217 = arith.muli %add3A_215, %mul3A_216 : i32
        %add3A_218 = arith.addi %mul3A_4, %mul3A_217 : i32
        %dma_start3A_219 = tpu.memref_slice %arg3[%add3A_218] : memref<327680xi32, #tpu.memory_space<hbm>> -> memref<64xi32, #tpu.memory_space<hbm>>
        %dma_start3A_220 = tpu.memref_slice %arg3[%add3A_218] : memref<327680xi32, #tpu.memory_space<hbm>> -> memref<64xi32, #tpu.memory_space<hbm>>
        tpu.enqueue_dma source(%dma_start3A_220 : memref<64xi32, #tpu.memory_space<hbm>>) target(%arg7 : memref<64xi32, #tpu.memory_space<vmem>>) target_semaphore(%arg23 : memref<!tpu.dma_semaphore, #tpu.memory_space<semaphore_mem>>)
      } else {
      }
      %add3A_117 = arith.constant 0 : i32
      %add3A_118 = arith.addi %mul3A_107, %add3A_117 : i32
      %mul3A_119 = arith.constant 64 : i32
      %mul3A_120 = arith.muli %add3A_118, %mul3A_119 : i32
      %add3A_121 = arith.addi %mul3A_4, %mul3A_120 : i32
      %dma_wait3A_122 = tpu.memref_slice %arg2[%add3A_121] : memref<327680xi32, #tpu.memory_space<hbm>> -> memref<64xi32, #tpu.memory_space<hbm>>
      %dma_wait3A_123 = tpu.memref_slice %arg2[%add3A_121] : memref<327680xi32, #tpu.memory_space<hbm>> -> memref<64xi32, #tpu.memory_space<hbm>>
      tpu.wait_dma2 semaphore(%arg33 : memref<!tpu.dma_semaphore, #tpu.memory_space<semaphore_mem>>) src(%dma_wait3A_123 : memref<64xi32, #tpu.memory_space<hbm>>) dst(%arg12 : memref<64xi32, #tpu.memory_space<vmem>>)
      %dma_start3A_124 = arith.constant 0 : i32
      %dma_start3A_125 = arith.constant 0 : i32
      %dma_start3A_126 = tpu.memref_slice %arg22[%dma_start3A_124, %dma_start3A_125] : memref<10240x128xf32, #tpu.memory_space<vmem_shared>> -> memref<10240x128xf32, #tpu.memory_space<vmem_shared>>
      tpu.enqueue_indirect_dma source(%arg17 : memref<64x128xf32, #tpu.memory_space<vmem>>) target(%dma_start3A_126 : memref<10240x128xf32, #tpu.memory_space<vmem_shared>>) offsets(%arg12 : memref<64xi32, #tpu.memory_space<vmem>>) semaphore(%arg38 : memref<!tpu.dma_semaphore, #tpu.memory_space<semaphore_mem>>) {add = true}
      %dma_wait3A_127 = arith.constant 0 : i32
      %dma_wait3A_128 = arith.constant 0 : i32
      %dma_wait3A_129 = tpu.memref_slice %arg4[%dma_wait3A_127, %dma_wait3A_128] : memref<10240x128xf32, #tpu.memory_space<hbm>> -> memref<10240x128xf32, #tpu.memory_space<hbm>>
      tpu.wait_indirect_dma semaphore(%arg29 : memref<!tpu.dma_semaphore, #tpu.memory_space<semaphore_mem>>) src(%dma_wait3A_129 : memref<10240x128xf32, #tpu.memory_space<hbm>>) dst(%arg18 : memref<64x128xf32, #tpu.memory_space<vmem>>)
      %add3A_130 = arith.constant 1 : i32
      %add3A_131 = arith.addi %scan3A_105, %add3A_130 : i32
      %lt3A_132 = arith.constant 32 : i32
      %lt3A_133 = arith.cmpi slt, %add3A_131, %lt3A_132 : i32
      %convert_element_type3A_134 = arith.extui %lt3A_133 : i1 to i32
      %cond3A_135 = arith.constant 0 : i32
      %cond3A_136 = arith.cmpi ne, %convert_element_type3A_134, %cond3A_135 : i32
      scf.if %cond3A_136 {
        %add3A_214 = arith.constant 1 : i32
        %add3A_215 = arith.addi %add3A_109, %add3A_214 : i32
        %mul3A_216 = arith.constant 64 : i32
        %mul3A_217 = arith.muli %add3A_215, %mul3A_216 : i32
        %add3A_218 = arith.addi %mul3A_4, %mul3A_217 : i32
        %dma_start3A_219 = tpu.memref_slice %arg3[%add3A_218] : memref<327680xi32, #tpu.memory_space<hbm>> -> memref<64xi32, #tpu.memory_space<hbm>>
        %dma_start3A_220 = tpu.memref_slice %arg3[%add3A_218] : memref<327680xi32, #tpu.memory_space<hbm>> -> memref<64xi32, #tpu.memory_space<hbm>>
        tpu.enqueue_dma source(%dma_start3A_220 : memref<64xi32, #tpu.memory_space<hbm>>) target(%arg8 : memref<64xi32, #tpu.memory_space<vmem>>) target_semaphore(%arg24 : memref<!tpu.dma_semaphore, #tpu.memory_space<semaphore_mem>>)
      } else {
      }
      %add3A_137 = arith.constant 1 : i32
      %add3A_138 = arith.addi %mul3A_107, %add3A_137 : i32
      %mul3A_139 = arith.constant 64 : i32
      %mul3A_140 = arith.muli %add3A_138, %mul3A_139 : i32
      %add3A_141 = arith.addi %mul3A_4, %mul3A_140 : i32
      %dma_wait3A_142 = tpu.memref_slice %arg2[%add3A_141] : memref<327680xi32, #tpu.memory_space<hbm>> -> memref<64xi32, #tpu.memory_space<hbm>>
      %dma_wait3A_143 = tpu.memref_slice %arg2[%add3A_141] : memref<327680xi32, #tpu.memory_space<hbm>> -> memref<64xi32, #tpu.memory_space<hbm>>
      tpu.wait_dma2 semaphore(%arg34 : memref<!tpu.dma_semaphore, #tpu.memory_space<semaphore_mem>>) src(%dma_wait3A_143 : memref<64xi32, #tpu.memory_space<hbm>>) dst(%arg13 : memref<64xi32, #tpu.memory_space<vmem>>)
      %dma_start3A_144 = arith.constant 0 : i32
      %dma_start3A_145 = arith.constant 0 : i32
      %dma_start3A_146 = tpu.memref_slice %arg22[%dma_start3A_144, %dma_start3A_145] : memref<10240x128xf32, #tpu.memory_space<vmem_shared>> -> memref<10240x128xf32, #tpu.memory_space<vmem_shared>>
      tpu.enqueue_indirect_dma source(%arg18 : memref<64x128xf32, #tpu.memory_space<vmem>>) target(%dma_start3A_146 : memref<10240x128xf32, #tpu.memory_space<vmem_shared>>) offsets(%arg13 : memref<64xi32, #tpu.memory_space<vmem>>) semaphore(%arg39 : memref<!tpu.dma_semaphore, #tpu.memory_space<semaphore_mem>>) {add = true}
      %dma_wait3A_147 = arith.constant 0 : i32
      %dma_wait3A_148 = arith.constant 0 : i32
      %dma_wait3A_149 = tpu.memref_slice %arg4[%dma_wait3A_147, %dma_wait3A_148] : memref<10240x128xf32, #tpu.memory_space<hbm>> -> memref<10240x128xf32, #tpu.memory_space<hbm>>
      tpu.wait_indirect_dma semaphore(%arg30 : memref<!tpu.dma_semaphore, #tpu.memory_space<semaphore_mem>>) src(%dma_wait3A_149 : memref<10240x128xf32, #tpu.memory_space<hbm>>) dst(%arg19 : memref<64x128xf32, #tpu.memory_space<vmem>>)
      %add3A_150 = arith.constant 1 : i32
      %add3A_151 = arith.addi %scan3A_105, %add3A_150 : i32
      %lt3A_152 = arith.constant 32 : i32
      %lt3A_153 = arith.cmpi slt, %add3A_151, %lt3A_152 : i32
      %convert_element_type3A_154 = arith.extui %lt3A_153 : i1 to i32
      %cond3A_155 = arith.constant 0 : i32
      %cond3A_156 = arith.cmpi ne, %convert_element_type3A_154, %cond3A_155 : i32
      scf.if %cond3A_156 {
        %add3A_214 = arith.constant 2 : i32
        %add3A_215 = arith.addi %add3A_109, %add3A_214 : i32
        %mul3A_216 = arith.constant 64 : i32
        %mul3A_217 = arith.muli %add3A_215, %mul3A_216 : i32
        %add3A_218 = arith.addi %mul3A_4, %mul3A_217 : i32
        %dma_start3A_219 = tpu.memref_slice %arg3[%add3A_218] : memref<327680xi32, #tpu.memory_space<hbm>> -> memref<64xi32, #tpu.memory_space<hbm>>
        %dma_start3A_220 = tpu.memref_slice %arg3[%add3A_218] : memref<327680xi32, #tpu.memory_space<hbm>> -> memref<64xi32, #tpu.memory_space<hbm>>
        tpu.enqueue_dma source(%dma_start3A_220 : memref<64xi32, #tpu.memory_space<hbm>>) target(%arg9 : memref<64xi32, #tpu.memory_space<vmem>>) target_semaphore(%arg25 : memref<!tpu.dma_semaphore, #tpu.memory_space<semaphore_mem>>)
      } else {
      }
      %add3A_157 = arith.constant 2 : i32
      %add3A_158 = arith.addi %mul3A_107, %add3A_157 : i32
      %mul3A_159 = arith.constant 64 : i32
      %mul3A_160 = arith.muli %add3A_158, %mul3A_159 : i32
      %add3A_161 = arith.addi %mul3A_4, %mul3A_160 : i32
      %dma_wait3A_162 = tpu.memref_slice %arg2[%add3A_161] : memref<327680xi32, #tpu.memory_space<hbm>> -> memref<64xi32, #tpu.memory_space<hbm>>
      %dma_wait3A_163 = tpu.memref_slice %arg2[%add3A_161] : memref<327680xi32, #tpu.memory_space<hbm>> -> memref<64xi32, #tpu.memory_space<hbm>>
      tpu.wait_dma2 semaphore(%arg35 : memref<!tpu.dma_semaphore, #tpu.memory_space<semaphore_mem>>) src(%dma_wait3A_163 : memref<64xi32, #tpu.memory_space<hbm>>) dst(%arg14 : memref<64xi32, #tpu.memory_space<vmem>>)
      %dma_start3A_164 = arith.constant 0 : i32
      %dma_start3A_165 = arith.constant 0 : i32
      %dma_start3A_166 = tpu.memref_slice %arg22[%dma_start3A_164, %dma_start3A_165] : memref<10240x128xf32, #tpu.memory_space<vmem_shared>> -> memref<10240x128xf32, #tpu.memory_space<vmem_shared>>
      tpu.enqueue_indirect_dma source(%arg19 : memref<64x128xf32, #tpu.memory_space<vmem>>) target(%dma_start3A_166 : memref<10240x128xf32, #tpu.memory_space<vmem_shared>>) offsets(%arg14 : memref<64xi32, #tpu.memory_space<vmem>>) semaphore(%arg40 : memref<!tpu.dma_semaphore, #tpu.memory_space<semaphore_mem>>) {add = true}
      %dma_wait3A_167 = arith.constant 0 : i32
      %dma_wait3A_168 = arith.constant 0 : i32
      %dma_wait3A_169 = tpu.memref_slice %arg4[%dma_wait3A_167, %dma_wait3A_168] : memref<10240x128xf32, #tpu.memory_space<hbm>> -> memref<10240x128xf32, #tpu.memory_space<hbm>>
      tpu.wait_indirect_dma semaphore(%arg31 : memref<!tpu.dma_semaphore, #tpu.memory_space<semaphore_mem>>) src(%dma_wait3A_169 : memref<10240x128xf32, #tpu.memory_space<hbm>>) dst(%arg20 : memref<64x128xf32, #tpu.memory_space<vmem>>)
      %add3A_170 = arith.constant 1 : i32
      %add3A_171 = arith.addi %scan3A_105, %add3A_170 : i32
      %lt3A_172 = arith.constant 32 : i32
      %lt3A_173 = arith.cmpi slt, %add3A_171, %lt3A_172 : i32
      %convert_element_type3A_174 = arith.extui %lt3A_173 : i1 to i32
      %cond3A_175 = arith.constant 0 : i32
      %cond3A_176 = arith.cmpi ne, %convert_element_type3A_174, %cond3A_175 : i32
      scf.if %cond3A_176 {
        %add3A_214 = arith.constant 3 : i32
        %add3A_215 = arith.addi %add3A_109, %add3A_214 : i32
        %mul3A_216 = arith.constant 64 : i32
        %mul3A_217 = arith.muli %add3A_215, %mul3A_216 : i32
        %add3A_218 = arith.addi %mul3A_4, %mul3A_217 : i32
        %dma_start3A_219 = tpu.memref_slice %arg3[%add3A_218] : memref<327680xi32, #tpu.memory_space<hbm>> -> memref<64xi32, #tpu.memory_space<hbm>>
        %dma_start3A_220 = tpu.memref_slice %arg3[%add3A_218] : memref<327680xi32, #tpu.memory_space<hbm>> -> memref<64xi32, #tpu.memory_space<hbm>>
        tpu.enqueue_dma source(%dma_start3A_220 : memref<64xi32, #tpu.memory_space<hbm>>) target(%arg10 : memref<64xi32, #tpu.memory_space<vmem>>) target_semaphore(%arg26 : memref<!tpu.dma_semaphore, #tpu.memory_space<semaphore_mem>>)
      } else {
      }
      %add3A_177 = arith.constant 3 : i32
      %add3A_178 = arith.addi %mul3A_107, %add3A_177 : i32
      %mul3A_179 = arith.constant 64 : i32
      %mul3A_180 = arith.muli %add3A_178, %mul3A_179 : i32
      %add3A_181 = arith.addi %mul3A_4, %mul3A_180 : i32
      %dma_wait3A_182 = tpu.memref_slice %arg2[%add3A_181] : memref<327680xi32, #tpu.memory_space<hbm>> -> memref<64xi32, #tpu.memory_space<hbm>>
      %dma_wait3A_183 = tpu.memref_slice %arg2[%add3A_181] : memref<327680xi32, #tpu.memory_space<hbm>> -> memref<64xi32, #tpu.memory_space<hbm>>
      tpu.wait_dma2 semaphore(%arg36 : memref<!tpu.dma_semaphore, #tpu.memory_space<semaphore_mem>>) src(%dma_wait3A_183 : memref<64xi32, #tpu.memory_space<hbm>>) dst(%arg15 : memref<64xi32, #tpu.memory_space<vmem>>)
      %dma_start3A_184 = arith.constant 0 : i32
      %dma_start3A_185 = arith.constant 0 : i32
      %dma_start3A_186 = tpu.memref_slice %arg22[%dma_start3A_184, %dma_start3A_185] : memref<10240x128xf32, #tpu.memory_space<vmem_shared>> -> memref<10240x128xf32, #tpu.memory_space<vmem_shared>>
      tpu.enqueue_indirect_dma source(%arg20 : memref<64x128xf32, #tpu.memory_space<vmem>>) target(%dma_start3A_186 : memref<10240x128xf32, #tpu.memory_space<vmem_shared>>) offsets(%arg15 : memref<64xi32, #tpu.memory_space<vmem>>) semaphore(%arg41 : memref<!tpu.dma_semaphore, #tpu.memory_space<semaphore_mem>>) {add = true}
      %dma_wait3A_187 = arith.constant 0 : i32
      %dma_wait3A_188 = arith.constant 0 : i32
      %dma_wait3A_189 = tpu.memref_slice %arg4[%dma_wait3A_187, %dma_wait3A_188] : memref<10240x128xf32, #tpu.memory_space<hbm>> -> memref<10240x128xf32, #tpu.memory_space<hbm>>
      tpu.wait_indirect_dma semaphore(%arg32 : memref<!tpu.dma_semaphore, #tpu.memory_space<semaphore_mem>>) src(%dma_wait3A_189 : memref<10240x128xf32, #tpu.memory_space<hbm>>) dst(%arg21 : memref<64x128xf32, #tpu.memory_space<vmem>>)
      %add3A_190 = arith.constant 1 : i32
      %add3A_191 = arith.addi %scan3A_105, %add3A_190 : i32
      %lt3A_192 = arith.constant 32 : i32
      %lt3A_193 = arith.cmpi slt, %add3A_191, %lt3A_192 : i32
      %convert_element_type3A_194 = arith.extui %lt3A_193 : i1 to i32
      %cond3A_195 = arith.constant 0 : i32
      %cond3A_196 = arith.cmpi ne, %convert_element_type3A_194, %cond3A_195 : i32
      scf.if %cond3A_196 {
        %add3A_214 = arith.constant 4 : i32
        %add3A_215 = arith.addi %add3A_109, %add3A_214 : i32
        %mul3A_216 = arith.constant 64 : i32
        %mul3A_217 = arith.muli %add3A_215, %mul3A_216 : i32
        %add3A_218 = arith.addi %mul3A_4, %mul3A_217 : i32
        %dma_start3A_219 = tpu.memref_slice %arg3[%add3A_218] : memref<327680xi32, #tpu.memory_space<hbm>> -> memref<64xi32, #tpu.memory_space<hbm>>
        %dma_start3A_220 = tpu.memref_slice %arg3[%add3A_218] : memref<327680xi32, #tpu.memory_space<hbm>> -> memref<64xi32, #tpu.memory_space<hbm>>
        tpu.enqueue_dma source(%dma_start3A_220 : memref<64xi32, #tpu.memory_space<hbm>>) target(%arg11 : memref<64xi32, #tpu.memory_space<vmem>>) target_semaphore(%arg27 : memref<!tpu.dma_semaphore, #tpu.memory_space<semaphore_mem>>)
      } else {
      }
      %add3A_197 = arith.constant 4 : i32
      %add3A_198 = arith.addi %mul3A_107, %add3A_197 : i32
      %mul3A_199 = arith.constant 64 : i32
      %mul3A_200 = arith.muli %add3A_198, %mul3A_199 : i32
      %add3A_201 = arith.addi %mul3A_4, %mul3A_200 : i32
      %dma_wait3A_202 = tpu.memref_slice %arg2[%add3A_201] : memref<327680xi32, #tpu.memory_space<hbm>> -> memref<64xi32, #tpu.memory_space<hbm>>
      %dma_wait3A_203 = tpu.memref_slice %arg2[%add3A_201] : memref<327680xi32, #tpu.memory_space<hbm>> -> memref<64xi32, #tpu.memory_space<hbm>>
      tpu.wait_dma2 semaphore(%arg37 : memref<!tpu.dma_semaphore, #tpu.memory_space<semaphore_mem>>) src(%dma_wait3A_203 : memref<64xi32, #tpu.memory_space<hbm>>) dst(%arg16 : memref<64xi32, #tpu.memory_space<vmem>>)
      %dma_start3A_204 = arith.constant 0 : i32
      %dma_start3A_205 = arith.constant 0 : i32
      %dma_start3A_206 = tpu.memref_slice %arg22[%dma_start3A_204, %dma_start3A_205] : memref<10240x128xf32, #tpu.memory_space<vmem_shared>> -> memref<10240x128xf32, #tpu.memory_space<vmem_shared>>
      tpu.enqueue_indirect_dma source(%arg21 : memref<64x128xf32, #tpu.memory_space<vmem>>) target(%dma_start3A_206 : memref<10240x128xf32, #tpu.memory_space<vmem_shared>>) offsets(%arg16 : memref<64xi32, #tpu.memory_space<vmem>>) semaphore(%arg42 : memref<!tpu.dma_semaphore, #tpu.memory_space<semaphore_mem>>) {add = true}
      %add3A_207 = arith.constant 1 : i32
      %add3A_208 = arith.addi %scan3A_105, %add3A_207 : i32
      %lt3A_209 = arith.constant 32 : i32
      %lt3A_210 = arith.cmpi slt, %add3A_208, %lt3A_209 : i32
      %convert_element_type3A_211 = arith.extui %lt3A_210 : i1 to i32
      %cond3A_212 = arith.constant 0 : i32
      %cond3A_213 = arith.cmpi ne, %convert_element_type3A_211, %cond3A_212 : i32
      scf.if %cond3A_213 {
        %dma_wait3A_214 = arith.constant 0 : i32
        %dma_wait3A_215 = arith.constant 0 : i32
        %dma_wait3A_216 = tpu.memref_slice %arg22[%dma_wait3A_214, %dma_wait3A_215] : memref<10240x128xf32, #tpu.memory_space<vmem_shared>> -> memref<10240x128xf32, #tpu.memory_space<vmem_shared>>
        tpu.wait_indirect_dma semaphore(%arg38 : memref<!tpu.dma_semaphore, #tpu.memory_space<semaphore_mem>>) src(%arg17 : memref<64x128xf32, #tpu.memory_space<vmem>>) dst(%dma_wait3A_216 : memref<10240x128xf32, #tpu.memory_space<vmem_shared>>)
        %add3A_217 = arith.constant 0 : i32
        %add3A_218 = arith.addi %add3A_109, %add3A_217 : i32
        %mul3A_219 = arith.constant 64 : i32
        %mul3A_220 = arith.muli %add3A_218, %mul3A_219 : i32
        %add3A_221 = arith.addi %mul3A_4, %mul3A_220 : i32
        %dma_start3A_222 = tpu.memref_slice %arg2[%add3A_221] : memref<327680xi32, #tpu.memory_space<hbm>> -> memref<64xi32, #tpu.memory_space<hbm>>
        %dma_start3A_223 = tpu.memref_slice %arg2[%add3A_221] : memref<327680xi32, #tpu.memory_space<hbm>> -> memref<64xi32, #tpu.memory_space<hbm>>
        tpu.enqueue_dma source(%dma_start3A_223 : memref<64xi32, #tpu.memory_space<hbm>>) target(%arg12 : memref<64xi32, #tpu.memory_space<vmem>>) target_semaphore(%arg33 : memref<!tpu.dma_semaphore, #tpu.memory_space<semaphore_mem>>)
        %add3A_224 = arith.constant 0 : i32
        %add3A_225 = arith.addi %add3A_109, %add3A_224 : i32
        %mul3A_226 = arith.constant 64 : i32
        %mul3A_227 = arith.muli %add3A_225, %mul3A_226 : i32
        %add3A_228 = arith.addi %mul3A_4, %mul3A_227 : i32
        %dma_wait3A_229 = tpu.memref_slice %arg3[%add3A_228] : memref<327680xi32, #tpu.memory_space<hbm>> -> memref<64xi32, #tpu.memory_space<hbm>>
        %dma_wait3A_230 = tpu.memref_slice %arg3[%add3A_228] : memref<327680xi32, #tpu.memory_space<hbm>> -> memref<64xi32, #tpu.memory_space<hbm>>
        tpu.wait_dma2 semaphore(%arg23 : memref<!tpu.dma_semaphore, #tpu.memory_space<semaphore_mem>>) src(%dma_wait3A_230 : memref<64xi32, #tpu.memory_space<hbm>>) dst(%arg7 : memref<64xi32, #tpu.memory_space<vmem>>)
        %dma_start3A_231 = arith.constant 0 : i32
        %dma_start3A_232 = arith.constant 0 : i32
        %dma_start3A_233 = tpu.memref_slice %arg4[%dma_start3A_231, %dma_start3A_232] : memref<10240x128xf32, #tpu.memory_space<hbm>> -> memref<10240x128xf32, #tpu.memory_space<hbm>>
        tpu.enqueue_indirect_dma source(%dma_start3A_233 : memref<10240x128xf32, #tpu.memory_space<hbm>>) target(%arg17 : memref<64x128xf32, #tpu.memory_space<vmem>>) offsets(%arg7 : memref<64xi32, #tpu.memory_space<vmem>>) semaphore(%arg28 : memref<!tpu.dma_semaphore, #tpu.memory_space<semaphore_mem>>)
        %dma_wait3A_234 = arith.constant 0 : i32
        %dma_wait3A_235 = arith.constant 0 : i32
        %dma_wait3A_236 = tpu.memref_slice %arg22[%dma_wait3A_234, %dma_wait3A_235] : memref<10240x128xf32, #tpu.memory_space<vmem_shared>> -> memref<10240x128xf32, #tpu.memory_space<vmem_shared>>
        tpu.wait_indirect_dma semaphore(%arg39 : memref<!tpu.dma_semaphore, #tpu.memory_space<semaphore_mem>>) src(%arg18 : memref<64x128xf32, #tpu.memory_space<vmem>>) dst(%dma_wait3A_236 : memref<10240x128xf32, #tpu.memory_space<vmem_shared>>)
        %add3A_237 = arith.constant 1 : i32
        %add3A_238 = arith.addi %add3A_109, %add3A_237 : i32
        %mul3A_239 = arith.constant 64 : i32
        %mul3A_240 = arith.muli %add3A_238, %mul3A_239 : i32
        %add3A_241 = arith.addi %mul3A_4, %mul3A_240 : i32
        %dma_start3A_242 = tpu.memref_slice %arg2[%add3A_241] : memref<327680xi32, #tpu.memory_space<hbm>> -> memref<64xi32, #tpu.memory_space<hbm>>
        %dma_start3A_243 = tpu.memref_slice %arg2[%add3A_241] : memref<327680xi32, #tpu.memory_space<hbm>> -> memref<64xi32, #tpu.memory_space<hbm>>
        tpu.enqueue_dma source(%dma_start3A_243 : memref<64xi32, #tpu.memory_space<hbm>>) target(%arg13 : memref<64xi32, #tpu.memory_space<vmem>>) target_semaphore(%arg34 : memref<!tpu.dma_semaphore, #tpu.memory_space<semaphore_mem>>)
        %add3A_244 = arith.constant 1 : i32
        %add3A_245 = arith.addi %add3A_109, %add3A_244 : i32
        %mul3A_246 = arith.constant 64 : i32
        %mul3A_247 = arith.muli %add3A_245, %mul3A_246 : i32
        %add3A_248 = arith.addi %mul3A_4, %mul3A_247 : i32
        %dma_wait3A_249 = tpu.memref_slice %arg3[%add3A_248] : memref<327680xi32, #tpu.memory_space<hbm>> -> memref<64xi32, #tpu.memory_space<hbm>>
        %dma_wait3A_250 = tpu.memref_slice %arg3[%add3A_248] : memref<327680xi32, #tpu.memory_space<hbm>> -> memref<64xi32, #tpu.memory_space<hbm>>
        tpu.wait_dma2 semaphore(%arg24 : memref<!tpu.dma_semaphore, #tpu.memory_space<semaphore_mem>>) src(%dma_wait3A_250 : memref<64xi32, #tpu.memory_space<hbm>>) dst(%arg8 : memref<64xi32, #tpu.memory_space<vmem>>)
        %dma_start3A_251 = arith.constant 0 : i32
        %dma_start3A_252 = arith.constant 0 : i32
        %dma_start3A_253 = tpu.memref_slice %arg4[%dma_start3A_251, %dma_start3A_252] : memref<10240x128xf32, #tpu.memory_space<hbm>> -> memref<10240x128xf32, #tpu.memory_space<hbm>>
        tpu.enqueue_indirect_dma source(%dma_start3A_253 : memref<10240x128xf32, #tpu.memory_space<hbm>>) target(%arg18 : memref<64x128xf32, #tpu.memory_space<vmem>>) offsets(%arg8 : memref<64xi32, #tpu.memory_space<vmem>>) semaphore(%arg29 : memref<!tpu.dma_semaphore, #tpu.memory_space<semaphore_mem>>)
        %dma_wait3A_254 = arith.constant 0 : i32
        %dma_wait3A_255 = arith.constant 0 : i32
        %dma_wait3A_256 = tpu.memref_slice %arg22[%dma_wait3A_254, %dma_wait3A_255] : memref<10240x128xf32, #tpu.memory_space<vmem_shared>> -> memref<10240x128xf32, #tpu.memory_space<vmem_shared>>
        tpu.wait_indirect_dma semaphore(%arg40 : memref<!tpu.dma_semaphore, #tpu.memory_space<semaphore_mem>>) src(%arg19 : memref<64x128xf32, #tpu.memory_space<vmem>>) dst(%dma_wait3A_256 : memref<10240x128xf32, #tpu.memory_space<vmem_shared>>)
        %add3A_257 = arith.constant 2 : i32
        %add3A_258 = arith.addi %add3A_109, %add3A_257 : i32
        %mul3A_259 = arith.constant 64 : i32
        %mul3A_260 = arith.muli %add3A_258, %mul3A_259 : i32
        %add3A_261 = arith.addi %mul3A_4, %mul3A_260 : i32
        %dma_start3A_262 = tpu.memref_slice %arg2[%add3A_261] : memref<327680xi32, #tpu.memory_space<hbm>> -> memref<64xi32, #tpu.memory_space<hbm>>
        %dma_start3A_263 = tpu.memref_slice %arg2[%add3A_261] : memref<327680xi32, #tpu.memory_space<hbm>> -> memref<64xi32, #tpu.memory_space<hbm>>
        tpu.enqueue_dma source(%dma_start3A_263 : memref<64xi32, #tpu.memory_space<hbm>>) target(%arg14 : memref<64xi32, #tpu.memory_space<vmem>>) target_semaphore(%arg35 : memref<!tpu.dma_semaphore, #tpu.memory_space<semaphore_mem>>)
        %add3A_264 = arith.constant 2 : i32
        %add3A_265 = arith.addi %add3A_109, %add3A_264 : i32
        %mul3A_266 = arith.constant 64 : i32
        %mul3A_267 = arith.muli %add3A_265, %mul3A_266 : i32
        %add3A_268 = arith.addi %mul3A_4, %mul3A_267 : i32
        %dma_wait3A_269 = tpu.memref_slice %arg3[%add3A_268] : memref<327680xi32, #tpu.memory_space<hbm>> -> memref<64xi32, #tpu.memory_space<hbm>>
        %dma_wait3A_270 = tpu.memref_slice %arg3[%add3A_268] : memref<327680xi32, #tpu.memory_space<hbm>> -> memref<64xi32, #tpu.memory_space<hbm>>
        tpu.wait_dma2 semaphore(%arg25 : memref<!tpu.dma_semaphore, #tpu.memory_space<semaphore_mem>>) src(%dma_wait3A_270 : memref<64xi32, #tpu.memory_space<hbm>>) dst(%arg9 : memref<64xi32, #tpu.memory_space<vmem>>)
        %dma_start3A_271 = arith.constant 0 : i32
        %dma_start3A_272 = arith.constant 0 : i32
        %dma_start3A_273 = tpu.memref_slice %arg4[%dma_start3A_271, %dma_start3A_272] : memref<10240x128xf32, #tpu.memory_space<hbm>> -> memref<10240x128xf32, #tpu.memory_space<hbm>>
        tpu.enqueue_indirect_dma source(%dma_start3A_273 : memref<10240x128xf32, #tpu.memory_space<hbm>>) target(%arg19 : memref<64x128xf32, #tpu.memory_space<vmem>>) offsets(%arg9 : memref<64xi32, #tpu.memory_space<vmem>>) semaphore(%arg30 : memref<!tpu.dma_semaphore, #tpu.memory_space<semaphore_mem>>)
        %dma_wait3A_274 = arith.constant 0 : i32
        %dma_wait3A_275 = arith.constant 0 : i32
        %dma_wait3A_276 = tpu.memref_slice %arg22[%dma_wait3A_274, %dma_wait3A_275] : memref<10240x128xf32, #tpu.memory_space<vmem_shared>> -> memref<10240x128xf32, #tpu.memory_space<vmem_shared>>
        tpu.wait_indirect_dma semaphore(%arg41 : memref<!tpu.dma_semaphore, #tpu.memory_space<semaphore_mem>>) src(%arg20 : memref<64x128xf32, #tpu.memory_space<vmem>>) dst(%dma_wait3A_276 : memref<10240x128xf32, #tpu.memory_space<vmem_shared>>)
        %add3A_277 = arith.constant 3 : i32
        %add3A_278 = arith.addi %add3A_109, %add3A_277 : i32
        %mul3A_279 = arith.constant 64 : i32
        %mul3A_280 = arith.muli %add3A_278, %mul3A_279 : i32
        %add3A_281 = arith.addi %mul3A_4, %mul3A_280 : i32
        %dma_start3A_282 = tpu.memref_slice %arg2[%add3A_281] : memref<327680xi32, #tpu.memory_space<hbm>> -> memref<64xi32, #tpu.memory_space<hbm>>
        %dma_start3A_283 = tpu.memref_slice %arg2[%add3A_281] : memref<327680xi32, #tpu.memory_space<hbm>> -> memref<64xi32, #tpu.memory_space<hbm>>
        tpu.enqueue_dma source(%dma_start3A_283 : memref<64xi32, #tpu.memory_space<hbm>>) target(%arg15 : memref<64xi32, #tpu.memory_space<vmem>>) target_semaphore(%arg36 : memref<!tpu.dma_semaphore, #tpu.memory_space<semaphore_mem>>)
        %add3A_284 = arith.constant 3 : i32
        %add3A_285 = arith.addi %add3A_109, %add3A_284 : i32
        %mul3A_286 = arith.constant 64 : i32
        %mul3A_287 = arith.muli %add3A_285, %mul3A_286 : i32
        %add3A_288 = arith.addi %mul3A_4, %mul3A_287 : i32
        %dma_wait3A_289 = tpu.memref_slice %arg3[%add3A_288] : memref<327680xi32, #tpu.memory_space<hbm>> -> memref<64xi32, #tpu.memory_space<hbm>>
        %dma_wait3A_290 = tpu.memref_slice %arg3[%add3A_288] : memref<327680xi32, #tpu.memory_space<hbm>> -> memref<64xi32, #tpu.memory_space<hbm>>
        tpu.wait_dma2 semaphore(%arg26 : memref<!tpu.dma_semaphore, #tpu.memory_space<semaphore_mem>>) src(%dma_wait3A_290 : memref<64xi32, #tpu.memory_space<hbm>>) dst(%arg10 : memref<64xi32, #tpu.memory_space<vmem>>)
        %dma_start3A_291 = arith.constant 0 : i32
        %dma_start3A_292 = arith.constant 0 : i32
        %dma_start3A_293 = tpu.memref_slice %arg4[%dma_start3A_291, %dma_start3A_292] : memref<10240x128xf32, #tpu.memory_space<hbm>> -> memref<10240x128xf32, #tpu.memory_space<hbm>>
        tpu.enqueue_indirect_dma source(%dma_start3A_293 : memref<10240x128xf32, #tpu.memory_space<hbm>>) target(%arg20 : memref<64x128xf32, #tpu.memory_space<vmem>>) offsets(%arg10 : memref<64xi32, #tpu.memory_space<vmem>>) semaphore(%arg31 : memref<!tpu.dma_semaphore, #tpu.memory_space<semaphore_mem>>)
        %dma_wait3A_294 = arith.constant 0 : i32
        %dma_wait3A_295 = arith.constant 0 : i32
        %dma_wait3A_296 = tpu.memref_slice %arg22[%dma_wait3A_294, %dma_wait3A_295] : memref<10240x128xf32, #tpu.memory_space<vmem_shared>> -> memref<10240x128xf32, #tpu.memory_space<vmem_shared>>
        tpu.wait_indirect_dma semaphore(%arg42 : memref<!tpu.dma_semaphore, #tpu.memory_space<semaphore_mem>>) src(%arg21 : memref<64x128xf32, #tpu.memory_space<vmem>>) dst(%dma_wait3A_296 : memref<10240x128xf32, #tpu.memory_space<vmem_shared>>)
        %add3A_297 = arith.constant 4 : i32
        %add3A_298 = arith.addi %add3A_109, %add3A_297 : i32
        %mul3A_299 = arith.constant 64 : i32
        %mul3A_300 = arith.muli %add3A_298, %mul3A_299 : i32
        %add3A_301 = arith.addi %mul3A_4, %mul3A_300 : i32
        %dma_start3A_302 = tpu.memref_slice %arg2[%add3A_301] : memref<327680xi32, #tpu.memory_space<hbm>> -> memref<64xi32, #tpu.memory_space<hbm>>
        %dma_start3A_303 = tpu.memref_slice %arg2[%add3A_301] : memref<327680xi32, #tpu.memory_space<hbm>> -> memref<64xi32, #tpu.memory_space<hbm>>
        tpu.enqueue_dma source(%dma_start3A_303 : memref<64xi32, #tpu.memory_space<hbm>>) target(%arg16 : memref<64xi32, #tpu.memory_space<vmem>>) target_semaphore(%arg37 : memref<!tpu.dma_semaphore, #tpu.memory_space<semaphore_mem>>)
        %add3A_304 = arith.constant 4 : i32
        %add3A_305 = arith.addi %add3A_109, %add3A_304 : i32
        %mul3A_306 = arith.constant 64 : i32
        %mul3A_307 = arith.muli %add3A_305, %mul3A_306 : i32
        %add3A_308 = arith.addi %mul3A_4, %mul3A_307 : i32
        %dma_wait3A_309 = tpu.memref_slice %arg3[%add3A_308] : memref<327680xi32, #tpu.memory_space<hbm>> -> memref<64xi32, #tpu.memory_space<hbm>>
        %dma_wait3A_310 = tpu.memref_slice %arg3[%add3A_308] : memref<327680xi32, #tpu.memory_space<hbm>> -> memref<64xi32, #tpu.memory_space<hbm>>
        tpu.wait_dma2 semaphore(%arg27 : memref<!tpu.dma_semaphore, #tpu.memory_space<semaphore_mem>>) src(%dma_wait3A_310 : memref<64xi32, #tpu.memory_space<hbm>>) dst(%arg11 : memref<64xi32, #tpu.memory_space<vmem>>)
        %dma_start3A_311 = arith.constant 0 : i32
        %dma_start3A_312 = arith.constant 0 : i32
        %dma_start3A_313 = tpu.memref_slice %arg4[%dma_start3A_311, %dma_start3A_312] : memref<10240x128xf32, #tpu.memory_space<hbm>> -> memref<10240x128xf32, #tpu.memory_space<hbm>>
        tpu.enqueue_indirect_dma source(%dma_start3A_313 : memref<10240x128xf32, #tpu.memory_space<hbm>>) target(%arg21 : memref<64x128xf32, #tpu.memory_space<vmem>>) offsets(%arg11 : memref<64xi32, #tpu.memory_space<vmem>>) semaphore(%arg32 : memref<!tpu.dma_semaphore, #tpu.memory_space<semaphore_mem>>)
      } else {
      }
    }
    %scan3A_84 = arith.constant 32 : i32
    %dma_wait3A_85 = arith.constant 0 : i32
    %dma_wait3A_86 = arith.constant 0 : i32
    %dma_wait3A_87 = tpu.memref_slice %arg22[%dma_wait3A_85, %dma_wait3A_86] : memref<10240x128xf32, #tpu.memory_space<vmem_shared>> -> memref<10240x128xf32, #tpu.memory_space<vmem_shared>>
    tpu.wait_indirect_dma semaphore(%arg38 : memref<!tpu.dma_semaphore, #tpu.memory_space<semaphore_mem>>) src(%arg17 : memref<64x128xf32, #tpu.memory_space<vmem>>) dst(%dma_wait3A_87 : memref<10240x128xf32, #tpu.memory_space<vmem_shared>>)
    %dma_wait3A_88 = arith.constant 0 : i32
    %dma_wait3A_89 = arith.constant 0 : i32
    %dma_wait3A_90 = tpu.memref_slice %arg22[%dma_wait3A_88, %dma_wait3A_89] : memref<10240x128xf32, #tpu.memory_space<vmem_shared>> -> memref<10240x128xf32, #tpu.memory_space<vmem_shared>>
    tpu.wait_indirect_dma semaphore(%arg39 : memref<!tpu.dma_semaphore, #tpu.memory_space<semaphore_mem>>) src(%arg18 : memref<64x128xf32, #tpu.memory_space<vmem>>) dst(%dma_wait3A_90 : memref<10240x128xf32, #tpu.memory_space<vmem_shared>>)
    %dma_wait3A_91 = arith.constant 0 : i32
    %dma_wait3A_92 = arith.constant 0 : i32
    %dma_wait3A_93 = tpu.memref_slice %arg22[%dma_wait3A_91, %dma_wait3A_92] : memref<10240x128xf32, #tpu.memory_space<vmem_shared>> -> memref<10240x128xf32, #tpu.memory_space<vmem_shared>>
    tpu.wait_indirect_dma semaphore(%arg40 : memref<!tpu.dma_semaphore, #tpu.memory_space<semaphore_mem>>) src(%arg19 : memref<64x128xf32, #tpu.memory_space<vmem>>) dst(%dma_wait3A_93 : memref<10240x128xf32, #tpu.memory_space<vmem_shared>>)
    %dma_wait3A_94 = arith.constant 0 : i32
    %dma_wait3A_95 = arith.constant 0 : i32
    %dma_wait3A_96 = tpu.memref_slice %arg22[%dma_wait3A_94, %dma_wait3A_95] : memref<10240x128xf32, #tpu.memory_space<vmem_shared>> -> memref<10240x128xf32, #tpu.memory_space<vmem_shared>>
    tpu.wait_indirect_dma semaphore(%arg41 : memref<!tpu.dma_semaphore, #tpu.memory_space<semaphore_mem>>) src(%arg20 : memref<64x128xf32, #tpu.memory_space<vmem>>) dst(%dma_wait3A_96 : memref<10240x128xf32, #tpu.memory_space<vmem_shared>>)
    %dma_wait3A_97 = arith.constant 0 : i32
    %dma_wait3A_98 = arith.constant 0 : i32
    %dma_wait3A_99 = tpu.memref_slice %arg22[%dma_wait3A_97, %dma_wait3A_98] : memref<10240x128xf32, #tpu.memory_space<vmem_shared>> -> memref<10240x128xf32, #tpu.memory_space<vmem_shared>>
    tpu.wait_indirect_dma semaphore(%arg42 : memref<!tpu.dma_semaphore, #tpu.memory_space<semaphore_mem>>) src(%arg21 : memref<64x128xf32, #tpu.memory_space<vmem>>) dst(%dma_wait3A_99 : memref<10240x128xf32, #tpu.memory_space<vmem_shared>>)
    %barrier3A_100 = arith.constant 0 : index
    tpu.barrier barrier_id(%barrier3A_100)
    %mul3A_101 = arith.constant 640 : i32
    %mul3A_102 = arith.muli %arg1, %mul3A_101 : i32
    %mul3A_103 = arith.constant 640 : i32
    %mul3A_104 = arith.muli %arg1, %mul3A_103 : i32
    "tpu.region"() ({
      %run_scoped3A = tpu.sem_alloc : memref<!tpu.dma_semaphore, #tpu.memory_space<semaphore_mem>>
      %dma_start3A_105 = arith.constant 0 : i32
      %dma_start3A_106 = tpu.memref_slice %arg6[%arg0, %mul3A_104, %dma_start3A_105] : memref<2x10240x128xf32, #tpu.memory_space<hbm>> -> memref<1x640x128xf32, #tpu.memory_space<hbm>>
      %dma_start3A_107 = tpu.memref_squeeze %dma_start3A_106 : memref<1x640x128xf32, #tpu.memory_space<hbm>> -> memref<640x128xf32, #tpu.memory_space<hbm>>
      %dma_start3A_108 = arith.constant 0 : i32
      %dma_start3A_109 = tpu.memref_slice %arg22[%mul3A_102, %dma_start3A_108] : memref<10240x128xf32, #tpu.memory_space<vmem_shared>> -> memref<640x128xf32, #tpu.memory_space<vmem_shared>>
      tpu.enqueue_dma source(%dma_start3A_109 : memref<640x128xf32, #tpu.memory_space<vmem_shared>>) target(%dma_start3A_107 : memref<640x128xf32, #tpu.memory_space<hbm>>) target_semaphore(%run_scoped3A : memref<!tpu.dma_semaphore, #tpu.memory_space<semaphore_mem>>)
      %dma_wait3A_110 = arith.constant 0 : i32
      %dma_wait3A_111 = tpu.memref_slice %arg6[%arg0, %mul3A_104, %dma_wait3A_110] : memref<2x10240x128xf32, #tpu.memory_space<hbm>> -> memref<1x640x128xf32, #tpu.memory_space<hbm>>
      %dma_wait3A_112 = tpu.memref_squeeze %dma_wait3A_111 : memref<1x640x128xf32, #tpu.memory_space<hbm>> -> memref<640x128xf32, #tpu.memory_space<hbm>>
      %dma_wait3A_113 = arith.constant 0 : i32
      %dma_wait3A_114 = tpu.memref_slice %arg22[%mul3A_102, %dma_wait3A_113] : memref<10240x128xf32, #tpu.memory_space<vmem_shared>> -> memref<640x128xf32, #tpu.memory_space<vmem_shared>>
      tpu.wait_dma2 semaphore(%run_scoped3A : memref<!tpu.dma_semaphore, #tpu.memory_space<semaphore_mem>>) src(%dma_wait3A_114 : memref<640x128xf32, #tpu.memory_space<vmem_shared>>) dst(%dma_wait3A_112 : memref<640x128xf32, #tpu.memory_space<hbm>>)
      tpu.yield
    }) : () -> ()
    return
  }
}

#map = affine_map<(d0, d1) -> (0)>
#map1 = affine_map<(d0, d1) -> (0, 0)>
#map2 = affine_map<(d0, d1) -> (0, 0, 0)>
module attributes {stable_mosaic.version = 14 : i64} {
  func.func @hop_kernel(%arg0: i32, %arg1: i32, %arg2: memref<327680xi32, #tpu.memory_space<hbm>>, %arg3: memref<327680xi32, #tpu.memory_space<hbm>>, %arg4: memref<10240x128xf32, #tpu.memory_space<hbm>>, %arg5: memref<640x128xf32, #tpu.memory_space<hbm>>, %arg6: memref<2x10240x128xf32, #tpu.memory_space<hbm>>, %arg7: memref<64xi32, #tpu.memory_space<vmem>>, %arg8: memref<64xi32, #tpu.memory_space<vmem>>, %arg9: memref<64xi32, #tpu.memory_space<vmem>>, %arg10: memref<64xi32, #tpu.memory_space<vmem>>, %arg11: memref<64xi32, #tpu.memory_space<vmem>>, %arg12: memref<64xi32, #tpu.memory_space<vmem>>, %arg13: memref<64xi32, #tpu.memory_space<vmem>>, %arg14: memref<64xi32, #tpu.memory_space<vmem>>, %arg15: memref<64xi32, #tpu.memory_space<vmem>>, %arg16: memref<64xi32, #tpu.memory_space<vmem>>, %arg17: memref<64x128xf32, #tpu.memory_space<vmem>>, %arg18: memref<64x128xf32, #tpu.memory_space<vmem>>, %arg19: memref<64x128xf32, #tpu.memory_space<vmem>>, %arg20: memref<64x128xf32, #tpu.memory_space<vmem>>, %arg21: memref<64x128xf32, #tpu.memory_space<vmem>>, %arg22: memref<10240x128xf32, #tpu.memory_space<vmem_shared>>, %arg23: memref<!tpu.dma_semaphore, #tpu.memory_space<semaphore_mem>>, %arg24: memref<!tpu.dma_semaphore, #tpu.memory_space<semaphore_mem>>, %arg25: memref<!tpu.dma_semaphore, #tpu.memory_space<semaphore_mem>>, %arg26: memref<!tpu.dma_semaphore, #tpu.memory_space<semaphore_mem>>, %arg27: memref<!tpu.dma_semaphore, #tpu.memory_space<semaphore_mem>>, %arg28: memref<!tpu.dma_semaphore, #tpu.memory_space<semaphore_mem>>, %arg29: memref<!tpu.dma_semaphore, #tpu.memory_space<semaphore_mem>>, %arg30: memref<!tpu.dma_semaphore, #tpu.memory_space<semaphore_mem>>, %arg31: memref<!tpu.dma_semaphore, #tpu.memory_space<semaphore_mem>>, %arg32: memref<!tpu.dma_semaphore, #tpu.memory_space<semaphore_mem>>, %arg33: memref<!tpu.dma_semaphore, #tpu.memory_space<semaphore_mem>>, %arg34: memref<!tpu.dma_semaphore, #tpu.memory_space<semaphore_mem>>, %arg35: memref<!tpu.dma_semaphore, #tpu.memory_space<semaphore_mem>>, %arg36: memref<!tpu.dma_semaphore, #tpu.memory_space<semaphore_mem>>, %arg37: memref<!tpu.dma_semaphore, #tpu.memory_space<semaphore_mem>>, %arg38: memref<!tpu.dma_semaphore, #tpu.memory_space<semaphore_mem>>, %arg39: memref<!tpu.dma_semaphore, #tpu.memory_space<semaphore_mem>>, %arg40: memref<!tpu.dma_semaphore, #tpu.memory_space<semaphore_mem>>, %arg41: memref<!tpu.dma_semaphore, #tpu.memory_space<semaphore_mem>>, %arg42: memref<!tpu.dma_semaphore, #tpu.memory_space<semaphore_mem>>) attributes {dimension_semantics = [#tpu.dimension_semantics<core_parallel>, #tpu.dimension_semantics<subcore_parallel>], iteration_bounds = array<i64: 2, 16>, scalar_prefetch = 0 : i64, scratch_operands = 36 : i64, tpu.core_type = #tpu.core_type<sc_vector_subcore>, window_params = [{transform_indices = #map}, {transform_indices = #map}, {transform_indices = #map1}, {transform_indices = #map1}, {transform_indices = #map2}]} {
    %mul3A = arith.constant 16 : i32
    %mul3A_0 = arith.muli %arg0, %mul3A : i32
    %add3A = arith.addi %mul3A_0, %arg1 : i32
    %mul3A_1 = arith.constant 160 : i32
    %mul3A_2 = arith.muli %add3A, %mul3A_1 : i32
    %mul3A_3 = arith.constant 64 : i32
    %mul3A_4 = arith.muli %mul3A_2, %mul3A_3 : i32
    %mul3A_5 = arith.constant 640 : i32
    %mul3A_6 = arith.muli %arg1, %mul3A_5 : i32
    "tpu.region"() ({
      %run_scoped3A = tpu.sem_alloc : memref<!tpu.dma_semaphore, #tpu.memory_space<semaphore_mem>>
      %dma_start3A_105 = arith.constant 0 : i32
      %dma_start3A_106 = tpu.memref_slice %arg22[%mul3A_6, %dma_start3A_105] : memref<10240x128xf32, #tpu.memory_space<vmem_shared>> -> memref<640x128xf32, #tpu.memory_space<vmem_shared>>
      tpu.enqueue_dma source(%arg5 : memref<640x128xf32, #tpu.memory_space<hbm>>) target(%dma_start3A_106 : memref<640x128xf32, #tpu.memory_space<vmem_shared>>) target_semaphore(%run_scoped3A : memref<!tpu.dma_semaphore, #tpu.memory_space<semaphore_mem>>)
      %dma_wait3A_107 = arith.constant 0 : i32
      %dma_wait3A_108 = tpu.memref_slice %arg22[%mul3A_6, %dma_wait3A_107] : memref<10240x128xf32, #tpu.memory_space<vmem_shared>> -> memref<640x128xf32, #tpu.memory_space<vmem_shared>>
      tpu.wait_dma2 semaphore(%run_scoped3A : memref<!tpu.dma_semaphore, #tpu.memory_space<semaphore_mem>>) src(%arg5 : memref<640x128xf32, #tpu.memory_space<hbm>>) dst(%dma_wait3A_108 : memref<640x128xf32, #tpu.memory_space<vmem_shared>>)
      tpu.yield
    }) : () -> ()
    %barrier3A = arith.constant 0 : index
    tpu.barrier barrier_id(%barrier3A)
    %add3A_7 = arith.constant 0 : i32
    %add3A_8 = arith.addi %mul3A_4, %add3A_7 : i32
    %dma_start3A = tpu.memref_slice %arg3[%add3A_8] : memref<327680xi32, #tpu.memory_space<hbm>> -> memref<64xi32, #tpu.memory_space<hbm>>
    %dma_start3A_9 = tpu.memref_slice %arg3[%add3A_8] : memref<327680xi32, #tpu.memory_space<hbm>> -> memref<64xi32, #tpu.memory_space<hbm>>
    tpu.enqueue_dma source(%dma_start3A_9 : memref<64xi32, #tpu.memory_space<hbm>>) target(%arg7 : memref<64xi32, #tpu.memory_space<vmem>>) target_semaphore(%arg23 : memref<!tpu.dma_semaphore, #tpu.memory_space<semaphore_mem>>)
    %add3A_10 = arith.constant 0 : i32
    %add3A_11 = arith.addi %mul3A_4, %add3A_10 : i32
    %dma_start3A_12 = tpu.memref_slice %arg2[%add3A_11] : memref<327680xi32, #tpu.memory_space<hbm>> -> memref<64xi32, #tpu.memory_space<hbm>>
    %dma_start3A_13 = tpu.memref_slice %arg2[%add3A_11] : memref<327680xi32, #tpu.memory_space<hbm>> -> memref<64xi32, #tpu.memory_space<hbm>>
    tpu.enqueue_dma source(%dma_start3A_13 : memref<64xi32, #tpu.memory_space<hbm>>) target(%arg12 : memref<64xi32, #tpu.memory_space<vmem>>) target_semaphore(%arg33 : memref<!tpu.dma_semaphore, #tpu.memory_space<semaphore_mem>>)
    %add3A_14 = arith.constant 64 : i32
    %add3A_15 = arith.addi %mul3A_4, %add3A_14 : i32
    %dma_start3A_16 = tpu.memref_slice %arg3[%add3A_15] : memref<327680xi32, #tpu.memory_space<hbm>> -> memref<64xi32, #tpu.memory_space<hbm>>
    %dma_start3A_17 = tpu.memref_slice %arg3[%add3A_15] : memref<327680xi32, #tpu.memory_space<hbm>> -> memref<64xi32, #tpu.memory_space<hbm>>
    tpu.enqueue_dma source(%dma_start3A_17 : memref<64xi32, #tpu.memory_space<hbm>>) target(%arg8 : memref<64xi32, #tpu.memory_space<vmem>>) target_semaphore(%arg24 : memref<!tpu.dma_semaphore, #tpu.memory_space<semaphore_mem>>)
    %add3A_18 = arith.constant 64 : i32
    %add3A_19 = arith.addi %mul3A_4, %add3A_18 : i32
    %dma_start3A_20 = tpu.memref_slice %arg2[%add3A_19] : memref<327680xi32, #tpu.memory_space<hbm>> -> memref<64xi32, #tpu.memory_space<hbm>>
    %dma_start3A_21 = tpu.memref_slice %arg2[%add3A_19] : memref<327680xi32, #tpu.memory_space<hbm>> -> memref<64xi32, #tpu.memory_space<hbm>>
    tpu.enqueue_dma source(%dma_start3A_21 : memref<64xi32, #tpu.memory_space<hbm>>) target(%arg13 : memref<64xi32, #tpu.memory_space<vmem>>) target_semaphore(%arg34 : memref<!tpu.dma_semaphore, #tpu.memory_space<semaphore_mem>>)
    %add3A_22 = arith.constant 128 : i32
    %add3A_23 = arith.addi %mul3A_4, %add3A_22 : i32
    %dma_start3A_24 = tpu.memref_slice %arg3[%add3A_23] : memref<327680xi32, #tpu.memory_space<hbm>> -> memref<64xi32, #tpu.memory_space<hbm>>
    %dma_start3A_25 = tpu.memref_slice %arg3[%add3A_23] : memref<327680xi32, #tpu.memory_space<hbm>> -> memref<64xi32, #tpu.memory_space<hbm>>
    tpu.enqueue_dma source(%dma_start3A_25 : memref<64xi32, #tpu.memory_space<hbm>>) target(%arg9 : memref<64xi32, #tpu.memory_space<vmem>>) target_semaphore(%arg25 : memref<!tpu.dma_semaphore, #tpu.memory_space<semaphore_mem>>)
    %add3A_26 = arith.constant 128 : i32
    %add3A_27 = arith.addi %mul3A_4, %add3A_26 : i32
    %dma_start3A_28 = tpu.memref_slice %arg2[%add3A_27] : memref<327680xi32, #tpu.memory_space<hbm>> -> memref<64xi32, #tpu.memory_space<hbm>>
    %dma_start3A_29 = tpu.memref_slice %arg2[%add3A_27] : memref<327680xi32, #tpu.memory_space<hbm>> -> memref<64xi32, #tpu.memory_space<hbm>>
    tpu.enqueue_dma source(%dma_start3A_29 : memref<64xi32, #tpu.memory_space<hbm>>) target(%arg14 : memref<64xi32, #tpu.memory_space<vmem>>) target_semaphore(%arg35 : memref<!tpu.dma_semaphore, #tpu.memory_space<semaphore_mem>>)
    %add3A_30 = arith.constant 192 : i32
    %add3A_31 = arith.addi %mul3A_4, %add3A_30 : i32
    %dma_start3A_32 = tpu.memref_slice %arg3[%add3A_31] : memref<327680xi32, #tpu.memory_space<hbm>> -> memref<64xi32, #tpu.memory_space<hbm>>
    %dma_start3A_33 = tpu.memref_slice %arg3[%add3A_31] : memref<327680xi32, #tpu.memory_space<hbm>> -> memref<64xi32, #tpu.memory_space<hbm>>
    tpu.enqueue_dma source(%dma_start3A_33 : memref<64xi32, #tpu.memory_space<hbm>>) target(%arg10 : memref<64xi32, #tpu.memory_space<vmem>>) target_semaphore(%arg26 : memref<!tpu.dma_semaphore, #tpu.memory_space<semaphore_mem>>)
    %add3A_34 = arith.constant 192 : i32
    %add3A_35 = arith.addi %mul3A_4, %add3A_34 : i32
    %dma_start3A_36 = tpu.memref_slice %arg2[%add3A_35] : memref<327680xi32, #tpu.memory_space<hbm>> -> memref<64xi32, #tpu.memory_space<hbm>>
    %dma_start3A_37 = tpu.memref_slice %arg2[%add3A_35] : memref<327680xi32, #tpu.memory_space<hbm>> -> memref<64xi32, #tpu.memory_space<hbm>>
    tpu.enqueue_dma source(%dma_start3A_37 : memref<64xi32, #tpu.memory_space<hbm>>) target(%arg15 : memref<64xi32, #tpu.memory_space<vmem>>) target_semaphore(%arg36 : memref<!tpu.dma_semaphore, #tpu.memory_space<semaphore_mem>>)
    %add3A_38 = arith.constant 256 : i32
    %add3A_39 = arith.addi %mul3A_4, %add3A_38 : i32
    %dma_start3A_40 = tpu.memref_slice %arg3[%add3A_39] : memref<327680xi32, #tpu.memory_space<hbm>> -> memref<64xi32, #tpu.memory_space<hbm>>
    %dma_start3A_41 = tpu.memref_slice %arg3[%add3A_39] : memref<327680xi32, #tpu.memory_space<hbm>> -> memref<64xi32, #tpu.memory_space<hbm>>
    tpu.enqueue_dma source(%dma_start3A_41 : memref<64xi32, #tpu.memory_space<hbm>>) target(%arg11 : memref<64xi32, #tpu.memory_space<vmem>>) target_semaphore(%arg27 : memref<!tpu.dma_semaphore, #tpu.memory_space<semaphore_mem>>)
    %add3A_42 = arith.constant 256 : i32
    %add3A_43 = arith.addi %mul3A_4, %add3A_42 : i32
    %dma_start3A_44 = tpu.memref_slice %arg2[%add3A_43] : memref<327680xi32, #tpu.memory_space<hbm>> -> memref<64xi32, #tpu.memory_space<hbm>>
    %dma_start3A_45 = tpu.memref_slice %arg2[%add3A_43] : memref<327680xi32, #tpu.memory_space<hbm>> -> memref<64xi32, #tpu.memory_space<hbm>>
    tpu.enqueue_dma source(%dma_start3A_45 : memref<64xi32, #tpu.memory_space<hbm>>) target(%arg16 : memref<64xi32, #tpu.memory_space<vmem>>) target_semaphore(%arg37 : memref<!tpu.dma_semaphore, #tpu.memory_space<semaphore_mem>>)
    %add3A_46 = arith.constant 0 : i32
    %add3A_47 = arith.addi %mul3A_4, %add3A_46 : i32
    %dma_wait3A = tpu.memref_slice %arg3[%add3A_47] : memref<327680xi32, #tpu.memory_space<hbm>> -> memref<64xi32, #tpu.memory_space<hbm>>
    %dma_wait3A_48 = tpu.memref_slice %arg3[%add3A_47] : memref<327680xi32, #tpu.memory_space<hbm>> -> memref<64xi32, #tpu.memory_space<hbm>>
    tpu.wait_dma2 semaphore(%arg23 : memref<!tpu.dma_semaphore, #tpu.memory_space<semaphore_mem>>) src(%dma_wait3A_48 : memref<64xi32, #tpu.memory_space<hbm>>) dst(%arg7 : memref<64xi32, #tpu.memory_space<vmem>>)
    %dma_start3A_49 = arith.constant 0 : i32
    %dma_start3A_50 = arith.constant 0 : i32
    %dma_start3A_51 = tpu.memref_slice %arg4[%dma_start3A_49, %dma_start3A_50] : memref<10240x128xf32, #tpu.memory_space<hbm>> -> memref<10240x128xf32, #tpu.memory_space<hbm>>
    tpu.enqueue_indirect_dma source(%dma_start3A_51 : memref<10240x128xf32, #tpu.memory_space<hbm>>) target(%arg17 : memref<64x128xf32, #tpu.memory_space<vmem>>) offsets(%arg7 : memref<64xi32, #tpu.memory_space<vmem>>) semaphore(%arg28 : memref<!tpu.dma_semaphore, #tpu.memory_space<semaphore_mem>>)
    %add3A_52 = arith.constant 64 : i32
    %add3A_53 = arith.addi %mul3A_4, %add3A_52 : i32
    %dma_wait3A_54 = tpu.memref_slice %arg3[%add3A_53] : memref<327680xi32, #tpu.memory_space<hbm>> -> memref<64xi32, #tpu.memory_space<hbm>>
    %dma_wait3A_55 = tpu.memref_slice %arg3[%add3A_53] : memref<327680xi32, #tpu.memory_space<hbm>> -> memref<64xi32, #tpu.memory_space<hbm>>
    tpu.wait_dma2 semaphore(%arg24 : memref<!tpu.dma_semaphore, #tpu.memory_space<semaphore_mem>>) src(%dma_wait3A_55 : memref<64xi32, #tpu.memory_space<hbm>>) dst(%arg8 : memref<64xi32, #tpu.memory_space<vmem>>)
    %dma_start3A_56 = arith.constant 0 : i32
    %dma_start3A_57 = arith.constant 0 : i32
    %dma_start3A_58 = tpu.memref_slice %arg4[%dma_start3A_56, %dma_start3A_57] : memref<10240x128xf32, #tpu.memory_space<hbm>> -> memref<10240x128xf32, #tpu.memory_space<hbm>>
    tpu.enqueue_indirect_dma source(%dma_start3A_58 : memref<10240x128xf32, #tpu.memory_space<hbm>>) target(%arg18 : memref<64x128xf32, #tpu.memory_space<vmem>>) offsets(%arg8 : memref<64xi32, #tpu.memory_space<vmem>>) semaphore(%arg29 : memref<!tpu.dma_semaphore, #tpu.memory_space<semaphore_mem>>)
    %add3A_59 = arith.constant 128 : i32
    %add3A_60 = arith.addi %mul3A_4, %add3A_59 : i32
    %dma_wait3A_61 = tpu.memref_slice %arg3[%add3A_60] : memref<327680xi32, #tpu.memory_space<hbm>> -> memref<64xi32, #tpu.memory_space<hbm>>
    %dma_wait3A_62 = tpu.memref_slice %arg3[%add3A_60] : memref<327680xi32, #tpu.memory_space<hbm>> -> memref<64xi32, #tpu.memory_space<hbm>>
    tpu.wait_dma2 semaphore(%arg25 : memref<!tpu.dma_semaphore, #tpu.memory_space<semaphore_mem>>) src(%dma_wait3A_62 : memref<64xi32, #tpu.memory_space<hbm>>) dst(%arg9 : memref<64xi32, #tpu.memory_space<vmem>>)
    %dma_start3A_63 = arith.constant 0 : i32
    %dma_start3A_64 = arith.constant 0 : i32
    %dma_start3A_65 = tpu.memref_slice %arg4[%dma_start3A_63, %dma_start3A_64] : memref<10240x128xf32, #tpu.memory_space<hbm>> -> memref<10240x128xf32, #tpu.memory_space<hbm>>
    tpu.enqueue_indirect_dma source(%dma_start3A_65 : memref<10240x128xf32, #tpu.memory_space<hbm>>) target(%arg19 : memref<64x128xf32, #tpu.memory_space<vmem>>) offsets(%arg9 : memref<64xi32, #tpu.memory_space<vmem>>) semaphore(%arg30 : memref<!tpu.dma_semaphore, #tpu.memory_space<semaphore_mem>>)
    %add3A_66 = arith.constant 192 : i32
    %add3A_67 = arith.addi %mul3A_4, %add3A_66 : i32
    %dma_wait3A_68 = tpu.memref_slice %arg3[%add3A_67] : memref<327680xi32, #tpu.memory_space<hbm>> -> memref<64xi32, #tpu.memory_space<hbm>>
    %dma_wait3A_69 = tpu.memref_slice %arg3[%add3A_67] : memref<327680xi32, #tpu.memory_space<hbm>> -> memref<64xi32, #tpu.memory_space<hbm>>
    tpu.wait_dma2 semaphore(%arg26 : memref<!tpu.dma_semaphore, #tpu.memory_space<semaphore_mem>>) src(%dma_wait3A_69 : memref<64xi32, #tpu.memory_space<hbm>>) dst(%arg10 : memref<64xi32, #tpu.memory_space<vmem>>)
    %dma_start3A_70 = arith.constant 0 : i32
    %dma_start3A_71 = arith.constant 0 : i32
    %dma_start3A_72 = tpu.memref_slice %arg4[%dma_start3A_70, %dma_start3A_71] : memref<10240x128xf32, #tpu.memory_space<hbm>> -> memref<10240x128xf32, #tpu.memory_space<hbm>>
    tpu.enqueue_indirect_dma source(%dma_start3A_72 : memref<10240x128xf32, #tpu.memory_space<hbm>>) target(%arg20 : memref<64x128xf32, #tpu.memory_space<vmem>>) offsets(%arg10 : memref<64xi32, #tpu.memory_space<vmem>>) semaphore(%arg31 : memref<!tpu.dma_semaphore, #tpu.memory_space<semaphore_mem>>)
    %add3A_73 = arith.constant 256 : i32
    %add3A_74 = arith.addi %mul3A_4, %add3A_73 : i32
    %dma_wait3A_75 = tpu.memref_slice %arg3[%add3A_74] : memref<327680xi32, #tpu.memory_space<hbm>> -> memref<64xi32, #tpu.memory_space<hbm>>
    %dma_wait3A_76 = tpu.memref_slice %arg3[%add3A_74] : memref<327680xi32, #tpu.memory_space<hbm>> -> memref<64xi32, #tpu.memory_space<hbm>>
    tpu.wait_dma2 semaphore(%arg27 : memref<!tpu.dma_semaphore, #tpu.memory_space<semaphore_mem>>) src(%dma_wait3A_76 : memref<64xi32, #tpu.memory_space<hbm>>) dst(%arg11 : memref<64xi32, #tpu.memory_space<vmem>>)
    %dma_start3A_77 = arith.constant 0 : i32
    %dma_start3A_78 = arith.constant 0 : i32
    %dma_start3A_79 = tpu.memref_slice %arg4[%dma_start3A_77, %dma_start3A_78] : memref<10240x128xf32, #tpu.memory_space<hbm>> -> memref<10240x128xf32, #tpu.memory_space<hbm>>
    tpu.enqueue_indirect_dma source(%dma_start3A_79 : memref<10240x128xf32, #tpu.memory_space<hbm>>) target(%arg21 : memref<64x128xf32, #tpu.memory_space<vmem>>) offsets(%arg11 : memref<64xi32, #tpu.memory_space<vmem>>) semaphore(%arg32 : memref<!tpu.dma_semaphore, #tpu.memory_space<semaphore_mem>>)
    %scan3A = arith.constant 0 : i32
    %scan3A_80 = arith.constant 0 : i32
    %scan3A_81 = arith.constant 32 : i32
    %scan3A_82 = arith.addi %scan3A_80, %scan3A_81 : i32
    %scan3A_83 = arith.constant 1 : i32
    scf.for %scan3A_105 = %scan3A_80 to %scan3A_82 step %scan3A_83  : i32 {
      %mul3A_106 = arith.constant 5 : i32
      %mul3A_107 = arith.muli %scan3A_105, %mul3A_106 : i32
      %add3A_108 = arith.constant 5 : i32
      %add3A_109 = arith.addi %mul3A_107, %add3A_108 : i32
      %dma_wait3A_110 = arith.constant 0 : i32
      %dma_wait3A_111 = arith.constant 0 : i32
      %dma_wait3A_112 = tpu.memref_slice %arg4[%dma_wait3A_110, %dma_wait3A_111] : memref<10240x128xf32, #tpu.memory_space<hbm>> -> memref<10240x128xf32, #tpu.memory_space<hbm>>
      tpu.wait_indirect_dma semaphore(%arg28 : memref<!tpu.dma_semaphore, #tpu.memory_space<semaphore_mem>>) src(%dma_wait3A_112 : memref<10240x128xf32, #tpu.memory_space<hbm>>) dst(%arg17 : memref<64x128xf32, #tpu.memory_space<vmem>>)
      %add3A_113 = arith.constant 1 : i32
      %add3A_114 = arith.addi %scan3A_105, %add3A_113 : i32
      %lt3A = arith.constant 32 : i32
      %lt3A_115 = arith.cmpi slt, %add3A_114, %lt3A : i32
      %convert_element_type3A = arith.extui %lt3A_115 : i1 to i32
      %cond3A = arith.constant 0 : i32
      %cond3A_116 = arith.cmpi ne, %convert_element_type3A, %cond3A : i32
      scf.if %cond3A_116 {
        %add3A_214 = arith.constant 0 : i32
        %add3A_215 = arith.addi %add3A_109, %add3A_214 : i32
        %mul3A_216 = arith.constant 64 : i32
        %mul3A_217 = arith.muli %add3A_215, %mul3A_216 : i32
        %add3A_218 = arith.addi %mul3A_4, %mul3A_217 : i32
        %dma_start3A_219 = tpu.memref_slice %arg3[%add3A_218] : memref<327680xi32, #tpu.memory_space<hbm>> -> memref<64xi32, #tpu.memory_space<hbm>>
        %dma_start3A_220 = tpu.memref_slice %arg3[%add3A_218] : memref<327680xi32, #tpu.memory_space<hbm>> -> memref<64xi32, #tpu.memory_space<hbm>>
        tpu.enqueue_dma source(%dma_start3A_220 : memref<64xi32, #tpu.memory_space<hbm>>) target(%arg7 : memref<64xi32, #tpu.memory_space<vmem>>) target_semaphore(%arg23 : memref<!tpu.dma_semaphore, #tpu.memory_space<semaphore_mem>>)
      } else {
      }
      %add3A_117 = arith.constant 0 : i32
      %add3A_118 = arith.addi %mul3A_107, %add3A_117 : i32
      %mul3A_119 = arith.constant 64 : i32
      %mul3A_120 = arith.muli %add3A_118, %mul3A_119 : i32
      %add3A_121 = arith.addi %mul3A_4, %mul3A_120 : i32
      %dma_wait3A_122 = tpu.memref_slice %arg2[%add3A_121] : memref<327680xi32, #tpu.memory_space<hbm>> -> memref<64xi32, #tpu.memory_space<hbm>>
      %dma_wait3A_123 = tpu.memref_slice %arg2[%add3A_121] : memref<327680xi32, #tpu.memory_space<hbm>> -> memref<64xi32, #tpu.memory_space<hbm>>
      tpu.wait_dma2 semaphore(%arg33 : memref<!tpu.dma_semaphore, #tpu.memory_space<semaphore_mem>>) src(%dma_wait3A_123 : memref<64xi32, #tpu.memory_space<hbm>>) dst(%arg12 : memref<64xi32, #tpu.memory_space<vmem>>)
      %dma_start3A_124 = arith.constant 0 : i32
      %dma_start3A_125 = arith.constant 0 : i32
      %dma_start3A_126 = tpu.memref_slice %arg22[%dma_start3A_124, %dma_start3A_125] : memref<10240x128xf32, #tpu.memory_space<vmem_shared>> -> memref<10240x128xf32, #tpu.memory_space<vmem_shared>>
      tpu.enqueue_indirect_dma source(%arg17 : memref<64x128xf32, #tpu.memory_space<vmem>>) target(%dma_start3A_126 : memref<10240x128xf32, #tpu.memory_space<vmem_shared>>) offsets(%arg12 : memref<64xi32, #tpu.memory_space<vmem>>) semaphore(%arg38 : memref<!tpu.dma_semaphore, #tpu.memory_space<semaphore_mem>>) {add = true}
      %dma_wait3A_127 = arith.constant 0 : i32
      %dma_wait3A_128 = arith.constant 0 : i32
      %dma_wait3A_129 = tpu.memref_slice %arg4[%dma_wait3A_127, %dma_wait3A_128] : memref<10240x128xf32, #tpu.memory_space<hbm>> -> memref<10240x128xf32, #tpu.memory_space<hbm>>
      tpu.wait_indirect_dma semaphore(%arg29 : memref<!tpu.dma_semaphore, #tpu.memory_space<semaphore_mem>>) src(%dma_wait3A_129 : memref<10240x128xf32, #tpu.memory_space<hbm>>) dst(%arg18 : memref<64x128xf32, #tpu.memory_space<vmem>>)
      %add3A_130 = arith.constant 1 : i32
      %add3A_131 = arith.addi %scan3A_105, %add3A_130 : i32
      %lt3A_132 = arith.constant 32 : i32
      %lt3A_133 = arith.cmpi slt, %add3A_131, %lt3A_132 : i32
      %convert_element_type3A_134 = arith.extui %lt3A_133 : i1 to i32
      %cond3A_135 = arith.constant 0 : i32
      %cond3A_136 = arith.cmpi ne, %convert_element_type3A_134, %cond3A_135 : i32
      scf.if %cond3A_136 {
        %add3A_214 = arith.constant 1 : i32
        %add3A_215 = arith.addi %add3A_109, %add3A_214 : i32
        %mul3A_216 = arith.constant 64 : i32
        %mul3A_217 = arith.muli %add3A_215, %mul3A_216 : i32
        %add3A_218 = arith.addi %mul3A_4, %mul3A_217 : i32
        %dma_start3A_219 = tpu.memref_slice %arg3[%add3A_218] : memref<327680xi32, #tpu.memory_space<hbm>> -> memref<64xi32, #tpu.memory_space<hbm>>
        %dma_start3A_220 = tpu.memref_slice %arg3[%add3A_218] : memref<327680xi32, #tpu.memory_space<hbm>> -> memref<64xi32, #tpu.memory_space<hbm>>
        tpu.enqueue_dma source(%dma_start3A_220 : memref<64xi32, #tpu.memory_space<hbm>>) target(%arg8 : memref<64xi32, #tpu.memory_space<vmem>>) target_semaphore(%arg24 : memref<!tpu.dma_semaphore, #tpu.memory_space<semaphore_mem>>)
      } else {
      }
      %add3A_137 = arith.constant 1 : i32
      %add3A_138 = arith.addi %mul3A_107, %add3A_137 : i32
      %mul3A_139 = arith.constant 64 : i32
      %mul3A_140 = arith.muli %add3A_138, %mul3A_139 : i32
      %add3A_141 = arith.addi %mul3A_4, %mul3A_140 : i32
      %dma_wait3A_142 = tpu.memref_slice %arg2[%add3A_141] : memref<327680xi32, #tpu.memory_space<hbm>> -> memref<64xi32, #tpu.memory_space<hbm>>
      %dma_wait3A_143 = tpu.memref_slice %arg2[%add3A_141] : memref<327680xi32, #tpu.memory_space<hbm>> -> memref<64xi32, #tpu.memory_space<hbm>>
      tpu.wait_dma2 semaphore(%arg34 : memref<!tpu.dma_semaphore, #tpu.memory_space<semaphore_mem>>) src(%dma_wait3A_143 : memref<64xi32, #tpu.memory_space<hbm>>) dst(%arg13 : memref<64xi32, #tpu.memory_space<vmem>>)
      %dma_start3A_144 = arith.constant 0 : i32
      %dma_start3A_145 = arith.constant 0 : i32
      %dma_start3A_146 = tpu.memref_slice %arg22[%dma_start3A_144, %dma_start3A_145] : memref<10240x128xf32, #tpu.memory_space<vmem_shared>> -> memref<10240x128xf32, #tpu.memory_space<vmem_shared>>
      tpu.enqueue_indirect_dma source(%arg18 : memref<64x128xf32, #tpu.memory_space<vmem>>) target(%dma_start3A_146 : memref<10240x128xf32, #tpu.memory_space<vmem_shared>>) offsets(%arg13 : memref<64xi32, #tpu.memory_space<vmem>>) semaphore(%arg39 : memref<!tpu.dma_semaphore, #tpu.memory_space<semaphore_mem>>) {add = true}
      %dma_wait3A_147 = arith.constant 0 : i32
      %dma_wait3A_148 = arith.constant 0 : i32
      %dma_wait3A_149 = tpu.memref_slice %arg4[%dma_wait3A_147, %dma_wait3A_148] : memref<10240x128xf32, #tpu.memory_space<hbm>> -> memref<10240x128xf32, #tpu.memory_space<hbm>>
      tpu.wait_indirect_dma semaphore(%arg30 : memref<!tpu.dma_semaphore, #tpu.memory_space<semaphore_mem>>) src(%dma_wait3A_149 : memref<10240x128xf32, #tpu.memory_space<hbm>>) dst(%arg19 : memref<64x128xf32, #tpu.memory_space<vmem>>)
      %add3A_150 = arith.constant 1 : i32
      %add3A_151 = arith.addi %scan3A_105, %add3A_150 : i32
      %lt3A_152 = arith.constant 32 : i32
      %lt3A_153 = arith.cmpi slt, %add3A_151, %lt3A_152 : i32
      %convert_element_type3A_154 = arith.extui %lt3A_153 : i1 to i32
      %cond3A_155 = arith.constant 0 : i32
      %cond3A_156 = arith.cmpi ne, %convert_element_type3A_154, %cond3A_155 : i32
      scf.if %cond3A_156 {
        %add3A_214 = arith.constant 2 : i32
        %add3A_215 = arith.addi %add3A_109, %add3A_214 : i32
        %mul3A_216 = arith.constant 64 : i32
        %mul3A_217 = arith.muli %add3A_215, %mul3A_216 : i32
        %add3A_218 = arith.addi %mul3A_4, %mul3A_217 : i32
        %dma_start3A_219 = tpu.memref_slice %arg3[%add3A_218] : memref<327680xi32, #tpu.memory_space<hbm>> -> memref<64xi32, #tpu.memory_space<hbm>>
        %dma_start3A_220 = tpu.memref_slice %arg3[%add3A_218] : memref<327680xi32, #tpu.memory_space<hbm>> -> memref<64xi32, #tpu.memory_space<hbm>>
        tpu.enqueue_dma source(%dma_start3A_220 : memref<64xi32, #tpu.memory_space<hbm>>) target(%arg9 : memref<64xi32, #tpu.memory_space<vmem>>) target_semaphore(%arg25 : memref<!tpu.dma_semaphore, #tpu.memory_space<semaphore_mem>>)
      } else {
      }
      %add3A_157 = arith.constant 2 : i32
      %add3A_158 = arith.addi %mul3A_107, %add3A_157 : i32
      %mul3A_159 = arith.constant 64 : i32
      %mul3A_160 = arith.muli %add3A_158, %mul3A_159 : i32
      %add3A_161 = arith.addi %mul3A_4, %mul3A_160 : i32
      %dma_wait3A_162 = tpu.memref_slice %arg2[%add3A_161] : memref<327680xi32, #tpu.memory_space<hbm>> -> memref<64xi32, #tpu.memory_space<hbm>>
      %dma_wait3A_163 = tpu.memref_slice %arg2[%add3A_161] : memref<327680xi32, #tpu.memory_space<hbm>> -> memref<64xi32, #tpu.memory_space<hbm>>
      tpu.wait_dma2 semaphore(%arg35 : memref<!tpu.dma_semaphore, #tpu.memory_space<semaphore_mem>>) src(%dma_wait3A_163 : memref<64xi32, #tpu.memory_space<hbm>>) dst(%arg14 : memref<64xi32, #tpu.memory_space<vmem>>)
      %dma_start3A_164 = arith.constant 0 : i32
      %dma_start3A_165 = arith.constant 0 : i32
      %dma_start3A_166 = tpu.memref_slice %arg22[%dma_start3A_164, %dma_start3A_165] : memref<10240x128xf32, #tpu.memory_space<vmem_shared>> -> memref<10240x128xf32, #tpu.memory_space<vmem_shared>>
      tpu.enqueue_indirect_dma source(%arg19 : memref<64x128xf32, #tpu.memory_space<vmem>>) target(%dma_start3A_166 : memref<10240x128xf32, #tpu.memory_space<vmem_shared>>) offsets(%arg14 : memref<64xi32, #tpu.memory_space<vmem>>) semaphore(%arg40 : memref<!tpu.dma_semaphore, #tpu.memory_space<semaphore_mem>>) {add = true}
      %dma_wait3A_167 = arith.constant 0 : i32
      %dma_wait3A_168 = arith.constant 0 : i32
      %dma_wait3A_169 = tpu.memref_slice %arg4[%dma_wait3A_167, %dma_wait3A_168] : memref<10240x128xf32, #tpu.memory_space<hbm>> -> memref<10240x128xf32, #tpu.memory_space<hbm>>
      tpu.wait_indirect_dma semaphore(%arg31 : memref<!tpu.dma_semaphore, #tpu.memory_space<semaphore_mem>>) src(%dma_wait3A_169 : memref<10240x128xf32, #tpu.memory_space<hbm>>) dst(%arg20 : memref<64x128xf32, #tpu.memory_space<vmem>>)
      %add3A_170 = arith.constant 1 : i32
      %add3A_171 = arith.addi %scan3A_105, %add3A_170 : i32
      %lt3A_172 = arith.constant 32 : i32
      %lt3A_173 = arith.cmpi slt, %add3A_171, %lt3A_172 : i32
      %convert_element_type3A_174 = arith.extui %lt3A_173 : i1 to i32
      %cond3A_175 = arith.constant 0 : i32
      %cond3A_176 = arith.cmpi ne, %convert_element_type3A_174, %cond3A_175 : i32
      scf.if %cond3A_176 {
        %add3A_214 = arith.constant 3 : i32
        %add3A_215 = arith.addi %add3A_109, %add3A_214 : i32
        %mul3A_216 = arith.constant 64 : i32
        %mul3A_217 = arith.muli %add3A_215, %mul3A_216 : i32
        %add3A_218 = arith.addi %mul3A_4, %mul3A_217 : i32
        %dma_start3A_219 = tpu.memref_slice %arg3[%add3A_218] : memref<327680xi32, #tpu.memory_space<hbm>> -> memref<64xi32, #tpu.memory_space<hbm>>
        %dma_start3A_220 = tpu.memref_slice %arg3[%add3A_218] : memref<327680xi32, #tpu.memory_space<hbm>> -> memref<64xi32, #tpu.memory_space<hbm>>
        tpu.enqueue_dma source(%dma_start3A_220 : memref<64xi32, #tpu.memory_space<hbm>>) target(%arg10 : memref<64xi32, #tpu.memory_space<vmem>>) target_semaphore(%arg26 : memref<!tpu.dma_semaphore, #tpu.memory_space<semaphore_mem>>)
      } else {
      }
      %add3A_177 = arith.constant 3 : i32
      %add3A_178 = arith.addi %mul3A_107, %add3A_177 : i32
      %mul3A_179 = arith.constant 64 : i32
      %mul3A_180 = arith.muli %add3A_178, %mul3A_179 : i32
      %add3A_181 = arith.addi %mul3A_4, %mul3A_180 : i32
      %dma_wait3A_182 = tpu.memref_slice %arg2[%add3A_181] : memref<327680xi32, #tpu.memory_space<hbm>> -> memref<64xi32, #tpu.memory_space<hbm>>
      %dma_wait3A_183 = tpu.memref_slice %arg2[%add3A_181] : memref<327680xi32, #tpu.memory_space<hbm>> -> memref<64xi32, #tpu.memory_space<hbm>>
      tpu.wait_dma2 semaphore(%arg36 : memref<!tpu.dma_semaphore, #tpu.memory_space<semaphore_mem>>) src(%dma_wait3A_183 : memref<64xi32, #tpu.memory_space<hbm>>) dst(%arg15 : memref<64xi32, #tpu.memory_space<vmem>>)
      %dma_start3A_184 = arith.constant 0 : i32
      %dma_start3A_185 = arith.constant 0 : i32
      %dma_start3A_186 = tpu.memref_slice %arg22[%dma_start3A_184, %dma_start3A_185] : memref<10240x128xf32, #tpu.memory_space<vmem_shared>> -> memref<10240x128xf32, #tpu.memory_space<vmem_shared>>
      tpu.enqueue_indirect_dma source(%arg20 : memref<64x128xf32, #tpu.memory_space<vmem>>) target(%dma_start3A_186 : memref<10240x128xf32, #tpu.memory_space<vmem_shared>>) offsets(%arg15 : memref<64xi32, #tpu.memory_space<vmem>>) semaphore(%arg41 : memref<!tpu.dma_semaphore, #tpu.memory_space<semaphore_mem>>) {add = true}
      %dma_wait3A_187 = arith.constant 0 : i32
      %dma_wait3A_188 = arith.constant 0 : i32
      %dma_wait3A_189 = tpu.memref_slice %arg4[%dma_wait3A_187, %dma_wait3A_188] : memref<10240x128xf32, #tpu.memory_space<hbm>> -> memref<10240x128xf32, #tpu.memory_space<hbm>>
      tpu.wait_indirect_dma semaphore(%arg32 : memref<!tpu.dma_semaphore, #tpu.memory_space<semaphore_mem>>) src(%dma_wait3A_189 : memref<10240x128xf32, #tpu.memory_space<hbm>>) dst(%arg21 : memref<64x128xf32, #tpu.memory_space<vmem>>)
      %add3A_190 = arith.constant 1 : i32
      %add3A_191 = arith.addi %scan3A_105, %add3A_190 : i32
      %lt3A_192 = arith.constant 32 : i32
      %lt3A_193 = arith.cmpi slt, %add3A_191, %lt3A_192 : i32
      %convert_element_type3A_194 = arith.extui %lt3A_193 : i1 to i32
      %cond3A_195 = arith.constant 0 : i32
      %cond3A_196 = arith.cmpi ne, %convert_element_type3A_194, %cond3A_195 : i32
      scf.if %cond3A_196 {
        %add3A_214 = arith.constant 4 : i32
        %add3A_215 = arith.addi %add3A_109, %add3A_214 : i32
        %mul3A_216 = arith.constant 64 : i32
        %mul3A_217 = arith.muli %add3A_215, %mul3A_216 : i32
        %add3A_218 = arith.addi %mul3A_4, %mul3A_217 : i32
        %dma_start3A_219 = tpu.memref_slice %arg3[%add3A_218] : memref<327680xi32, #tpu.memory_space<hbm>> -> memref<64xi32, #tpu.memory_space<hbm>>
        %dma_start3A_220 = tpu.memref_slice %arg3[%add3A_218] : memref<327680xi32, #tpu.memory_space<hbm>> -> memref<64xi32, #tpu.memory_space<hbm>>
        tpu.enqueue_dma source(%dma_start3A_220 : memref<64xi32, #tpu.memory_space<hbm>>) target(%arg11 : memref<64xi32, #tpu.memory_space<vmem>>) target_semaphore(%arg27 : memref<!tpu.dma_semaphore, #tpu.memory_space<semaphore_mem>>)
      } else {
      }
      %add3A_197 = arith.constant 4 : i32
      %add3A_198 = arith.addi %mul3A_107, %add3A_197 : i32
      %mul3A_199 = arith.constant 64 : i32
      %mul3A_200 = arith.muli %add3A_198, %mul3A_199 : i32
      %add3A_201 = arith.addi %mul3A_4, %mul3A_200 : i32
      %dma_wait3A_202 = tpu.memref_slice %arg2[%add3A_201] : memref<327680xi32, #tpu.memory_space<hbm>> -> memref<64xi32, #tpu.memory_space<hbm>>
      %dma_wait3A_203 = tpu.memref_slice %arg2[%add3A_201] : memref<327680xi32, #tpu.memory_space<hbm>> -> memref<64xi32, #tpu.memory_space<hbm>>
      tpu.wait_dma2 semaphore(%arg37 : memref<!tpu.dma_semaphore, #tpu.memory_space<semaphore_mem>>) src(%dma_wait3A_203 : memref<64xi32, #tpu.memory_space<hbm>>) dst(%arg16 : memref<64xi32, #tpu.memory_space<vmem>>)
      %dma_start3A_204 = arith.constant 0 : i32
      %dma_start3A_205 = arith.constant 0 : i32
      %dma_start3A_206 = tpu.memref_slice %arg22[%dma_start3A_204, %dma_start3A_205] : memref<10240x128xf32, #tpu.memory_space<vmem_shared>> -> memref<10240x128xf32, #tpu.memory_space<vmem_shared>>
      tpu.enqueue_indirect_dma source(%arg21 : memref<64x128xf32, #tpu.memory_space<vmem>>) target(%dma_start3A_206 : memref<10240x128xf32, #tpu.memory_space<vmem_shared>>) offsets(%arg16 : memref<64xi32, #tpu.memory_space<vmem>>) semaphore(%arg42 : memref<!tpu.dma_semaphore, #tpu.memory_space<semaphore_mem>>) {add = true}
      %add3A_207 = arith.constant 1 : i32
      %add3A_208 = arith.addi %scan3A_105, %add3A_207 : i32
      %lt3A_209 = arith.constant 32 : i32
      %lt3A_210 = arith.cmpi slt, %add3A_208, %lt3A_209 : i32
      %convert_element_type3A_211 = arith.extui %lt3A_210 : i1 to i32
      %cond3A_212 = arith.constant 0 : i32
      %cond3A_213 = arith.cmpi ne, %convert_element_type3A_211, %cond3A_212 : i32
      scf.if %cond3A_213 {
        %dma_wait3A_214 = arith.constant 0 : i32
        %dma_wait3A_215 = arith.constant 0 : i32
        %dma_wait3A_216 = tpu.memref_slice %arg22[%dma_wait3A_214, %dma_wait3A_215] : memref<10240x128xf32, #tpu.memory_space<vmem_shared>> -> memref<10240x128xf32, #tpu.memory_space<vmem_shared>>
        tpu.wait_indirect_dma semaphore(%arg38 : memref<!tpu.dma_semaphore, #tpu.memory_space<semaphore_mem>>) src(%arg17 : memref<64x128xf32, #tpu.memory_space<vmem>>) dst(%dma_wait3A_216 : memref<10240x128xf32, #tpu.memory_space<vmem_shared>>)
        %add3A_217 = arith.constant 0 : i32
        %add3A_218 = arith.addi %add3A_109, %add3A_217 : i32
        %mul3A_219 = arith.constant 64 : i32
        %mul3A_220 = arith.muli %add3A_218, %mul3A_219 : i32
        %add3A_221 = arith.addi %mul3A_4, %mul3A_220 : i32
        %dma_start3A_222 = tpu.memref_slice %arg2[%add3A_221] : memref<327680xi32, #tpu.memory_space<hbm>> -> memref<64xi32, #tpu.memory_space<hbm>>
        %dma_start3A_223 = tpu.memref_slice %arg2[%add3A_221] : memref<327680xi32, #tpu.memory_space<hbm>> -> memref<64xi32, #tpu.memory_space<hbm>>
        tpu.enqueue_dma source(%dma_start3A_223 : memref<64xi32, #tpu.memory_space<hbm>>) target(%arg12 : memref<64xi32, #tpu.memory_space<vmem>>) target_semaphore(%arg33 : memref<!tpu.dma_semaphore, #tpu.memory_space<semaphore_mem>>)
        %add3A_224 = arith.constant 0 : i32
        %add3A_225 = arith.addi %add3A_109, %add3A_224 : i32
        %mul3A_226 = arith.constant 64 : i32
        %mul3A_227 = arith.muli %add3A_225, %mul3A_226 : i32
        %add3A_228 = arith.addi %mul3A_4, %mul3A_227 : i32
        %dma_wait3A_229 = tpu.memref_slice %arg3[%add3A_228] : memref<327680xi32, #tpu.memory_space<hbm>> -> memref<64xi32, #tpu.memory_space<hbm>>
        %dma_wait3A_230 = tpu.memref_slice %arg3[%add3A_228] : memref<327680xi32, #tpu.memory_space<hbm>> -> memref<64xi32, #tpu.memory_space<hbm>>
        tpu.wait_dma2 semaphore(%arg23 : memref<!tpu.dma_semaphore, #tpu.memory_space<semaphore_mem>>) src(%dma_wait3A_230 : memref<64xi32, #tpu.memory_space<hbm>>) dst(%arg7 : memref<64xi32, #tpu.memory_space<vmem>>)
        %dma_start3A_231 = arith.constant 0 : i32
        %dma_start3A_232 = arith.constant 0 : i32
        %dma_start3A_233 = tpu.memref_slice %arg4[%dma_start3A_231, %dma_start3A_232] : memref<10240x128xf32, #tpu.memory_space<hbm>> -> memref<10240x128xf32, #tpu.memory_space<hbm>>
        tpu.enqueue_indirect_dma source(%dma_start3A_233 : memref<10240x128xf32, #tpu.memory_space<hbm>>) target(%arg17 : memref<64x128xf32, #tpu.memory_space<vmem>>) offsets(%arg7 : memref<64xi32, #tpu.memory_space<vmem>>) semaphore(%arg28 : memref<!tpu.dma_semaphore, #tpu.memory_space<semaphore_mem>>)
        %dma_wait3A_234 = arith.constant 0 : i32
        %dma_wait3A_235 = arith.constant 0 : i32
        %dma_wait3A_236 = tpu.memref_slice %arg22[%dma_wait3A_234, %dma_wait3A_235] : memref<10240x128xf32, #tpu.memory_space<vmem_shared>> -> memref<10240x128xf32, #tpu.memory_space<vmem_shared>>
        tpu.wait_indirect_dma semaphore(%arg39 : memref<!tpu.dma_semaphore, #tpu.memory_space<semaphore_mem>>) src(%arg18 : memref<64x128xf32, #tpu.memory_space<vmem>>) dst(%dma_wait3A_236 : memref<10240x128xf32, #tpu.memory_space<vmem_shared>>)
        %add3A_237 = arith.constant 1 : i32
        %add3A_238 = arith.addi %add3A_109, %add3A_237 : i32
        %mul3A_239 = arith.constant 64 : i32
        %mul3A_240 = arith.muli %add3A_238, %mul3A_239 : i32
        %add3A_241 = arith.addi %mul3A_4, %mul3A_240 : i32
        %dma_start3A_242 = tpu.memref_slice %arg2[%add3A_241] : memref<327680xi32, #tpu.memory_space<hbm>> -> memref<64xi32, #tpu.memory_space<hbm>>
        %dma_start3A_243 = tpu.memref_slice %arg2[%add3A_241] : memref<327680xi32, #tpu.memory_space<hbm>> -> memref<64xi32, #tpu.memory_space<hbm>>
        tpu.enqueue_dma source(%dma_start3A_243 : memref<64xi32, #tpu.memory_space<hbm>>) target(%arg13 : memref<64xi32, #tpu.memory_space<vmem>>) target_semaphore(%arg34 : memref<!tpu.dma_semaphore, #tpu.memory_space<semaphore_mem>>)
        %add3A_244 = arith.constant 1 : i32
        %add3A_245 = arith.addi %add3A_109, %add3A_244 : i32
        %mul3A_246 = arith.constant 64 : i32
        %mul3A_247 = arith.muli %add3A_245, %mul3A_246 : i32
        %add3A_248 = arith.addi %mul3A_4, %mul3A_247 : i32
        %dma_wait3A_249 = tpu.memref_slice %arg3[%add3A_248] : memref<327680xi32, #tpu.memory_space<hbm>> -> memref<64xi32, #tpu.memory_space<hbm>>
        %dma_wait3A_250 = tpu.memref_slice %arg3[%add3A_248] : memref<327680xi32, #tpu.memory_space<hbm>> -> memref<64xi32, #tpu.memory_space<hbm>>
        tpu.wait_dma2 semaphore(%arg24 : memref<!tpu.dma_semaphore, #tpu.memory_space<semaphore_mem>>) src(%dma_wait3A_250 : memref<64xi32, #tpu.memory_space<hbm>>) dst(%arg8 : memref<64xi32, #tpu.memory_space<vmem>>)
        %dma_start3A_251 = arith.constant 0 : i32
        %dma_start3A_252 = arith.constant 0 : i32
        %dma_start3A_253 = tpu.memref_slice %arg4[%dma_start3A_251, %dma_start3A_252] : memref<10240x128xf32, #tpu.memory_space<hbm>> -> memref<10240x128xf32, #tpu.memory_space<hbm>>
        tpu.enqueue_indirect_dma source(%dma_start3A_253 : memref<10240x128xf32, #tpu.memory_space<hbm>>) target(%arg18 : memref<64x128xf32, #tpu.memory_space<vmem>>) offsets(%arg8 : memref<64xi32, #tpu.memory_space<vmem>>) semaphore(%arg29 : memref<!tpu.dma_semaphore, #tpu.memory_space<semaphore_mem>>)
        %dma_wait3A_254 = arith.constant 0 : i32
        %dma_wait3A_255 = arith.constant 0 : i32
        %dma_wait3A_256 = tpu.memref_slice %arg22[%dma_wait3A_254, %dma_wait3A_255] : memref<10240x128xf32, #tpu.memory_space<vmem_shared>> -> memref<10240x128xf32, #tpu.memory_space<vmem_shared>>
        tpu.wait_indirect_dma semaphore(%arg40 : memref<!tpu.dma_semaphore, #tpu.memory_space<semaphore_mem>>) src(%arg19 : memref<64x128xf32, #tpu.memory_space<vmem>>) dst(%dma_wait3A_256 : memref<10240x128xf32, #tpu.memory_space<vmem_shared>>)
        %add3A_257 = arith.constant 2 : i32
        %add3A_258 = arith.addi %add3A_109, %add3A_257 : i32
        %mul3A_259 = arith.constant 64 : i32
        %mul3A_260 = arith.muli %add3A_258, %mul3A_259 : i32
        %add3A_261 = arith.addi %mul3A_4, %mul3A_260 : i32
        %dma_start3A_262 = tpu.memref_slice %arg2[%add3A_261] : memref<327680xi32, #tpu.memory_space<hbm>> -> memref<64xi32, #tpu.memory_space<hbm>>
        %dma_start3A_263 = tpu.memref_slice %arg2[%add3A_261] : memref<327680xi32, #tpu.memory_space<hbm>> -> memref<64xi32, #tpu.memory_space<hbm>>
        tpu.enqueue_dma source(%dma_start3A_263 : memref<64xi32, #tpu.memory_space<hbm>>) target(%arg14 : memref<64xi32, #tpu.memory_space<vmem>>) target_semaphore(%arg35 : memref<!tpu.dma_semaphore, #tpu.memory_space<semaphore_mem>>)
        %add3A_264 = arith.constant 2 : i32
        %add3A_265 = arith.addi %add3A_109, %add3A_264 : i32
        %mul3A_266 = arith.constant 64 : i32
        %mul3A_267 = arith.muli %add3A_265, %mul3A_266 : i32
        %add3A_268 = arith.addi %mul3A_4, %mul3A_267 : i32
        %dma_wait3A_269 = tpu.memref_slice %arg3[%add3A_268] : memref<327680xi32, #tpu.memory_space<hbm>> -> memref<64xi32, #tpu.memory_space<hbm>>
        %dma_wait3A_270 = tpu.memref_slice %arg3[%add3A_268] : memref<327680xi32, #tpu.memory_space<hbm>> -> memref<64xi32, #tpu.memory_space<hbm>>
        tpu.wait_dma2 semaphore(%arg25 : memref<!tpu.dma_semaphore, #tpu.memory_space<semaphore_mem>>) src(%dma_wait3A_270 : memref<64xi32, #tpu.memory_space<hbm>>) dst(%arg9 : memref<64xi32, #tpu.memory_space<vmem>>)
        %dma_start3A_271 = arith.constant 0 : i32
        %dma_start3A_272 = arith.constant 0 : i32
        %dma_start3A_273 = tpu.memref_slice %arg4[%dma_start3A_271, %dma_start3A_272] : memref<10240x128xf32, #tpu.memory_space<hbm>> -> memref<10240x128xf32, #tpu.memory_space<hbm>>
        tpu.enqueue_indirect_dma source(%dma_start3A_273 : memref<10240x128xf32, #tpu.memory_space<hbm>>) target(%arg19 : memref<64x128xf32, #tpu.memory_space<vmem>>) offsets(%arg9 : memref<64xi32, #tpu.memory_space<vmem>>) semaphore(%arg30 : memref<!tpu.dma_semaphore, #tpu.memory_space<semaphore_mem>>)
        %dma_wait3A_274 = arith.constant 0 : i32
        %dma_wait3A_275 = arith.constant 0 : i32
        %dma_wait3A_276 = tpu.memref_slice %arg22[%dma_wait3A_274, %dma_wait3A_275] : memref<10240x128xf32, #tpu.memory_space<vmem_shared>> -> memref<10240x128xf32, #tpu.memory_space<vmem_shared>>
        tpu.wait_indirect_dma semaphore(%arg41 : memref<!tpu.dma_semaphore, #tpu.memory_space<semaphore_mem>>) src(%arg20 : memref<64x128xf32, #tpu.memory_space<vmem>>) dst(%dma_wait3A_276 : memref<10240x128xf32, #tpu.memory_space<vmem_shared>>)
        %add3A_277 = arith.constant 3 : i32
        %add3A_278 = arith.addi %add3A_109, %add3A_277 : i32
        %mul3A_279 = arith.constant 64 : i32
        %mul3A_280 = arith.muli %add3A_278, %mul3A_279 : i32
        %add3A_281 = arith.addi %mul3A_4, %mul3A_280 : i32
        %dma_start3A_282 = tpu.memref_slice %arg2[%add3A_281] : memref<327680xi32, #tpu.memory_space<hbm>> -> memref<64xi32, #tpu.memory_space<hbm>>
        %dma_start3A_283 = tpu.memref_slice %arg2[%add3A_281] : memref<327680xi32, #tpu.memory_space<hbm>> -> memref<64xi32, #tpu.memory_space<hbm>>
        tpu.enqueue_dma source(%dma_start3A_283 : memref<64xi32, #tpu.memory_space<hbm>>) target(%arg15 : memref<64xi32, #tpu.memory_space<vmem>>) target_semaphore(%arg36 : memref<!tpu.dma_semaphore, #tpu.memory_space<semaphore_mem>>)
        %add3A_284 = arith.constant 3 : i32
        %add3A_285 = arith.addi %add3A_109, %add3A_284 : i32
        %mul3A_286 = arith.constant 64 : i32
        %mul3A_287 = arith.muli %add3A_285, %mul3A_286 : i32
        %add3A_288 = arith.addi %mul3A_4, %mul3A_287 : i32
        %dma_wait3A_289 = tpu.memref_slice %arg3[%add3A_288] : memref<327680xi32, #tpu.memory_space<hbm>> -> memref<64xi32, #tpu.memory_space<hbm>>
        %dma_wait3A_290 = tpu.memref_slice %arg3[%add3A_288] : memref<327680xi32, #tpu.memory_space<hbm>> -> memref<64xi32, #tpu.memory_space<hbm>>
        tpu.wait_dma2 semaphore(%arg26 : memref<!tpu.dma_semaphore, #tpu.memory_space<semaphore_mem>>) src(%dma_wait3A_290 : memref<64xi32, #tpu.memory_space<hbm>>) dst(%arg10 : memref<64xi32, #tpu.memory_space<vmem>>)
        %dma_start3A_291 = arith.constant 0 : i32
        %dma_start3A_292 = arith.constant 0 : i32
        %dma_start3A_293 = tpu.memref_slice %arg4[%dma_start3A_291, %dma_start3A_292] : memref<10240x128xf32, #tpu.memory_space<hbm>> -> memref<10240x128xf32, #tpu.memory_space<hbm>>
        tpu.enqueue_indirect_dma source(%dma_start3A_293 : memref<10240x128xf32, #tpu.memory_space<hbm>>) target(%arg20 : memref<64x128xf32, #tpu.memory_space<vmem>>) offsets(%arg10 : memref<64xi32, #tpu.memory_space<vmem>>) semaphore(%arg31 : memref<!tpu.dma_semaphore, #tpu.memory_space<semaphore_mem>>)
        %dma_wait3A_294 = arith.constant 0 : i32
        %dma_wait3A_295 = arith.constant 0 : i32
        %dma_wait3A_296 = tpu.memref_slice %arg22[%dma_wait3A_294, %dma_wait3A_295] : memref<10240x128xf32, #tpu.memory_space<vmem_shared>> -> memref<10240x128xf32, #tpu.memory_space<vmem_shared>>
        tpu.wait_indirect_dma semaphore(%arg42 : memref<!tpu.dma_semaphore, #tpu.memory_space<semaphore_mem>>) src(%arg21 : memref<64x128xf32, #tpu.memory_space<vmem>>) dst(%dma_wait3A_296 : memref<10240x128xf32, #tpu.memory_space<vmem_shared>>)
        %add3A_297 = arith.constant 4 : i32
        %add3A_298 = arith.addi %add3A_109, %add3A_297 : i32
        %mul3A_299 = arith.constant 64 : i32
        %mul3A_300 = arith.muli %add3A_298, %mul3A_299 : i32
        %add3A_301 = arith.addi %mul3A_4, %mul3A_300 : i32
        %dma_start3A_302 = tpu.memref_slice %arg2[%add3A_301] : memref<327680xi32, #tpu.memory_space<hbm>> -> memref<64xi32, #tpu.memory_space<hbm>>
        %dma_start3A_303 = tpu.memref_slice %arg2[%add3A_301] : memref<327680xi32, #tpu.memory_space<hbm>> -> memref<64xi32, #tpu.memory_space<hbm>>
        tpu.enqueue_dma source(%dma_start3A_303 : memref<64xi32, #tpu.memory_space<hbm>>) target(%arg16 : memref<64xi32, #tpu.memory_space<vmem>>) target_semaphore(%arg37 : memref<!tpu.dma_semaphore, #tpu.memory_space<semaphore_mem>>)
        %add3A_304 = arith.constant 4 : i32
        %add3A_305 = arith.addi %add3A_109, %add3A_304 : i32
        %mul3A_306 = arith.constant 64 : i32
        %mul3A_307 = arith.muli %add3A_305, %mul3A_306 : i32
        %add3A_308 = arith.addi %mul3A_4, %mul3A_307 : i32
        %dma_wait3A_309 = tpu.memref_slice %arg3[%add3A_308] : memref<327680xi32, #tpu.memory_space<hbm>> -> memref<64xi32, #tpu.memory_space<hbm>>
        %dma_wait3A_310 = tpu.memref_slice %arg3[%add3A_308] : memref<327680xi32, #tpu.memory_space<hbm>> -> memref<64xi32, #tpu.memory_space<hbm>>
        tpu.wait_dma2 semaphore(%arg27 : memref<!tpu.dma_semaphore, #tpu.memory_space<semaphore_mem>>) src(%dma_wait3A_310 : memref<64xi32, #tpu.memory_space<hbm>>) dst(%arg11 : memref<64xi32, #tpu.memory_space<vmem>>)
        %dma_start3A_311 = arith.constant 0 : i32
        %dma_start3A_312 = arith.constant 0 : i32
        %dma_start3A_313 = tpu.memref_slice %arg4[%dma_start3A_311, %dma_start3A_312] : memref<10240x128xf32, #tpu.memory_space<hbm>> -> memref<10240x128xf32, #tpu.memory_space<hbm>>
        tpu.enqueue_indirect_dma source(%dma_start3A_313 : memref<10240x128xf32, #tpu.memory_space<hbm>>) target(%arg21 : memref<64x128xf32, #tpu.memory_space<vmem>>) offsets(%arg11 : memref<64xi32, #tpu.memory_space<vmem>>) semaphore(%arg32 : memref<!tpu.dma_semaphore, #tpu.memory_space<semaphore_mem>>)
      } else {
      }
    }
    %scan3A_84 = arith.constant 32 : i32
    %dma_wait3A_85 = arith.constant 0 : i32
    %dma_wait3A_86 = arith.constant 0 : i32
    %dma_wait3A_87 = tpu.memref_slice %arg22[%dma_wait3A_85, %dma_wait3A_86] : memref<10240x128xf32, #tpu.memory_space<vmem_shared>> -> memref<10240x128xf32, #tpu.memory_space<vmem_shared>>
    tpu.wait_indirect_dma semaphore(%arg38 : memref<!tpu.dma_semaphore, #tpu.memory_space<semaphore_mem>>) src(%arg17 : memref<64x128xf32, #tpu.memory_space<vmem>>) dst(%dma_wait3A_87 : memref<10240x128xf32, #tpu.memory_space<vmem_shared>>)
    %dma_wait3A_88 = arith.constant 0 : i32
    %dma_wait3A_89 = arith.constant 0 : i32
    %dma_wait3A_90 = tpu.memref_slice %arg22[%dma_wait3A_88, %dma_wait3A_89] : memref<10240x128xf32, #tpu.memory_space<vmem_shared>> -> memref<10240x128xf32, #tpu.memory_space<vmem_shared>>
    tpu.wait_indirect_dma semaphore(%arg39 : memref<!tpu.dma_semaphore, #tpu.memory_space<semaphore_mem>>) src(%arg18 : memref<64x128xf32, #tpu.memory_space<vmem>>) dst(%dma_wait3A_90 : memref<10240x128xf32, #tpu.memory_space<vmem_shared>>)
    %dma_wait3A_91 = arith.constant 0 : i32
    %dma_wait3A_92 = arith.constant 0 : i32
    %dma_wait3A_93 = tpu.memref_slice %arg22[%dma_wait3A_91, %dma_wait3A_92] : memref<10240x128xf32, #tpu.memory_space<vmem_shared>> -> memref<10240x128xf32, #tpu.memory_space<vmem_shared>>
    tpu.wait_indirect_dma semaphore(%arg40 : memref<!tpu.dma_semaphore, #tpu.memory_space<semaphore_mem>>) src(%arg19 : memref<64x128xf32, #tpu.memory_space<vmem>>) dst(%dma_wait3A_93 : memref<10240x128xf32, #tpu.memory_space<vmem_shared>>)
    %dma_wait3A_94 = arith.constant 0 : i32
    %dma_wait3A_95 = arith.constant 0 : i32
    %dma_wait3A_96 = tpu.memref_slice %arg22[%dma_wait3A_94, %dma_wait3A_95] : memref<10240x128xf32, #tpu.memory_space<vmem_shared>> -> memref<10240x128xf32, #tpu.memory_space<vmem_shared>>
    tpu.wait_indirect_dma semaphore(%arg41 : memref<!tpu.dma_semaphore, #tpu.memory_space<semaphore_mem>>) src(%arg20 : memref<64x128xf32, #tpu.memory_space<vmem>>) dst(%dma_wait3A_96 : memref<10240x128xf32, #tpu.memory_space<vmem_shared>>)
    %dma_wait3A_97 = arith.constant 0 : i32
    %dma_wait3A_98 = arith.constant 0 : i32
    %dma_wait3A_99 = tpu.memref_slice %arg22[%dma_wait3A_97, %dma_wait3A_98] : memref<10240x128xf32, #tpu.memory_space<vmem_shared>> -> memref<10240x128xf32, #tpu.memory_space<vmem_shared>>
    tpu.wait_indirect_dma semaphore(%arg42 : memref<!tpu.dma_semaphore, #tpu.memory_space<semaphore_mem>>) src(%arg21 : memref<64x128xf32, #tpu.memory_space<vmem>>) dst(%dma_wait3A_99 : memref<10240x128xf32, #tpu.memory_space<vmem_shared>>)
    %barrier3A_100 = arith.constant 0 : index
    tpu.barrier barrier_id(%barrier3A_100)
    %mul3A_101 = arith.constant 640 : i32
    %mul3A_102 = arith.muli %arg1, %mul3A_101 : i32
    %mul3A_103 = arith.constant 640 : i32
    %mul3A_104 = arith.muli %arg1, %mul3A_103 : i32
    "tpu.region"() ({
      %run_scoped3A = tpu.sem_alloc : memref<!tpu.dma_semaphore, #tpu.memory_space<semaphore_mem>>
      %dma_start3A_105 = arith.constant 0 : i32
      %dma_start3A_106 = tpu.memref_slice %arg6[%arg0, %mul3A_104, %dma_start3A_105] : memref<2x10240x128xf32, #tpu.memory_space<hbm>> -> memref<1x640x128xf32, #tpu.memory_space<hbm>>
      %dma_start3A_107 = tpu.memref_squeeze %dma_start3A_106 : memref<1x640x128xf32, #tpu.memory_space<hbm>> -> memref<640x128xf32, #tpu.memory_space<hbm>>
      %dma_start3A_108 = arith.constant 0 : i32
      %dma_start3A_109 = tpu.memref_slice %arg22[%mul3A_102, %dma_start3A_108] : memref<10240x128xf32, #tpu.memory_space<vmem_shared>> -> memref<640x128xf32, #tpu.memory_space<vmem_shared>>
      tpu.enqueue_dma source(%dma_start3A_109 : memref<640x128xf32, #tpu.memory_space<vmem_shared>>) target(%dma_start3A_107 : memref<640x128xf32, #tpu.memory_space<hbm>>) target_semaphore(%run_scoped3A : memref<!tpu.dma_semaphore, #tpu.memory_space<semaphore_mem>>)
      %dma_wait3A_110 = arith.constant 0 : i32
      %dma_wait3A_111 = tpu.memref_slice %arg6[%arg0, %mul3A_104, %dma_wait3A_110] : memref<2x10240x128xf32, #tpu.memory_space<hbm>> -> memref<1x640x128xf32, #tpu.memory_space<hbm>>
      %dma_wait3A_112 = tpu.memref_squeeze %dma_wait3A_111 : memref<1x640x128xf32, #tpu.memory_space<hbm>> -> memref<640x128xf32, #tpu.memory_space<hbm>>
      %dma_wait3A_113 = arith.constant 0 : i32
      %dma_wait3A_114 = tpu.memref_slice %arg22[%mul3A_102, %dma_wait3A_113] : memref<10240x128xf32, #tpu.memory_space<vmem_shared>> -> memref<640x128xf32, #tpu.memory_space<vmem_shared>>
      tpu.wait_dma2 semaphore(%run_scoped3A : memref<!tpu.dma_semaphore, #tpu.memory_space<semaphore_mem>>) src(%dma_wait3A_114 : memref<640x128xf32, #tpu.memory_space<vmem_shared>>) dst(%dma_wait3A_112 : memref<640x128xf32, #tpu.memory_space<hbm>>)
      tpu.yield
    }) : () -> ()
    return
  }
}

module attributes {stable_mosaic.version = 14 : i64} {
  func.func @_scale_body(%arg0: i32, %arg1: memref<1024x32xf32, #tpu.memory_space<vmem>>, %arg2: memref<1024x128xf32, #tpu.memory_space<vmem>>, %arg3: memref<1024x128xf32, #tpu.memory_space<vmem>>, %arg4: memref<1024x16xf32, #tpu.memory_space<vmem>>) attributes {dimension_semantics = [#tpu.dimension_semantics<arbitrary>], iteration_bounds = array<i64: 10>, scalar_prefetch = 0 : i64, scratch_operands = 0 : i64, tpu.core_type = #tpu.core_type<tc>, window_params = [{transform_indices = @transform_0, window_bounds = array<i64: 1024, 32>}, {transform_indices = @transform_1, window_bounds = array<i64: 1024, 128>}, {transform_indices = @transform_2, window_bounds = array<i64: 1024, 128>}, {transform_indices = @transform_3, window_bounds = array<i64: 1024, 16>}]} {
    %get3A = arith.constant 0 : index
    %get3A_0 = arith.constant 0 : index
    %get3A_1 = vector.load %arg1[%get3A, %get3A_0] : memref<1024x32xf32, #tpu.memory_space<vmem>>, vector<1024x32xf32>
    %reduce_sum3A = arith.constant dense<0.000000e+00> : vector<1024xf32>
    %reduce_sum3A_2 = vector.multi_reduction <add>, %get3A_1, %reduce_sum3A [1] : vector<1024x32xf32> to vector<1024xf32>
    %broadcast_in_dim3A = vector.shape_cast %reduce_sum3A_2 : vector<1024xf32> to vector<1024x1xf32>
    %add3A = arith.constant 1.000000e+00 : f32
    %add3A_3 = vector.broadcast %add3A : f32 to vector<1024x1xf32>
    %add3A_4 = arith.addf %broadcast_in_dim3A, %add3A_3 : vector<1024x1xf32>
    %broadcast_in_dim3A_5 = vector.shape_cast %add3A_4 : vector<1024x1xf32> to vector<1024x1xf32>
    %broadcast_in_dim3A_6 = vector.broadcast %broadcast_in_dim3A_5 : vector<1024x1xf32> to vector<1024x16xf32>
    %swap3A = arith.constant 0 : index
    %swap3A_7 = arith.constant 0 : index
    %swap3A_8 = vector.load %arg4[%swap3A, %swap3A_7] : memref<1024x16xf32, #tpu.memory_space<vmem>>, vector<1024x16xf32>
    tpu.vector_store %arg4[%swap3A, %swap3A_7], %broadcast_in_dim3A_6 {strides = array<i32>} : memref<1024x16xf32, #tpu.memory_space<vmem>>, vector<1024x16xf32>,
    %rsqrt3A = math.rsqrt %add3A_4 : vector<1024x1xf32>
    %mul3A = arith.constant 1024 : i32
    %mul3A_9 = arith.muli %arg0, %mul3A : i32
    %iota3A = tpu.iota {dimensions = array<i32: 0>} : vector<1024x1xi32>
    %add3A_10 = vector.broadcast %mul3A_9 : i32 to vector<1024x1xi32>
    %add3A_11 = arith.addi %add3A_10, %iota3A : vector<1024x1xi32>
    %lt3A = arith.constant 10000 : i32
    %lt3A_12 = vector.broadcast %lt3A : i32 to vector<1024x1xi32>
    %lt3A_13 = arith.cmpi slt, %add3A_11, %lt3A_12 : vector<1024x1xi32>
    %get3A_14 = arith.constant 0 : index
    %get3A_15 = arith.constant 0 : index
    %get3A_16 = vector.load %arg2[%get3A_14, %get3A_15] : memref<1024x128xf32, #tpu.memory_space<vmem>>, vector<1024x128xf32>
    %mul3A_17 = vector.broadcast %rsqrt3A : vector<1024x1xf32> to vector<1024x128xf32>
    %mul3A_18 = arith.mulf %get3A_16, %mul3A_17 : vector<1024x128xf32>
    %jit3A = arith.constant 0.000000e+00 : f32
    %broadcast_in_dim3A_19 = vector.shape_cast %lt3A_13 : vector<1024x1xi1> to vector<1024x1xi1>
    %broadcast_in_dim3A_20 = vector.broadcast %broadcast_in_dim3A_19 : vector<1024x1xi1> to vector<1024x128xi1>
    %broadcast_in_dim3A_21 = vector.broadcast %jit3A : f32 to vector<1024x128xf32>
    %select_n3A = arith.select %broadcast_in_dim3A_20, %mul3A_18, %broadcast_in_dim3A_21 : vector<1024x128xi1>, vector<1024x128xf32>
    %swap3A_22 = arith.constant 0 : index
    %swap3A_23 = arith.constant 0 : index
    %swap3A_24 = vector.load %arg3[%swap3A_22, %swap3A_23] : memref<1024x128xf32, #tpu.memory_space<vmem>>, vector<1024x128xf32>
    tpu.vector_store %arg3[%swap3A_22, %swap3A_23], %select_n3A {strides = array<i32>} : memref<1024x128xf32, #tpu.memory_space<vmem>>, vector<1024x128xf32>,
    return
  }
  func.func @transform_0(%arg0: i32) -> (i32, i32) {
    %c0_i32 = arith.constant 0 : i32
    %c0_i32_0 = arith.constant 0 : i32
    return %arg0, %c0_i32 : i32, i32
  }
  func.func @transform_1(%arg0: i32) -> (i32, i32) {
    %c0_i32 = arith.constant 0 : i32
    %c0_i32_0 = arith.constant 0 : i32
    return %arg0, %c0_i32 : i32, i32
  }
  func.func @transform_2(%arg0: i32) -> (i32, i32) {
    %c0_i32 = arith.constant 0 : i32
    %c0_i32_0 = arith.constant 0 : i32
    return %arg0, %c0_i32 : i32, i32
  }
  func.func @transform_3(%arg0: i32) -> (i32, i32) {
    %c0_i32 = arith.constant 0 : i32
    %c0_i32_0 = arith.constant 0 : i32
    return %arg0, %c0_i32 : i32, i32
  }
}

module attributes {stable_mosaic.version = 14 : i64} {
  func.func @_mid_body(%arg0: i32, %arg1: memref<2x1024x128xf32, #tpu.memory_space<vmem>>, %arg2: memref<1024x128xf32, #tpu.memory_space<vmem>>, %arg3: memref<1024x16xf32, #tpu.memory_space<vmem>>, %arg4: memref<1024x128xf32, #tpu.memory_space<vmem>>) attributes {dimension_semantics = [#tpu.dimension_semantics<arbitrary>], iteration_bounds = array<i64: 10>, scalar_prefetch = 0 : i64, scratch_operands = 0 : i64, tpu.core_type = #tpu.core_type<tc>, window_params = [{transform_indices = @transform_0, window_bounds = array<i64: 2, 1024, 128>}, {transform_indices = @transform_1, window_bounds = array<i64: 1024, 128>}, {transform_indices = @transform_2, window_bounds = array<i64: 1024, 16>}, {transform_indices = @transform_3, window_bounds = array<i64: 1024, 128>}]} {
    %get3A = arith.constant 0 : index
    %get3A_0 = arith.constant 0 : index
    %get3A_1 = arith.constant 0 : index
    %get3A_2 = vector.load %arg1[%get3A, %get3A_0, %get3A_1] : memref<2x1024x128xf32, #tpu.memory_space<vmem>>, vector<1x1024x128xf32>
    %get3A_3 = vector.shape_cast %get3A_2 : vector<1x1024x128xf32> to vector<1024x128xf32>
    %get3A_4 = arith.constant 1 : index
    %get3A_5 = arith.constant 0 : index
    %get3A_6 = arith.constant 0 : index
    %get3A_7 = vector.load %arg1[%get3A_4, %get3A_5, %get3A_6] : memref<2x1024x128xf32, #tpu.memory_space<vmem>>, vector<1x1024x128xf32>
    %get3A_8 = vector.shape_cast %get3A_7 : vector<1x1024x128xf32> to vector<1024x128xf32>
    %add3A = arith.addf %get3A_3, %get3A_8 : vector<1024x128xf32>
    %get3A_9 = arith.constant 0 : index
    %get3A_10 = arith.constant 0 : index
    %get3A_11 = vector.load %arg2[%get3A_9, %get3A_10] : memref<1024x128xf32, #tpu.memory_space<vmem>>, vector<1024x128xf32>
    %add3A_12 = arith.addf %add3A, %get3A_11 : vector<1024x128xf32>
    %get3A_13 = arith.constant 0 : index
    %get3A_14 = arith.constant 0 : index
    %get3A_15 = vector.load %arg3[%get3A_13, %get3A_14] : memref<1024x16xf32, #tpu.memory_space<vmem>>, vector<1024x1xf32>
    %rsqrt3A = math.rsqrt %get3A_15 : vector<1024x1xf32>
    %mul3A = arith.mulf %rsqrt3A, %rsqrt3A : vector<1024x1xf32>
    %mul3A_16 = vector.broadcast %mul3A : vector<1024x1xf32> to vector<1024x128xf32>
    %mul3A_17 = arith.mulf %add3A_12, %mul3A_16 : vector<1024x128xf32>
    %swap3A = arith.constant 0 : index
    %swap3A_18 = arith.constant 0 : index
    %swap3A_19 = vector.load %arg4[%swap3A, %swap3A_18] : memref<1024x128xf32, #tpu.memory_space<vmem>>, vector<1024x128xf32>
    tpu.vector_store %arg4[%swap3A, %swap3A_18], %mul3A_17 {strides = array<i32>} : memref<1024x128xf32, #tpu.memory_space<vmem>>, vector<1024x128xf32>,
    return
  }
  func.func @transform_0(%arg0: i32) -> (i32, i32, i32) {
    %c0_i32 = arith.constant 0 : i32
    %c0_i32_0 = arith.constant 0 : i32
    %c0_i32_1 = arith.constant 0 : i32
    return %c0_i32, %arg0, %c0_i32_0 : i32, i32, i32
  }
  func.func @transform_1(%arg0: i32) -> (i32, i32) {
    %c0_i32 = arith.constant 0 : i32
    %c0_i32_0 = arith.constant 0 : i32
    return %arg0, %c0_i32 : i32, i32
  }
  func.func @transform_2(%arg0: i32) -> (i32, i32) {
    %c0_i32 = arith.constant 0 : i32
    %c0_i32_0 = arith.constant 0 : i32
    return %arg0, %c0_i32 : i32, i32
  }
  func.func @transform_3(%arg0: i32) -> (i32, i32) {
    %c0_i32 = arith.constant 0 : i32
    %c0_i32_0 = arith.constant 0 : i32
    return %arg0, %c0_i32 : i32, i32
  }
}

module attributes {stable_mosaic.version = 14 : i64} {
  func.func @_mlp_body(%arg0: i32, %arg1: memref<2x1024x128xf32, #tpu.memory_space<vmem>>, %arg2: memref<1024x128xf32, #tpu.memory_space<vmem>>, %arg3: memref<1024x16xf32, #tpu.memory_space<vmem>>, %arg4: memref<128x256xf32, #tpu.memory_space<vmem>>, %arg5: memref<2x256xf32, #tpu.memory_space<vmem>>, %arg6: memref<256x128xf32, #tpu.memory_space<vmem>>, %arg7: memref<2x128xf32, #tpu.memory_space<vmem>>, %arg8: memref<128x2xf32, #tpu.memory_space<vmem>>, %arg9: memref<1x2xf32, #tpu.memory_space<vmem>>, %arg10: memref<1024x2xf32, #tpu.memory_space<vmem>>) attributes {dimension_semantics = [#tpu.dimension_semantics<arbitrary>], iteration_bounds = array<i64: 10>, scalar_prefetch = 0 : i64, scratch_operands = 0 : i64, tpu.core_type = #tpu.core_type<tc>, window_params = [{transform_indices = @transform_0, window_bounds = array<i64: 2, 1024, 128>}, {transform_indices = @transform_1, window_bounds = array<i64: 1024, 128>}, {transform_indices = @transform_2, window_bounds = array<i64: 1024, 16>}, {pipeline_mode = #tpu.pipeline_mode<synchronous>, transform_indices = @transform_3, window_bounds = array<i64: 128, 256>}, {pipeline_mode = #tpu.pipeline_mode<synchronous>, transform_indices = @transform_4, window_bounds = array<i64: 2, 256>}, {pipeline_mode = #tpu.pipeline_mode<synchronous>, transform_indices = @transform_5, window_bounds = array<i64: 256, 128>}, {pipeline_mode = #tpu.pipeline_mode<synchronous>, transform_indices = @transform_6, window_bounds = array<i64: 2, 128>}, {pipeline_mode = #tpu.pipeline_mode<synchronous>, transform_indices = @transform_7, window_bounds = array<i64: 128, 2>}, {pipeline_mode = #tpu.pipeline_mode<synchronous>, transform_indices = @transform_8, window_bounds = array<i64: 1, 2>}, {transform_indices = @transform_9, window_bounds = array<i64: 1024, 2>}]} {
    %get3A = arith.constant 0 : index
    %get3A_0 = arith.constant 0 : index
    %get3A_1 = vector.load %arg3[%get3A, %get3A_0] : memref<1024x16xf32, #tpu.memory_space<vmem>>, vector<1024x1xf32>
    %rsqrt3A = math.rsqrt %get3A_1 : vector<1024x1xf32>
    %get3A_2 = arith.constant 0 : index
    %get3A_3 = arith.constant 0 : index
    %get3A_4 = arith.constant 0 : index
    %get3A_5 = vector.load %arg1[%get3A_2, %get3A_3, %get3A_4] : memref<2x1024x128xf32, #tpu.memory_space<vmem>>, vector<1x1024x128xf32>
    %get3A_6 = vector.shape_cast %get3A_5 : vector<1x1024x128xf32> to vector<1024x128xf32>
    %get3A_7 = arith.constant 1 : index
    %get3A_8 = arith.constant 0 : index
    %get3A_9 = arith.constant 0 : index
    %get3A_10 = vector.load %arg1[%get3A_7, %get3A_8, %get3A_9] : memref<2x1024x128xf32, #tpu.memory_space<vmem>>, vector<1x1024x128xf32>
    %get3A_11 = vector.shape_cast %get3A_10 : vector<1x1024x128xf32> to vector<1024x128xf32>
    %add3A = arith.addf %get3A_6, %get3A_11 : vector<1024x128xf32>
    %get3A_12 = arith.constant 0 : index
    %get3A_13 = arith.constant 0 : index
    %get3A_14 = vector.load %arg2[%get3A_12, %get3A_13] : memref<1024x128xf32, #tpu.memory_space<vmem>>, vector<1024x128xf32>
    %add3A_15 = arith.addf %add3A, %get3A_14 : vector<1024x128xf32>
    %mul3A = vector.broadcast %rsqrt3A : vector<1024x1xf32> to vector<1024x128xf32>
    %mul3A_16 = arith.mulf %add3A_15, %mul3A : vector<1024x128xf32>
    %get3A_17 = arith.constant 0 : index
    %get3A_18 = arith.constant 0 : index
    %get3A_19 = vector.load %arg4[%get3A_17, %get3A_18] : memref<128x256xf32, #tpu.memory_space<vmem>>, vector<128x256xf32>
    %dot_general3A = arith.constant dense<0.000000e+00> : vector<1024x256xf32>
    %dot_general3A_20 = tpu.matmul %mul3A_16, %get3A_19, %dot_general3A {dimension_numbers = #tpu.dot_dimension_numbers<[1], [0], [0], [1], [0, 0, 1, 1], [], []>, transpose_lhs_hint = false} : vector<1024x128xf32>, vector<128x256xf32>, vector<1024x256xf32> -> vector<1024x256xf32>
    %get3A_21 = arith.constant 0 : index
    %get3A_22 = arith.constant 0 : index
    %get3A_23 = vector.load %arg5[%get3A_21, %get3A_22] : memref<2x256xf32, #tpu.memory_space<vmem>>, vector<1x256xf32>
    %mul3A_24 = vector.broadcast %get3A_23 : vector<1x256xf32> to vector<1024x256xf32>
    %mul3A_25 = arith.mulf %dot_general3A_20, %mul3A_24 : vector<1024x256xf32>
    %get3A_26 = arith.constant 1 : index
    %get3A_27 = arith.constant 0 : index
    %get3A_28 = vector.load %arg5[%get3A_26, %get3A_27] : memref<2x256xf32, #tpu.memory_space<vmem>>, vector<1x256xf32>
    %add3A_29 = vector.broadcast %get3A_28 : vector<1x256xf32> to vector<1024x256xf32>
    %add3A_30 = arith.addf %mul3A_25, %add3A_29 : vector<1024x256xf32>
    %max3A = arith.constant 0.000000e+00 : f32
    %max3A_31 = vector.broadcast %max3A : f32 to vector<1024x256xf32>
    %max3A_32 = arith.maximumf %add3A_30, %max3A_31 : vector<1024x256xf32>
    %get3A_33 = arith.constant 0 : index
    %get3A_34 = arith.constant 0 : index
    %get3A_35 = vector.load %arg6[%get3A_33, %get3A_34] : memref<256x128xf32, #tpu.memory_space<vmem>>, vector<256x128xf32>
    %dot_general3A_36 = arith.constant dense<0.000000e+00> : vector<1024x128xf32>
    %dot_general3A_37 = tpu.matmul %max3A_32, %get3A_35, %dot_general3A_36 {dimension_numbers = #tpu.dot_dimension_numbers<[1], [0], [0], [1], [0, 0, 1, 1], [], []>, transpose_lhs_hint = false} : vector<1024x256xf32>, vector<256x128xf32>, vector<1024x128xf32> -> vector<1024x128xf32>
    %get3A_38 = arith.constant 0 : index
    %get3A_39 = arith.constant 0 : index
    %get3A_40 = vector.load %arg7[%get3A_38, %get3A_39] : memref<2x128xf32, #tpu.memory_space<vmem>>, vector<1x128xf32>
    %mul3A_41 = vector.broadcast %get3A_40 : vector<1x128xf32> to vector<1024x128xf32>
    %mul3A_42 = arith.mulf %dot_general3A_37, %mul3A_41 : vector<1024x128xf32>
    %get3A_43 = arith.constant 1 : index
    %get3A_44 = arith.constant 0 : index
    %get3A_45 = vector.load %arg7[%get3A_43, %get3A_44] : memref<2x128xf32, #tpu.memory_space<vmem>>, vector<1x128xf32>
    %add3A_46 = vector.broadcast %get3A_45 : vector<1x128xf32> to vector<1024x128xf32>
    %add3A_47 = arith.addf %mul3A_42, %add3A_46 : vector<1024x128xf32>
    %max3A_48 = arith.constant 0.000000e+00 : f32
    %max3A_49 = vector.broadcast %max3A_48 : f32 to vector<1024x128xf32>
    %max3A_50 = arith.maximumf %add3A_47, %max3A_49 : vector<1024x128xf32>
    %get3A_51 = arith.constant 0 : index
    %get3A_52 = arith.constant 0 : index
    %get3A_53 = vector.load %arg8[%get3A_51, %get3A_52] : memref<128x2xf32, #tpu.memory_space<vmem>>, vector<128x2xf32>
    %dot_general3A_54 = arith.constant dense<0.000000e+00> : vector<1024x2xf32>
    %dot_general3A_55 = tpu.matmul %max3A_50, %get3A_53, %dot_general3A_54 {dimension_numbers = #tpu.dot_dimension_numbers<[1], [0], [0], [1], [0, 0, 1, 1], [], []>, transpose_lhs_hint = false} : vector<1024x128xf32>, vector<128x2xf32>, vector<1024x2xf32> -> vector<1024x2xf32>
    %get3A_56 = arith.constant 0 : index
    %get3A_57 = arith.constant 0 : index
    %get3A_58 = vector.load %arg9[%get3A_56, %get3A_57] : memref<1x2xf32, #tpu.memory_space<vmem>>, vector<1x2xf32>
    %add3A_59 = vector.broadcast %get3A_58 : vector<1x2xf32> to vector<1024x2xf32>
    %add3A_60 = arith.addf %dot_general3A_55, %add3A_59 : vector<1024x2xf32>
    %swap3A = arith.constant 0 : index
    %swap3A_61 = arith.constant 0 : index
    %swap3A_62 = vector.load %arg10[%swap3A, %swap3A_61] : memref<1024x2xf32, #tpu.memory_space<vmem>>, vector<1024x2xf32>
    tpu.vector_store %arg10[%swap3A, %swap3A_61], %add3A_60 {strides = array<i32>} : memref<1024x2xf32, #tpu.memory_space<vmem>>, vector<1024x2xf32>,
    return
  }
  func.func @transform_0(%arg0: i32) -> (i32, i32, i32) {
    %c0_i32 = arith.constant 0 : i32
    %c0_i32_0 = arith.constant 0 : i32
    %c0_i32_1 = arith.constant 0 : i32
    return %c0_i32, %arg0, %c0_i32_0 : i32, i32, i32
  }
  func.func @transform_1(%arg0: i32) -> (i32, i32) {
    %c0_i32 = arith.constant 0 : i32
    %c0_i32_0 = arith.constant 0 : i32
    return %arg0, %c0_i32 : i32, i32
  }
  func.func @transform_2(%arg0: i32) -> (i32, i32) {
    %c0_i32 = arith.constant 0 : i32
    %c0_i32_0 = arith.constant 0 : i32
    return %arg0, %c0_i32 : i32, i32
  }
  func.func @transform_3(%arg0: i32) -> (i32, i32) {
    %c0_i32 = arith.constant 0 : i32
    %c0_i32_0 = arith.constant 0 : i32
    %c0_i32_1 = arith.constant 0 : i32
    return %c0_i32, %c0_i32_0 : i32, i32
  }
  func.func @transform_4(%arg0: i32) -> (i32, i32) {
    %c0_i32 = arith.constant 0 : i32
    %c0_i32_0 = arith.constant 0 : i32
    %c0_i32_1 = arith.constant 0 : i32
    return %c0_i32, %c0_i32_0 : i32, i32
  }
  func.func @transform_5(%arg0: i32) -> (i32, i32) {
    %c0_i32 = arith.constant 0 : i32
    %c0_i32_0 = arith.constant 0 : i32
    %c0_i32_1 = arith.constant 0 : i32
    return %c0_i32, %c0_i32_0 : i32, i32
  }
  func.func @transform_6(%arg0: i32) -> (i32, i32) {
    %c0_i32 = arith.constant 0 : i32
    %c0_i32_0 = arith.constant 0 : i32
    %c0_i32_1 = arith.constant 0 : i32
    return %c0_i32, %c0_i32_0 : i32, i32
  }
  func.func @transform_7(%arg0: i32) -> (i32, i32) {
    %c0_i32 = arith.constant 0 : i32
    %c0_i32_0 = arith.constant 0 : i32
    %c0_i32_1 = arith.constant 0 : i32
    return %c0_i32, %c0_i32_0 : i32, i32
  }
  func.func @transform_8(%arg0: i32) -> (i32, i32) {
    %c0_i32 = arith.constant 0 : i32
    %c0_i32_0 = arith.constant 0 : i32
    %c0_i32_1 = arith.constant 0 : i32
    return %c0_i32, %c0_i32_0 : i32, i32
  }
  func.func @transform_9(%arg0: i32) -> (i32, i32) {
    %c0_i32 = arith.constant 0 : i32
    %c0_i32_0 = arith.constant 0 : i32
    return %arg0, %c0_i32 : i32, i32
  }
}

</mosaic_0001>

<sc_bundles>
// kernel: kernel.11.cloned.1.call-start
scs
__scs_entry_jumppad:
0x0: {  	(pc) =	sbr.rel $0x88, $3  }
0x1: {  	(tag) =	ssettag $0x0;
	lr =	simm.s32 $0x1  }
0x2: {  	[smem:$0x3F91] =	sst lr;
	_ =	strace $0xD0000000  }
0x3: {  	_ = 	snop  }
0x4: {  	_ = 	snop  }
0x5: {  	_ = 	snop  }
0x6: {  	_ = 	snop  }
0x7: {  	_ = 	snop  }
__scs_overlays_trampoline_lowered:
0x8: {  	[smem:$0x3FA0] =	sst s0  }
0x9: {  	[smem:$0x3FA1] =	sst s1  }
0xa: {  	[smem:$0x3FA2] =	sst s2  }
0xb: {  	[smem:$0x3FA3] =	sst s3  }
0xc: {  	[smem:$0x3FA4] =	sst s4  }
0xd: {  	[smem:$0x3FA5] =	sst s5  }
0xe: {  	[smem:$0x3FA6] =	sst s6  }
0xf: {  	[smem:$0x3FA7] =	sst s7  }
0x10: {  	[smem:$0x3FA8] =	sst s8  }
0x11: {  	[smem:$0x3FA9] =	sst s9;
	s0 =	simm.s32 @!p0 $0x0  }
0x12: {  	s1 =	sld [smem:$0x3F8F];
	s0 =	simm.s32 @p0 $0x1  }
0x13: {  	[smem:$0x3FAA] =	sst s0;
	s0 =	simm.s32 @!p1 $0x0  }
0x14: {  	s2 =	sld [smem:$0x3F8E];
	s0 =	simm.s32 @p1 $0x1  }
0x15: {  	[smem:$0x3FAB] =	sst s0;
	s0 =	simm.s32 @!p2 $0x0  }
0x16: {  	s3 =	sld [smem:$0x3FDB];
	s0 =	simm.s32 @p2 $0x1  }
0x17: {  	s4 =	simm.s32 $0x1BF5;
	[smem:$0x3FAD] =	sst s0  }
0x18: {  	s0 =	sld [smem:$0x3F90];
	_ =	swait.ge [sflag:s4], $0x0  }
0x19: {  	s7 =	sld [smem:$0x3F91]  }
0x1a: {  	s8 =	sadd.s32 $0xFFFFE003, lr  }
0x1b: {  	s9 =	sadd.s32 $0xFFFFFEF7, lr;
	s5 =	simm.s32 $0xFFFFFFFF;
	p2 =	slt.u32 s8, $0xFFFFF086  }
0x1c: {  	p1 =	slt.u32 s9, $0xF7A;
	s5 =	simm.s32 @!p2 $0x0  }
0x1d: {  	s5 =	simm.s32 @p1 $0x1;
	p0 =	seq.s32 s7, s2  }
0x1e: {  	s7 =	smul.u32 @!p0 $0xF7A, s2;
	p2 =	seq.s32 @!p0 s5, $0x0  }
0x1f: {  	s9 =	smul.u32 $0xF7A, s1;
	s8 =	simm.s32 @!p0 $0x1BF5;
	p2 =	por !p2, p0  }
0x20: {  	[sflag:s8] =	ssyncset.s32 @!p0 $0xFFFFF086;
	s6 =	sadd.s32 @!p0 s3, s7;
	s7 =	simm.s32 @!p0 $0x108  }
0x21: {  	s3 =	sadd.s32 s3, s9;
	s6 =	sadd.s32 @!p0 $0x88, s6;
	s7 =	simm.s32 @p2 $0x1082  }
0x22: {  	[simem:s7], [sflag:s8] =	dma.local @!p0 [hbm:s6], $0xF7A  }
0x23: {  	s9 =	sor.u32 $0xD0000000, s2;
	s6 =	simm.s32 $0x108;
	_ =	swait.ge @!p0 [sflag:s8], $0x0  }
0x24: {  	s3 =	sadd.s32 $0x88, s3;
	s6 =	simm.s32 @!p1 $0x1082;
	[sflag:s4] =	ssyncset.s32 $0xFFFFF086  }
0x25: {  	[simem:s6], [sflag:s4] =	dma.local [hbm:s3], $0xF7A  }
0x26: {  	[smem:$0x3F91] =	sst s1;
	(tag) =	ssettag s2;
	_ =	strace s9  }
0x27: {  	s1 =	sld [smem:$0x3FA1]  }
0x28: {  	s2 =	sld [smem:$0x3FA2]  }
0x29: {  	s4 =	sld [smem:$0x3FA4]  }
0x2a: {  	p0 =	seq.s32 s5, $0x0;
	s5 =	sld [smem:$0x3FA5]  }
0x2b: {  	s6 =	sld [smem:$0x3FA6]  }
0x2c: {  	s7 =	sld [smem:$0x3FA7]  }
0x2d: {  	s3 =	simm.s32 $0x108;
	s8 =	sld [smem:$0x3FA8]  }
0x2e: {  	s3 =	simm.s32 @!p0 $0x1082;
	s9 =	sld [smem:$0x3FA9]  }
0x2f: {  	lr =	sadd.s32 s0, s3;
	s0 =	sld [smem:$0x3FA0]  }
0x30: {  	s3 =	sld [smem:$0x3FA3]  }
0x31: {  	[smem:$0x3FAC] =	sst s10  }
0x32: {  	s10 =	sld [smem:$0x3FAA];
	_ =	sdelay $0x3  }
0x33: {  	p0 =	seq.s32 s10, $0x1;
	s10 =	sld [smem:$0x3FAC];
	_ =	sdelay $0x3  }
0x34: {  	[smem:$0x3FAC] =	sst s10  }
0x35: {  	s10 =	sld [smem:$0x3FAB];
	_ =	sdelay $0x3  }
0x36: {  	p1 =	seq.s32 s10, $0x1;
	s10 =	sld [smem:$0x3FAC];
	_ =	sdelay $0x3  }
0x37: {  	[smem:$0x3FAC] =	sst s10  }
0x38: {  	s10 =	sld [smem:$0x3FAD]  }
0x39: {  	_ = 	snop;
	(pc) =	sbr.ind lr, $3  }
0x3a: {  	_ = 	snop  }
0x3b: {  	_ = 	snop  }
0x3c: {  	p2 =	seq.s32 s10, $0x1;
	s10 =	sld [smem:$0x3FAC]  }
0x3d: {  	_ =	shalt  }
0x3e: {  	_ =	shalt  }
0x3f: {  	_ =	shalt  }
0x40: {  	_ =	shalt  }
0x41: {  	_ =	shalt  }
0x42: {  	_ =	shalt  }
0x43: {  	_ =	shalt  }
0x44: {  	_ =	shalt  }
0x45: {  	_ =	shalt  }
0x46: {  	_ =	shalt  }
0x47: {  	_ =	shalt  }
0x48: {  	_ =	shalt  }
0x49: {  	_ =	shalt  }
0x4a: {  	_ =	shalt  }
0x4b: {  	_ =	shalt  }
0x4c: {  	_ =	shalt  }
0x4d: {  	_ =	shalt  }
0x4e: {  	_ =	shalt  }
0x4f: {  	_ =	shalt  }
0x50: {  	_ =	shalt  }
0x51: {  	_ =	shalt  }
0x52: {  	_ =	shalt  }
0x53: {  	_ =	shalt  }
0x54: {  	_ =	shalt  }
0x55: {  	_ =	shalt  }
0x56: {  	_ =	shalt  }
0x57: {  	_ =	shalt  }
0x58: {  	_ =	shalt  }
0x59: {  	_ =	shalt  }
0x5a: {  	_ =	shalt  }
0x5b: {  	_ =	shalt  }
0x5c: {  	_ =	shalt  }
0x5d: {  	_ =	shalt  }
0x5e: {  	_ =	shalt  }
0x5f: {  	_ =	shalt  }
0x60: {  	_ =	shalt  }
0x61: {  	_ =	shalt  }
0x62: {  	_ =	shalt  }
0x63: {  	_ =	shalt  }
0x64: {  	_ =	shalt  }
0x65: {  	_ =	shalt  }
0x66: {  	_ =	shalt  }
0x67: {  	_ =	shalt  }
0x68: {  	_ =	shalt  }
0x69: {  	_ =	shalt  }
0x6a: {  	_ =	shalt  }
0x6b: {  	_ =	shalt  }
0x6c: {  	_ =	shalt  }
0x6d: {  	_ =	shalt  }
0x6e: {  	_ =	shalt  }
0x6f: {  	_ =	shalt  }
0x70: {  	_ =	shalt  }
0x71: {  	_ =	shalt  }
0x72: {  	_ =	shalt  }
0x73: {  	_ =	shalt  }
0x74: {  	_ =	shalt  }
0x75: {  	_ =	shalt  }
0x76: {  	_ =	shalt  }
0x77: {  	_ =	shalt  }
0x78: {  	_ =	shalt  }
0x79: {  	_ =	shalt  }
0x7a: {  	_ =	shalt  }
0x7b: {  	_ =	shalt  }
0x7c: {  	_ =	shalt  }
0x7d: {  	_ =	shalt  }
0x7e: {  	_ =	shalt  }
0x7f: {  	_ =	shalt  }
0x80: {  	_ =	shalt  }
0x81: {  	_ =	shalt  }
0x82: {  	_ =	shalt  }
0x83: {  	_ =	shalt  }
0x84: {  	_ =	shalt  }
0x85: {  	_ =	shalt  }
0x86: {  	_ =	shalt  }
0x87: {  	_ =	shalt  }
.Lfunc_end0:
.L_simem_size_0:
called_computation.1_lowered:
.L_overlay_start_0:
0x88: {  	s2 =	sld [smem:$0x3FD9]  }
0x89: {  	s3 =	sld [smem:$0x3FFE];
	_ =	sdelay $0x1  }
0x8a: {  	s1 =	srdreg.scid  }
0x8b: {  	s0 =	sand.u32 $0x1, s1  }
0x8c: {  	s16 =	sshll.u32 s0, $0xA;
	s2 =	sadd.s32 s3, s2  }
0x8d: {  	s2 =	sadd.s32 s2, s16  }
0x8e: {  	[smem:$0x3FB8] =	sst s2  }
0x8f: {  	_ = 	snop  }
0x90: {  	(tm) =	ssettm $0x1  }
0x91: {  	s17 =	sld [smem:$0x3FFB];
	_ =	sdelay $0x3  }
0x92: {  	_ =	strace s17  }
0x93: {  	s2 =	sld [smem:$0x3FFC];
	_ =	sdelay $0x3  }
0x94: {  	_ =	strace s2  }
0x95: {  	s2 =	sld [smem:$0x3FFD];
	_ =	sdelay $0x3  }
0x96: {  	_ =	strace s2  }
0x97: {  	_ =	strace $0x8FFFFFFF  }
0x98: {  	s18 =	sld [smem:$0x3FDB];
	_ =	sdelay $0x1  }
0x99: {  	s19 =	simm.s32 $_scs_section_size  }
0x9a: {  	s4 =	simm.s32 $_size__tile_overlayer_lowered;
	s5 =	simm.s32 $_tile_overlayer_lowered  }
0x9b: {  	s22 =	simm.s32 $0x1BFF;
	s21 =	sshll.u32 s5, $0x1;
	s2 =	sadd.s32 s19, s18  }
0x9c: {  	s6 =	simm.s32 $0x0;
	s20 =	sshll.u32 s4, $0x1;
	s4 =	sadd.s32 s21, s2  }
0x9d: {  	[timem:s6], [sflag:s22] =	dma.local [hbm:s4], s20  }
0x9e: {  	_ =	swait.ge [sflag:s22], s20  }
0x9f: {  	s3 =	ssub.s32 $0x0, s20;
	[sflag:s22] =	ssyncset.done $0x0  }
0xa0: {  	[sflag:s22] =	ssyncadd.s32 s3;
	_ =	sdelay $0x1  }
0xa1: {  	s23 =	simm.s32 $0x1B8B  }
0xa2: {  	_ =	swait.ge [sflag:s23], $0x1  }
0xa3: {  	[sflag:s23] =	ssyncset.done $0x0  }
0xa4: {  	s25 =	simm.s32 $0x1B8E;
	s24 =	sld [smem:$0x3FFE];
	[sflag:s23] =	ssyncadd.s32 $0xFFFFFFFF  }
0xa5: {  	s26 =	simm.s32 $execute0_lowered;
	[smem:$0x3FD2] =	sst s25  }
0xa6: {  	s4 =	sshll.u32 s26, $0x1;
	_ =	strace $0x80000049;
	[dreg:$0x1] =	wrdreg $0xFFFFFFFF  }
0xa7: {  	s28 =	simm.s32 $_size_execute0_lowered;
	s2 =	sadd.s32 s2, s4;
	[dreg:$0x0] =	wrdreg $0x0  }
0xa8: {  	s4 =	sshll.u32 s28, $0x1;
	[dreg:$0x2] =	wrdreg s2  }
0xa9: {  	[dreg:$0x3] =	wrdreg s4  }
0xaa: {  	[dreg:$0x4] =	wrdreg $0xC0  }
0xab: {  	_ =	task [dreg:s6], $0x5FFFF  }
0xac: {  	[dreg:$0x1] =	wrdreg $0xFFFFFFFF  }
0xad: {  	[dreg:$0x0] =	wrdreg $0x60  }
0xae: {  	[dreg:$0x2] =	wrdreg s24  }
0xaf: {  	[dreg:$0x3] =	wrdreg $0xA5000  }
0xb0: {  	[dreg:$0x4] =	wrdreg $0x9  }
0xb1: {  	_ =	task.clear_ibuf [dreg:s6], $0x5FFFF;
	_ =	strace $0x90000049  }
0xb2: {  	s29 =	simm.s32 $0x9;
	_ =	strace $0x8000004B  }
0xb3: {  	_ =	swait.ge [sflag:s29], $0x1  }
0xb4: {  	[sflag:s29] =	ssyncadd.s32 $0xFFFFFFFF  }
0xb5: {  	_ =	strace $0x9000004B  }
0xb6: {  	_ =	sfence  }
0xb7: {  	s30 =	sld [smem:$0x0];
	_ =	sdelay $0x2  }
0xb8: {  	s31 =	sshll.u32 s1, $0xD;
	s1 =	sshrl.u32 s1, $0x2  }
0xb9: {  	s3 =	sand.u32 $0x4000, s31;
	s1 =	sadd.s32 s1, s30  }
0xba: {  	s0 =	sor.u32 s3, s0;
	s1 =	sshll.u32 s1, $0x11  }
0xbb: {  	s0 =	sor.u32 s1, s0  }
0xbc: {  	s0 =	sadd.s32 $0x8F2B, s0  }
0xbd: {  	[sflag:s0] =	ssyncadd.remote.s32 $0x1  }
0xbe: {  	_ =	sfence.sel $0xFFFF  }
0xbf: {  	[dreg:$0x0] =	wrdreg $0xFFFFFFFF;
	(pc) =	sbr.abs _section_cstart, $3  }
0xc0: {  	[dreg:$0x1] =	wrdreg $0xFFFFFFFF  }
0xc1: {  	_ =	task.clear_ibuf [dreg:s6], $0x2FFFF;
	_ =	strace $0x9FFFFFFF  }
0xc2: {  	(tm) =	ssettm $0x7FFFFFFF  }
0xc3: {  	_ =	shalt  }
tec
execute0_lowered:
.L_overlay_start_1:
0x0: {  	(tag) =	ssettag $0x1  }
0x1: {  	s0 =	srdreg.scid;
	s2 =	rddreg [dreg:$0x0]  }
0x2: {  	s11 =	stileid.u32;
	s1 =	simm.s32 $0x0;
	s29 =	simm.s32 $0x3  }
0x3: {  	s28 =	simm.s32 $0x4;
	s31 =	simm.s32 $0x6500;
	s5 =	smul.u32 $0x14000, s11  }
0x4: {  	s30 =	simm.s32 $0xC;
	s0 =	sand.u32 $0x1, s0;
	s10 =	smul.u32 $0x2800, s11  }
0x5: {  	[smem:$0x7FF] =	sst s1;
	s3 =	smul.u32 $0x140000, s0;
	s4 =	sshll.u32 s0, $0x4  }
0x6: {  	s6 =	ssub.s32 $0x2, s0;
	s0 =	smul.u32 $0x28000, s0;
	s4 =	sor.u32 s11, s4  }
0x7: {  	s7 =	sadd.s32 $0x21E00, s2;
	s8 =	sadd.s32 $0x17E00, s2;
	s4 =	smul.u32 $0x2800, s4  }
0x8: {  	s9 =	sshrl.u32 s6, $0x1;
	s3 =	sadd.s32 s5, s3;
	s0 =	sadd.s32 s10, s0  }
0x9: {  	s5 =	ssub.s32 s6, s9;
	s24 =	sor.u32 $0x200, s0;
	s4 =	sshrl.u32 s4, $0x3  }
0xa: {  	s13 =	sor.u32 $0x180, s0;
	s26 =	sshrl.u32 s24, $0x3;
	s16 =	sadd.s32 s8, s4  }
0xb: {  	s9 =	sshrl.u32 s13, $0x3;
	s17 =	sadd.s32 s7, s4;
	[dreg:$0x3] =	wrdreg s16  }
0xc: {  	s24 =	sadd.s32 $0x2BE00, s2;
	s10 =	sadd.s32 s26, s7;
	[dreg:$0x4] =	wrdreg s17  }
0xd: {  	s18 =	sor.u32 $0x8, s4;
	s15 =	sadd.s32 s9, s7;
	[dreg:$0xd] =	wrdreg s10  }
0xe: {  	s13 =	simm.s32 $0x10;
	s12 =	sadd.s32 s8, s18;
	[dreg:$0xf] =	wrdreg s15  }
0xf: {  	s19 =	sor.u32 $0x10, s4;
	s6 =	sadd.s32 s7, s18;
	[dreg:$0x5] =	wrdreg s12  }
0x10: {  	s22 =	sor.u32 $0x18, s4;
	s20 =	sadd.s32 s8, s19;
	[dreg:$0x6] =	wrdreg s6  }
0x11: {  	s4 =	sor.u32 $0x20, s4;
	s21 =	sadd.s32 s7, s19;
	[dreg:$0x7] =	wrdreg s20  }
0x12: {  	s23 =	sadd.s32 s8, s22;
	s25 =	sadd.s32 s8, s4;
	[dreg:$0x8] =	wrdreg s21  }
0x13: {  	s4 =	sadd.s32 s7, s4;
	s10 =	sor.u32 $0x240, s0;
	[dreg:$0x9] =	wrdreg s23  }
0x14: {  	s17 =	sadd.s32 s9, s8;
	s19 =	smul.u32 $0x50000, s11;
	[dreg:$0xb] =	wrdreg s25  }
0x15: {  	s9 =	simm.s32 $0x1;
	s15 =	simm.s32 $0x12;
	[dreg:$0xc] =	wrdreg s4  }
0x16: {  	s6 =	sadd.s32 s7, s22;
	s12 =	sor.u32 $0x1C0, s0;
	[dreg:$0x14] =	wrdreg s17  }
0x17: {  	s10 =	sshrl.u32 s10, $0x3;
	s0 =	sor.u32 $0x140, s0;
	s21 =	rddreg [dreg:$0x1]  }
0x18: {  	s20 =	sshrl.u32 s3, $0x3;
	s25 =	sshll.u32 s11, $0x6;
	s17 =	simm.s32 $0x15  }
0x19: {  	s11 =	simm.s32 $0x6;
	s3 =	simm.s32 $0xE;
	[dreg:$0xa] =	wrdreg s6  }
0x1a: {  	s4 =	sshrl.u32 s12, $0x3;
	s16 =	sadd.s32 s10, s7;
	s10 =	sadd.s32 s10, s8  }
0x1b: {  	s6 =	sadd.s32 s26, s8;
	s0 =	sshrl.u32 s0, $0x3;
	s22 =	sshrl.u32 s19, $0x2  }
0x1c: {  	s26 =	smax.u32 s5, $0x1;
	s19 =	simm.s32 $0x400;
	[dreg:$0x10] =	wrdreg s16  }
0x1d: {  	s5 =	simm.s32 $0xA;
	s12 =	simm.s32 $0xF;
	[dreg:$0x11] =	wrdreg s10  }
0x1e: {  	s14 =	sadd.s32 s4, s7;
	[dreg:$0x12] =	wrdreg s6;
	s4 =	sadd.s32 s4, s8  }
0x1f: {  	s18 =	sadd.s32 s0, s7;
	s0 =	sadd.s32 s0, s8;
	s23 =	sadd.s32 s22, s21  }
0x20: {  	s6 =	sor.u32 $0x1C15, s25;
	s8 =	simm.s32 $0x300;
	[dreg:$0xe] =	wrdreg s14  }
0x21: {  	s7 =	simm.s32 $0x480;
	s10 =	simm.s32 $0x40;
	[dreg:$0x13] =	wrdreg s4  }
0x22: {  	s25 =	simm.s32 $0x2;
	s16 =	simm.s32 $0x13;
	[dreg:$0x15] =	wrdreg s18  }
0x23: {  	[dreg:$0x16] =	wrdreg s0;
	s0 =	sadd.s32 s20, s2;
	s2 =	sadd.s32 $0x4000, s2  }
.Ltmp0:
0x24: {  	_ =	strace $0x8000004A;
	[dreg:$0x17] =	wrdreg s2;
	(pc) =	sbr.rel .LBB2_1-.Ltmp0, $4  }
0x25: {  	s22 =	simm.s32 $0x14;
	s18 =	simm.s32 $0x5;
	[dreg:$0x18] =	wrdreg s23  }
0x26: {  	s4 =	simm.s32 $0x8500;
	s14 =	simm.s32 $0x11;
	[dreg:$0x1b] =	wrdreg s26  }
0x27: {  	s20 =	simm.s32 $0x0;
	s0 =	sadd.s32 $0x53E00, s0;
	[dreg:$0x19] =	wrdreg s6  }
0x28: {  	s26 =	simm.s32 $0x2500;
	[dreg:$0x1a] =	wrdreg s0;
	s0 =	simm.s32 $0x8  }
.LBB2_3:
0x29: {  	_ =	swait.ge [sflag:s12], $0x40  }
0x2a: {  	[sflag:s12] =	ssyncset.done $0x0  }
0x2b: {  	s8 =	simm.s32 $0x300;
	[sflag:s12] =	ssyncadd.s32 $0xFFFFFFC0  }
0x2c: {  	[spmem:s21] =	stream.indirect.scatter.add.f32 [tilespmem:s4], [sflag:$0x14], $0x80, s7, s10, $0xb8;
	[tilespmem:$0x1E500] =	vst v63  }
.LBB2_5:
0x2d: {  	_ =	swait.ge [sflag:s13], $0x2000  }
0x2e: {  	[sflag:s13] =	ssyncset.done $0x0  }
0x2f: {  	[sflag:s13] =	ssyncadd.s32 $0xFFFFE000  }
0x30: {  	_ =	swait.ge [sflag:s14], $0x2000  }
0x31: {  	[sflag:s14] =	ssyncset.done $0x0  }
0x32: {  	[sflag:s14] =	ssyncadd.s32 $0xFFFFE000  }
0x33: {  	_ =	swait.ge [sflag:s15], $0x2000  }
0x34: {  	[sflag:s15] =	ssyncset.done $0x0  }
0x35: {  	[sflag:s15] =	ssyncadd.s32 $0xFFFFE000  }
0x36: {  	_ =	swait.ge [sflag:s16], $0x2000  }
0x37: {  	[sflag:s16] =	ssyncset.done $0x0  }
0x38: {  	[sflag:s16] =	ssyncadd.s32 $0xFFFFE000  }
0x39: {  	_ =	swait.ge [sflag:s22], $0x2000  }
0x3a: {  	[sflag:s22] =	ssyncset.done $0x0  }
0x3b: {  	[sflag:s22] =	ssyncadd.s32 $0xFFFFE000  }
0x3c: {  	[bflag:$0x0] =	sbarrier.arrive $0xFFFF  }
0x3d: {  	s6 =	rddreg [dreg:$0x19]  }
0x3e: {  	s2 =	rddreg [dreg:$0x1a]  }
0x3f: {  	s17 =	rddreg [dreg:$0x1d]  }
0x40: {  	[hbm:s2], [sflag:s6] =	dma.local [spmem:s17], $0x2800  }
0x41: {  	s17 =	simm.s32 $0x15  }
0x42: {  	_ =	swait.ge [sflag:s17], $0x2800  }
0x43: {  	s20 =	rddreg [dreg:$0x1c]  }
0x44: {  	s23 =	rddreg [dreg:$0x1b];
	s20 =	sadd.s32 $0x1, s20  }
0x45: {  	p0 =	sne.s32 s20, s23  }
.Ltmp1:
0x46: {  	_ = 	snop;
	(pc) =	sbr.rel @!p0 .LBB2_6-.Ltmp1, $3  }
0x47: {  	_ =	sdelay $0x1  }
0x48: {  	[sflag:s17] =	ssyncset.done $0x0  }
0x49: {  	[sflag:s17] =	ssyncadd.s32 $0xFFFFD800  }
.LBB2_1:
0x4a: {  	[dreg:$0x1c] =	wrdreg s20  }
0x4b: {  	s2 =	rddreg [dreg:$0x18]  }
0x4c: {  	s23 =	rddreg [dreg:$0x17];
	s2 =	sshrl.u32 s2, $0x3  }
0x4d: {  	[dreg:$0x1d] =	wrdreg s2  }
0x4e: {  	[spmem:s2], [sflag:s6] =	dma.local [hbm:s23], $0x2800  }
0x4f: {  	_ =	swait.ge [sflag:s17], $0x2800  }
0x50: {  	[sflag:s17] =	ssyncset.done $0x0  }
0x51: {  	[sflag:s17] =	ssyncadd.s32 $0xFFFFD800  }
0x52: {  	[bflag:$0x0] =	sbarrier.arrive $0xFFFF  }
0x53: {  	s23 =	rddreg [dreg:$0x3]  }
0x54: {  	[tilespmem:s1], [sflag:$0x1] =	stream.linear.gather [hbm4b:s23+s1], $0x40, $0x38;
	[tilespmem:$0x1E500] =	vst v63  }
0x55: {  	s17 =	simm.s32 $0x280;
	s6 =	rddreg [dreg:$0x4]  }
0x56: {  	[tilespmem:s17], [sflag:$0xB] =	stream.linear.gather [hbm4b:s6+s1], $0x40, $0x38;
	[tilespmem:$0x1E500] =	vst v63  }
0x57: {  	s20 =	rddreg [dreg:$0x5];
	s6 =	simm.s32 $0x80  }
0x58: {  	[tilespmem:s6], [sflag:$0x2] =	stream.linear.gather [hbm4b:s20+s1], $0x40, $0x38;
	[tilespmem:$0x1E500] =	vst v63  }
0x59: {  	s23 =	rddreg [dreg:$0x6]  }
0x5a: {  	[tilespmem:s8], [sflag:$0xC] =	stream.linear.gather [hbm4b:s23+s1], $0x40, $0x38;
	[tilespmem:$0x1E500] =	vst v63  }
0x5b: {  	s17 =	rddreg [dreg:$0x7];
	s8 =	simm.s32 $0x100  }
0x5c: {  	[tilespmem:s8], [sflag:$0x3] =	stream.linear.gather [hbm4b:s17+s1], $0x40, $0x38;
	[tilespmem:$0x1E500] =	vst v63  }
0x5d: {  	s20 =	rddreg [dreg:$0x8];
	s23 =	simm.s32 $0x380  }
0x5e: {  	[tilespmem:s23], [sflag:$0xD] =	stream.linear.gather [hbm4b:s20+s1], $0x40, $0x38;
	[tilespmem:$0x1E500] =	vst v63  }
0x5f: {  	s17 =	simm.s32 $0x180;
	s20 =	rddreg [dreg:$0x9]  }
0x60: {  	[tilespmem:s17], [sflag:$0x4] =	stream.linear.gather [hbm4b:s20+s1], $0x40, $0x38;
	[tilespmem:$0x1E500] =	vst v63  }
0x61: {  	s23 =	rddreg [dreg:$0xa]  }
0x62: {  	[tilespmem:s19], [sflag:$0xE] =	stream.linear.gather [hbm4b:s23+s1], $0x40, $0x38;
	[tilespmem:$0x1E500] =	vst v63  }
0x63: {  	s20 =	rddreg [dreg:$0xb];
	s19 =	simm.s32 $0x200  }
0x64: {  	[tilespmem:s19], [sflag:$0x5] =	stream.linear.gather [hbm4b:s20+s1], $0x40, $0x38;
	[tilespmem:$0x1E500] =	vst v63  }
0x65: {  	s23 =	rddreg [dreg:$0xc]  }
0x66: {  	[tilespmem:s7], [sflag:$0xF] =	stream.linear.gather [hbm4b:s23+s1], $0x40, $0x38;
	[tilespmem:$0x1E500] =	vst v63  }
0x67: {  	_ =	swait.ge [sflag:s9], $0x40  }
0x68: {  	[sflag:s9] =	ssyncset.done $0x0  }
0x69: {  	s20 =	simm.s32 $0x500;
	[sflag:s9] =	ssyncadd.s32 $0xFFFFFFC0  }
0x6a: {  	[tilespmem:s20], [sflag:$0x6] =	stream.indirect.gather [hbm4b:s24+s10], $0x80, s1, s10, $0xb8;
	[tilespmem:$0x1E500] =	vst v63  }
0x6b: {  	_ =	swait.ge [sflag:s25], $0x40  }
0x6c: {  	[sflag:s25] =	ssyncset.done $0x0  }
0x6d: {  	[sflag:s25] =	ssyncadd.s32 $0xFFFFFFC0  }
0x6e: {  	[tilespmem:s26], [sflag:$0x7] =	stream.indirect.gather [hbm4b:s24+s10], $0x80, s6, s10, $0xb8;
	[tilespmem:$0x1E500] =	vst v63  }
0x6f: {  	_ =	swait.ge [sflag:s29], $0x40  }
0x70: {  	[sflag:s29] =	ssyncset.done $0x0  }
0x71: {  	s23 =	simm.s32 $0x4500;
	[sflag:s29] =	ssyncadd.s32 $0xFFFFFFC0  }
0x72: {  	[tilespmem:s23], [sflag:$0x8] =	stream.indirect.gather [hbm4b:s24+s10], $0x80, s8, s10, $0xb8;
	[tilespmem:$0x1E500] =	vst v63  }
0x73: {  	_ =	swait.ge [sflag:s28], $0x40  }
0x74: {  	[sflag:s28] =	ssyncset.done $0x0  }
0x75: {  	[sflag:s28] =	ssyncadd.s32 $0xFFFFFFC0  }
0x76: {  	[tilespmem:s31], [sflag:$0x9] =	stream.indirect.gather [hbm4b:s24+s10], $0x80, s17, s10, $0xb8;
	[tilespmem:$0x1E500] =	vst v63  }
0x77: {  	_ =	swait.ge [sflag:s18], $0x40  }
0x78: {  	[sflag:s18] =	ssyncset.done $0x0  }
0x79: {  	s17 =	simm.s32 $0x0;
	[sflag:s18] =	ssyncadd.s32 $0xFFFFFFC0  }
0x7a: {  	[tilespmem:s4], [sflag:$0xA] =	stream.indirect.gather [hbm4b:s24+s10], $0x80, s19, s10, $0xb8;
	[tilespmem:$0x1E500] =	vst v63  }
.LBB2_2:
0x7b: {  	_ =	swait.ge [sflag:s11], $0x2000  }
0x7c: {  	p0 =	seq.s32 s17, $0x4D8;
	[sflag:s11] =	ssyncset.done $0x0  }
0x7d: {  	s19 =	simm.s32 @p0 $0xB;
	[sflag:s11] =	ssyncadd.s32 $0xFFFFE000  }
0x7e: {  	_ =	swait.ge @p0 [sflag:s19], $0x40  }
0x7f: {  	s20 =	simm.s32 @p0 $0x280;
	[sflag:s19] =	ssyncset.done @p0 $0x0  }
0x80: {  	s23 =	simm.s32 @p0 $0x500;
	[sflag:s19] =	ssyncadd.s32 @p0 $0xFFFFFFC0;
	s19 =	simm.s32 @p0 $0x40  }
0x81: {  	[spmem:s21] =	stream.indirect.scatter.add.f32 @p0 [tilespmem:s23], [sflag:$0x10], $0x80, s20, s19, $0xb8;
	[tilespmem:$0x1E500] =	vst v63  }
0x82: {  	s20 =	simm.s32 @p0 $0x7  }
0x83: {  	_ =	swait.ge @p0 [sflag:s20], $0x2000  }
0x84: {  	[sflag:s20] =	ssyncset.done @p0 $0x0;
	s2 =	rddreg [dreg:$0x16]  }
0x85: {  	s23 =	simm.s32 @!p0 $0x0;
	[sflag:s20] =	ssyncadd.s32 @p0 $0xFFFFE000;
	s20 =	sadd.s32 @!p0 s17, s2  }
0x86: {  	[tilespmem:s23], [sflag:$0x1] =	stream.linear.gather @!p0 [hbm4b:s20+s23], $0x40, $0x38;
	[tilespmem:$0x1E500] =	vst v63  }
0x87: {  	s20 =	simm.s32 @!p0 $0xB  }
0x88: {  	_ =	swait.ge @!p0 [sflag:s20], $0x40  }
0x89: {  	s6 =	simm.s32 @!p0 $0x500;
	[sflag:s20] =	ssyncset.done @!p0 $0x0  }
0x8a: {  	s2 =	simm.s32 @!p0 $0x280;
	[sflag:s20] =	ssyncadd.s32 @!p0 $0xFFFFFFC0;
	s20 =	simm.s32 @!p0 $0x40  }
0x8b: {  	[spmem:s21] =	stream.indirect.scatter.add.f32 @!p0 [tilespmem:s6], [sflag:$0x10], $0x80, s2, s20, $0xb8;
	[tilespmem:$0x1E500] =	vst v63  }
0x8c: {  	s2 =	simm.s32 @!p0 $0x7  }
0x8d: {  	_ =	swait.ge @!p0 [sflag:s2], $0x2000  }
0x8e: {  	[sflag:s2] =	ssyncset.done @!p0 $0x0  }
0x8f: {  	[sflag:s2] =	ssyncadd.s32 @!p0 $0xFFFFE000;
	s2 =	rddreg [dreg:$0x14]  }
0x90: {  	s6 =	simm.s32 @!p0 $0x80;
	s2 =	sadd.s32 @!p0 s17, s2  }
0x91: {  	[tilespmem:s6], [sflag:$0x2] =	stream.linear.gather @!p0 [hbm4b:s2+s23], $0x40, $0x38;
	[tilespmem:$0x1E500] =	vst v63  }
0x92: {  	_ =	swait.ge [sflag:s30], $0x40  }
0x93: {  	[sflag:s30] =	ssyncset.done $0x0  }
0x94: {  	s8 =	simm.s32 $0x300;
	[sflag:s30] =	ssyncadd.s32 $0xFFFFFFC0  }
0x95: {  	[spmem:s21] =	stream.indirect.scatter.add.f32 [tilespmem:s26], [sflag:$0x11], $0x80, s8, s10, $0xb8;
	[tilespmem:$0x1E500] =	vst v63  }
0x96: {  	_ =	swait.ge [sflag:s0], $0x2000  }
0x97: {  	[sflag:s0] =	ssyncset.done $0x0  }
0x98: {  	s2 =	simm.s32 @p0 $0xD;
	[sflag:s0] =	ssyncadd.s32 $0xFFFFE000  }
0x99: {  	_ =	swait.ge @p0 [sflag:s2], $0x40  }
0x9a: {  	[sflag:s2] =	ssyncset.done @p0 $0x0  }
0x9b: {  	s6 =	simm.s32 @p0 $0x4500;
	[sflag:s2] =	ssyncadd.s32 @p0 $0xFFFFFFC0;
	s2 =	simm.s32 @p0 $0x380  }
0x9c: {  	[spmem:s21] =	stream.indirect.scatter.add.f32 @p0 [tilespmem:s6], [sflag:$0x12], $0x80, s2, s19, $0xb8;
	[tilespmem:$0x1E500] =	vst v63  }
0x9d: {  	s2 =	simm.s32 @p0 $0x9  }
0x9e: {  	_ =	swait.ge @p0 [sflag:s2], $0x2000  }
0x9f: {  	[sflag:s2] =	ssyncset.done @p0 $0x0  }
0xa0: {  	[sflag:s2] =	ssyncadd.s32 @p0 $0xFFFFE000;
	s2 =	rddreg [dreg:$0x13]  }
0xa1: {  	s6 =	simm.s32 @!p0 $0x100;
	s2 =	sadd.s32 @!p0 s17, s2  }
0xa2: {  	[tilespmem:s6], [sflag:$0x3] =	stream.linear.gather @!p0 [hbm4b:s2+s23], $0x40, $0x38;
	[tilespmem:$0x1E500] =	vst v63  }
0xa3: {  	s2 =	simm.s32 @!p0 $0xD  }
0xa4: {  	_ =	swait.ge @!p0 [sflag:s2], $0x40  }
0xa5: {  	[sflag:s2] =	ssyncset.done @!p0 $0x0  }
0xa6: {  	s6 =	simm.s32 @!p0 $0x4500;
	[sflag:s2] =	ssyncadd.s32 @!p0 $0xFFFFFFC0;
	s2 =	simm.s32 @!p0 $0x380  }
0xa7: {  	[spmem:s21] =	stream.indirect.scatter.add.f32 @!p0 [tilespmem:s6], [sflag:$0x12], $0x80, s2, s20, $0xb8;
	[tilespmem:$0x1E500] =	vst v63  }
0xa8: {  	s2 =	simm.s32 @!p0 $0x9  }
0xa9: {  	_ =	swait.ge @!p0 [sflag:s2], $0x2000  }
0xaa: {  	[sflag:s2] =	ssyncset.done @!p0 $0x0  }
0xab: {  	[sflag:s2] =	ssyncadd.s32 @!p0 $0xFFFFE000;
	s2 =	rddreg [dreg:$0x12]  }
0xac: {  	s6 =	simm.s32 @!p0 $0x180;
	s2 =	sadd.s32 @!p0 s17, s2  }
0xad: {  	[tilespmem:s6], [sflag:$0x4] =	stream.linear.gather @!p0 [hbm4b:s2+s23], $0x40, $0x38;
	[tilespmem:$0x1E500] =	vst v63  }
0xae: {  	_ =	swait.ge [sflag:s3], $0x40  }
0xaf: {  	p0 =	sne.s32 s17, $0x4D8;
	[sflag:s3] =	ssyncset.done $0x0  }
.Ltmp2:
0xb0: {  	s19 =	simm.s32 $0x400;
	[sflag:s3] =	ssyncadd.s32 $0xFFFFFFC0;
	(pc) =	sbr.rel @!p0 .LBB2_3-.Ltmp2, $4  }
0xb1: {  	[spmem:s21] =	stream.indirect.scatter.add.f32 [tilespmem:s31], [sflag:$0x13], $0x80, s19, s10, $0xb8;
	[tilespmem:$0x1E500] =	vst v63  }
0xb2: {  	_ =	swait.ge [sflag:s5], $0x2000  }
0xb3: {  	[sflag:s5] =	ssyncset.done $0x0  }
0xb4: {  	[sflag:s5] =	ssyncadd.s32 $0xFFFFE000  }
0xb5: {  	s2 =	rddreg [dreg:$0x11]  }
0xb6: {  	s23 =	simm.s32 $0x200;
	s2 =	sadd.s32 s17, s2  }
0xb7: {  	[tilespmem:s23], [sflag:$0x5] =	stream.linear.gather [hbm4b:s2+s1], $0x40, $0x38;
	[tilespmem:$0x1E500] =	vst v63  }
0xb8: {  	_ =	swait.ge [sflag:s12], $0x40  }
0xb9: {  	[sflag:s12] =	ssyncset.done $0x0  }
0xba: {  	s20 =	simm.s32 $0x480;
	[sflag:s12] =	ssyncadd.s32 $0xFFFFFFC0  }
0xbb: {  	[spmem:s21] =	stream.indirect.scatter.add.f32 [tilespmem:s4], [sflag:$0x14], $0x80, s20, s10, $0xb8;
	[tilespmem:$0x1E500] =	vst v63  }
0xbc: {  	_ =	swait.ge [sflag:s13], $0x2000  }
0xbd: {  	[sflag:s13] =	ssyncset.done $0x0;
	s7 =	rddreg [dreg:$0x15]  }
0xbe: {  	s6 =	simm.s32 $0x280;
	[sflag:s13] =	ssyncadd.s32 $0xFFFFE000;
	s2 =	sadd.s32 s17, s7  }
0xbf: {  	[tilespmem:s6], [sflag:$0xB] =	stream.linear.gather [hbm4b:s2+s1], $0x40, $0x38;
	[tilespmem:$0x1E500] =	vst v63  }
0xc0: {  	_ =	swait.ge [sflag:s9], $0x40  }
0xc1: {  	[sflag:s9] =	ssyncset.done $0x0  }
0xc2: {  	s6 =	simm.s32 $0x500;
	[sflag:s9] =	ssyncadd.s32 $0xFFFFFFC0  }
0xc3: {  	[tilespmem:s6], [sflag:$0x6] =	stream.indirect.gather [hbm4b:s24+s10], $0x80, s1, s10, $0xb8;
	[tilespmem:$0x1E500] =	vst v63  }
0xc4: {  	_ =	swait.ge [sflag:s14], $0x2000  }
0xc5: {  	[sflag:s14] =	ssyncset.done $0x0;
	s7 =	rddreg [dreg:$0xf]  }
0xc6: {  	[sflag:s14] =	ssyncadd.s32 $0xFFFFE000;
	s2 =	sadd.s32 s17, s7  }
0xc7: {  	[tilespmem:s8], [sflag:$0xC] =	stream.linear.gather [hbm4b:s2+s1], $0x40, $0x38;
	[tilespmem:$0x1E500] =	vst v63  }
0xc8: {  	_ =	swait.ge [sflag:s25], $0x40  }
0xc9: {  	[sflag:s25] =	ssyncset.done $0x0  }
0xca: {  	s6 =	simm.s32 $0x80;
	[sflag:s25] =	ssyncadd.s32 $0xFFFFFFC0  }
0xcb: {  	[tilespmem:s26], [sflag:$0x7] =	stream.indirect.gather [hbm4b:s24+s10], $0x80, s6, s10, $0xb8;
	[tilespmem:$0x1E500] =	vst v63  }
0xcc: {  	_ =	swait.ge [sflag:s15], $0x2000  }
0xcd: {  	[sflag:s15] =	ssyncset.done $0x0;
	s7 =	rddreg [dreg:$0xe]  }
0xce: {  	s8 =	simm.s32 $0x380;
	[sflag:s15] =	ssyncadd.s32 $0xFFFFE000;
	s2 =	sadd.s32 s17, s7  }
0xcf: {  	[tilespmem:s8], [sflag:$0xD] =	stream.linear.gather [hbm4b:s2+s1], $0x40, $0x38;
	[tilespmem:$0x1E500] =	vst v63  }
0xd0: {  	_ =	swait.ge [sflag:s29], $0x40  }
0xd1: {  	[sflag:s29] =	ssyncset.done $0x0  }
0xd2: {  	s7 =	simm.s32 $0x100;
	s8 =	simm.s32 $0x4500;
	[sflag:s29] =	ssyncadd.s32 $0xFFFFFFC0  }
0xd3: {  	[tilespmem:s8], [sflag:$0x8] =	stream.indirect.gather [hbm4b:s24+s10], $0x80, s7, s10, $0xb8;
	[tilespmem:$0x1E500] =	vst v63  }
0xd4: {  	_ =	swait.ge [sflag:s16], $0x2000  }
0xd5: {  	[sflag:s16] =	ssyncset.done $0x0;
	s6 =	rddreg [dreg:$0xd]  }
0xd6: {  	[sflag:s16] =	ssyncadd.s32 $0xFFFFE000;
	s2 =	sadd.s32 s17, s6  }
0xd7: {  	[tilespmem:s19], [sflag:$0xE] =	stream.linear.gather [hbm4b:s2+s1], $0x40, $0x38;
	[tilespmem:$0x1E500] =	vst v63  }
0xd8: {  	_ =	swait.ge [sflag:s28], $0x40  }
0xd9: {  	[sflag:s28] =	ssyncset.done $0x0  }
0xda: {  	s7 =	simm.s32 $0x180;
	[sflag:s28] =	ssyncadd.s32 $0xFFFFFFC0  }
0xdb: {  	[tilespmem:s31], [sflag:$0x9] =	stream.indirect.gather [hbm4b:s24+s10], $0x80, s7, s10, $0xb8;
	[tilespmem:$0x1E500] =	vst v63  }
0xdc: {  	_ =	swait.ge [sflag:s22], $0x2000  }
0xdd: {  	[sflag:s22] =	ssyncset.done $0x0;
	s8 =	rddreg [dreg:$0x10]  }
0xde: {  	[sflag:s22] =	ssyncadd.s32 $0xFFFFE000;
	s2 =	sadd.s32 s17, s8;
	s17 =	sadd.s32 $0x28, s17  }
0xdf: {  	[tilespmem:s20], [sflag:$0xF] =	stream.linear.gather [hbm4b:s2+s1], $0x40, $0x38;
	[tilespmem:$0x1E500] =	vst v63  }
0xe0: {  	p0 =	sne.s32 s17, $0x500  }
.Ltmp3:
0xe1: {  	_ = 	snop;
	(pc) =	sbr.rel @p0 .LBB2_2-.Ltmp3, $4  }
.Ltmp4:
0xe2: {  	_ =	swait.ge [sflag:s18], $0x40;
	(pc) =	sbr.rel @!p0 .LBB2_5-.Ltmp4, $4  }
0xe3: {  	[sflag:s18] =	ssyncset.done $0x0  }
0xe4: {  	s7 =	simm.s32 $0x480;
	s8 =	simm.s32 $0x300;
	[sflag:s18] =	ssyncadd.s32 $0xFFFFFFC0  }
0xe5: {  	[tilespmem:s4], [sflag:$0xA] =	stream.indirect.gather [hbm4b:s24+s10], $0x80, s23, s10, $0xb8;
	[tilespmem:$0x1E500] =	vst v63  }
0xe6: {  	_ = 	snop  }
.LBB2_6:
0xe7: {  	_ =	sfence.sel $0x180000  }
0xe8: {  	[bflag:$0x0] =	sbarrier.arrive $0xFFFF  }
0xe9: {  	_ =	strace $0x9000004A  }
0xea: {  	s0 =	stileid.u32;
	[bflag:$0x2] =	sbarrier.arrive $0xFFFF  }
0xeb: {  	p0 =	sne.s32 s0, $0x0;
	s0 =	rddreg [dreg:$0x2]  }
0xec: {  	s0 =	sadd.s32 @!p0 $0x100000, s0  }
0xed: {  	[sflag:s0] =	ssyncadd.tile.s32 @!p0 $0x1;
	_ =	shalt  }
.Lfunc_end2:
_tile_overlayer_lowered:
.L_overlay_start_2:
0xee: {  	(tag) =	ssettag $0x2  }
0xef: {  	s0 =	rddreg [dreg:$0x0];
	s2 =	stileid.u32  }
0xf0: {  	s1 =	rddreg [dreg:$0x1];
	p0 =	sne.s32 s2, $0x0  }
0xf1: {  	s3 =	rddreg [dreg:$0x2];
	[bflag:$0x3] =	sbarrier.arrive $0xFFFF;
	s2 =	simm.s32 @!p0 $0x1C15  }
0xf2: {  	[timem:s3], [sflag:s2] =	dma.local @!p0 [hbm:s0], s1  }
0xf3: {  	s0 =	simm.s32 @!p0 $0x15  }
0xf4: {  	_ =	swait.ge @!p0 [sflag:s0], s1  }
0xf5: {  	s1 =	ssub.s32 @!p0 $0x0, s1;
	[sflag:s0] =	ssyncset.done @!p0 $0x0  }
0xf6: {  	[sflag:s0] =	ssyncadd.s32 @!p0 s1  }
0xf7: {  	[bflag:$0x3] =	sbarrier.arrive $0xFFFF  }
0xf8: {  	_ =	shalt  }

// kernel: kernel.14.cloned.1.call-start
scs
__scs_entry_jumppad:
0x0: {  	(pc) =	sbr.rel $0x88, $3  }
0x1: {  	(tag) =	ssettag $0x0;
	lr =	simm.s32 $0x1  }
0x2: {  	[smem:$0x3F91] =	sst lr;
	_ =	strace $0xD0000000  }
0x3: {  	_ = 	snop  }
0x4: {  	_ = 	snop  }
0x5: {  	_ = 	snop  }
0x6: {  	_ = 	snop  }
0x7: {  	_ = 	snop  }
__scs_overlays_trampoline_lowered:
0x8: {  	[smem:$0x3FA0] =	sst s0  }
0x9: {  	[smem:$0x3FA1] =	sst s1  }
0xa: {  	[smem:$0x3FA2] =	sst s2  }
0xb: {  	[smem:$0x3FA3] =	sst s3  }
0xc: {  	[smem:$0x3FA4] =	sst s4  }
0xd: {  	[smem:$0x3FA5] =	sst s5  }
0xe: {  	[smem:$0x3FA6] =	sst s6  }
0xf: {  	[smem:$0x3FA7] =	sst s7  }
0x10: {  	[smem:$0x3FA8] =	sst s8  }
0x11: {  	[smem:$0x3FA9] =	sst s9;
	s0 =	simm.s32 @!p0 $0x0  }
0x12: {  	s1 =	sld [smem:$0x3F8F];
	s0 =	simm.s32 @p0 $0x1  }
0x13: {  	[smem:$0x3FAA] =	sst s0;
	s0 =	simm.s32 @!p1 $0x0  }
0x14: {  	s2 =	sld [smem:$0x3F8E];
	s0 =	simm.s32 @p1 $0x1  }
0x15: {  	[smem:$0x3FAB] =	sst s0;
	s0 =	simm.s32 @!p2 $0x0  }
0x16: {  	s3 =	sld [smem:$0x3FDB];
	s0 =	simm.s32 @p2 $0x1  }
0x17: {  	s4 =	simm.s32 $0x1BF5;
	[smem:$0x3FAD] =	sst s0  }
0x18: {  	s0 =	sld [smem:$0x3F90];
	_ =	swait.ge [sflag:s4], $0x0  }
0x19: {  	s7 =	sld [smem:$0x3F91]  }
0x1a: {  	s8 =	sadd.s32 $0xFFFFE003, lr  }
0x1b: {  	s9 =	sadd.s32 $0xFFFFFEF7, lr;
	s5 =	simm.s32 $0xFFFFFFFF;
	p2 =	slt.u32 s8, $0xFFFFF086  }
0x1c: {  	p1 =	slt.u32 s9, $0xF7A;
	s5 =	simm.s32 @!p2 $0x0  }
0x1d: {  	s5 =	simm.s32 @p1 $0x1;
	p0 =	seq.s32 s7, s2  }
0x1e: {  	s7 =	smul.u32 @!p0 $0xF7A, s2;
	p2 =	seq.s32 @!p0 s5, $0x0  }
0x1f: {  	s9 =	smul.u32 $0xF7A, s1;
	s8 =	simm.s32 @!p0 $0x1BF5;
	p2 =	por !p2, p0  }
0x20: {  	[sflag:s8] =	ssyncset.s32 @!p0 $0xFFFFF086;
	s6 =	sadd.s32 @!p0 s3, s7;
	s7 =	simm.s32 @!p0 $0x108  }
0x21: {  	s3 =	sadd.s32 s3, s9;
	s6 =	sadd.s32 @!p0 $0x88, s6;
	s7 =	simm.s32 @p2 $0x1082  }
0x22: {  	[simem:s7], [sflag:s8] =	dma.local @!p0 [hbm:s6], $0xF7A  }
0x23: {  	s9 =	sor.u32 $0xD0000000, s2;
	s6 =	simm.s32 $0x108;
	_ =	swait.ge @!p0 [sflag:s8], $0x0  }
0x24: {  	s3 =	sadd.s32 $0x88, s3;
	s6 =	simm.s32 @!p1 $0x1082;
	[sflag:s4] =	ssyncset.s32 $0xFFFFF086  }
0x25: {  	[simem:s6], [sflag:s4] =	dma.local [hbm:s3], $0xF7A  }
0x26: {  	[smem:$0x3F91] =	sst s1;
	(tag) =	ssettag s2;
	_ =	strace s9  }
0x27: {  	s1 =	sld [smem:$0x3FA1]  }
0x28: {  	s2 =	sld [smem:$0x3FA2]  }
0x29: {  	s4 =	sld [smem:$0x3FA4]  }
0x2a: {  	p0 =	seq.s32 s5, $0x0;
	s5 =	sld [smem:$0x3FA5]  }
0x2b: {  	s6 =	sld [smem:$0x3FA6]  }
0x2c: {  	s7 =	sld [smem:$0x3FA7]  }
0x2d: {  	s3 =	simm.s32 $0x108;
	s8 =	sld [smem:$0x3FA8]  }
0x2e: {  	s3 =	simm.s32 @!p0 $0x1082;
	s9 =	sld [smem:$0x3FA9]  }
0x2f: {  	lr =	sadd.s32 s0, s3;
	s0 =	sld [smem:$0x3FA0]  }
0x30: {  	s3 =	sld [smem:$0x3FA3]  }
0x31: {  	[smem:$0x3FAC] =	sst s10  }
0x32: {  	s10 =	sld [smem:$0x3FAA];
	_ =	sdelay $0x3  }
0x33: {  	p0 =	seq.s32 s10, $0x1;
	s10 =	sld [smem:$0x3FAC];
	_ =	sdelay $0x3  }
0x34: {  	[smem:$0x3FAC] =	sst s10  }
0x35: {  	s10 =	sld [smem:$0x3FAB];
	_ =	sdelay $0x3  }
0x36: {  	p1 =	seq.s32 s10, $0x1;
	s10 =	sld [smem:$0x3FAC];
	_ =	sdelay $0x3  }
0x37: {  	[smem:$0x3FAC] =	sst s10  }
0x38: {  	s10 =	sld [smem:$0x3FAD]  }
0x39: {  	_ = 	snop;
	(pc) =	sbr.ind lr, $3  }
0x3a: {  	_ = 	snop  }
0x3b: {  	_ = 	snop  }
0x3c: {  	p2 =	seq.s32 s10, $0x1;
	s10 =	sld [smem:$0x3FAC]  }
0x3d: {  	_ =	shalt  }
0x3e: {  	_ =	shalt  }
0x3f: {  	_ =	shalt  }
0x40: {  	_ =	shalt  }
0x41: {  	_ =	shalt  }
0x42: {  	_ =	shalt  }
0x43: {  	_ =	shalt  }
0x44: {  	_ =	shalt  }
0x45: {  	_ =	shalt  }
0x46: {  	_ =	shalt  }
0x47: {  	_ =	shalt  }
0x48: {  	_ =	shalt  }
0x49: {  	_ =	shalt  }
0x4a: {  	_ =	shalt  }
0x4b: {  	_ =	shalt  }
0x4c: {  	_ =	shalt  }
0x4d: {  	_ =	shalt  }
0x4e: {  	_ =	shalt  }
0x4f: {  	_ =	shalt  }
0x50: {  	_ =	shalt  }
0x51: {  	_ =	shalt  }
0x52: {  	_ =	shalt  }
0x53: {  	_ =	shalt  }
0x54: {  	_ =	shalt  }
0x55: {  	_ =	shalt  }
0x56: {  	_ =	shalt  }
0x57: {  	_ =	shalt  }
0x58: {  	_ =	shalt  }
0x59: {  	_ =	shalt  }
0x5a: {  	_ =	shalt  }
0x5b: {  	_ =	shalt  }
0x5c: {  	_ =	shalt  }
0x5d: {  	_ =	shalt  }
0x5e: {  	_ =	shalt  }
0x5f: {  	_ =	shalt  }
0x60: {  	_ =	shalt  }
0x61: {  	_ =	shalt  }
0x62: {  	_ =	shalt  }
0x63: {  	_ =	shalt  }
0x64: {  	_ =	shalt  }
0x65: {  	_ =	shalt  }
0x66: {  	_ =	shalt  }
0x67: {  	_ =	shalt  }
0x68: {  	_ =	shalt  }
0x69: {  	_ =	shalt  }
0x6a: {  	_ =	shalt  }
0x6b: {  	_ =	shalt  }
0x6c: {  	_ =	shalt  }
0x6d: {  	_ =	shalt  }
0x6e: {  	_ =	shalt  }
0x6f: {  	_ =	shalt  }
0x70: {  	_ =	shalt  }
0x71: {  	_ =	shalt  }
0x72: {  	_ =	shalt  }
0x73: {  	_ =	shalt  }
0x74: {  	_ =	shalt  }
0x75: {  	_ =	shalt  }
0x76: {  	_ =	shalt  }
0x77: {  	_ =	shalt  }
0x78: {  	_ =	shalt  }
0x79: {  	_ =	shalt  }
0x7a: {  	_ =	shalt  }
0x7b: {  	_ =	shalt  }
0x7c: {  	_ =	shalt  }
0x7d: {  	_ =	shalt  }
0x7e: {  	_ =	shalt  }
0x7f: {  	_ =	shalt  }
0x80: {  	_ =	shalt  }
0x81: {  	_ =	shalt  }
0x82: {  	_ =	shalt  }
0x83: {  	_ =	shalt  }
0x84: {  	_ =	shalt  }
0x85: {  	_ =	shalt  }
0x86: {  	_ =	shalt  }
0x87: {  	_ =	shalt  }
.Lfunc_end0:
.L_simem_size_0:
called_computation.2_lowered:
.L_overlay_start_0:
0x88: {  	s2 =	sld [smem:$0x3FD9]  }
0x89: {  	s3 =	sld [smem:$0x3FFE];
	_ =	sdelay $0x1  }
0x8a: {  	s1 =	srdreg.scid  }
0x8b: {  	s0 =	sand.u32 $0x1, s1  }
0x8c: {  	s16 =	sshll.u32 s0, $0xA;
	s2 =	sadd.s32 s3, s2  }
0x8d: {  	s2 =	sadd.s32 s2, s16  }
0x8e: {  	[smem:$0x3FB8] =	sst s2  }
0x8f: {  	_ = 	snop  }
0x90: {  	(tm) =	ssettm $0x1  }
0x91: {  	s17 =	sld [smem:$0x3FFB];
	_ =	sdelay $0x3  }
0x92: {  	_ =	strace s17  }
0x93: {  	s2 =	sld [smem:$0x3FFC];
	_ =	sdelay $0x3  }
0x94: {  	_ =	strace s2  }
0x95: {  	s2 =	sld [smem:$0x3FFD];
	_ =	sdelay $0x3  }
0x96: {  	_ =	strace s2  }
0x97: {  	_ =	strace $0x8FFFFFFF  }
0x98: {  	s18 =	sld [smem:$0x3FDB];
	_ =	sdelay $0x1  }
0x99: {  	s19 =	simm.s32 $_scs_section_size  }
0x9a: {  	s4 =	simm.s32 $_size__tile_overlayer_lowered;
	s5 =	simm.s32 $_tile_overlayer_lowered  }
0x9b: {  	s22 =	simm.s32 $0x1BFF;
	s21 =	sshll.u32 s5, $0x1;
	s2 =	sadd.s32 s19, s18  }
0x9c: {  	s6 =	simm.s32 $0x0;
	s20 =	sshll.u32 s4, $0x1;
	s4 =	sadd.s32 s21, s2  }
0x9d: {  	[timem:s6], [sflag:s22] =	dma.local [hbm:s4], s20  }
0x9e: {  	_ =	swait.ge [sflag:s22], s20  }
0x9f: {  	s3 =	ssub.s32 $0x0, s20;
	[sflag:s22] =	ssyncset.done $0x0  }
0xa0: {  	[sflag:s22] =	ssyncadd.s32 s3;
	_ =	sdelay $0x1  }
0xa1: {  	s23 =	simm.s32 $0x1B8B  }
0xa2: {  	_ =	swait.ge [sflag:s23], $0x1  }
0xa3: {  	[sflag:s23] =	ssyncset.done $0x0  }
0xa4: {  	s25 =	simm.s32 $0x1B8E;
	s24 =	sld [smem:$0x3FFE];
	[sflag:s23] =	ssyncadd.s32 $0xFFFFFFFF  }
0xa5: {  	s26 =	simm.s32 $execute0_lowered;
	[smem:$0x3FD2] =	sst s25  }
0xa6: {  	s4 =	sshll.u32 s26, $0x1;
	_ =	strace $0x8000004C;
	[dreg:$0x1] =	wrdreg $0xFFFFFFFF  }
0xa7: {  	s28 =	simm.s32 $_size_execute0_lowered;
	s2 =	sadd.s32 s2, s4;
	[dreg:$0x0] =	wrdreg $0x0  }
0xa8: {  	s4 =	sshll.u32 s28, $0x1;
	[dreg:$0x2] =	wrdreg s2  }
0xa9: {  	[dreg:$0x3] =	wrdreg s4  }
0xaa: {  	[dreg:$0x4] =	wrdreg $0xC0  }
0xab: {  	_ =	task [dreg:s6], $0x5FFFF  }
0xac: {  	[dreg:$0x1] =	wrdreg $0xFFFFFFFF  }
0xad: {  	[dreg:$0x0] =	wrdreg $0x60  }
0xae: {  	[dreg:$0x2] =	wrdreg s24  }
0xaf: {  	[dreg:$0x3] =	wrdreg $0xA5000  }
0xb0: {  	[dreg:$0x4] =	wrdreg $0x9  }
0xb1: {  	_ =	task.clear_ibuf [dreg:s6], $0x5FFFF;
	_ =	strace $0x9000004C  }
0xb2: {  	s29 =	simm.s32 $0x9;
	_ =	strace $0x8000004E  }
0xb3: {  	_ =	swait.ge [sflag:s29], $0x1  }
0xb4: {  	[sflag:s29] =	ssyncadd.s32 $0xFFFFFFFF  }
0xb5: {  	_ =	strace $0x9000004E  }
0xb6: {  	_ =	sfence  }
0xb7: {  	s30 =	sld [smem:$0x0];
	_ =	sdelay $0x2  }
0xb8: {  	s31 =	sshll.u32 s1, $0xD;
	s1 =	sshrl.u32 s1, $0x2  }
0xb9: {  	s3 =	sand.u32 $0x4000, s31;
	s1 =	sadd.s32 s1, s30  }
0xba: {  	s0 =	sor.u32 s3, s0;
	s1 =	sshll.u32 s1, $0x11  }
0xbb: {  	s0 =	sor.u32 s1, s0  }
0xbc: {  	s0 =	sadd.s32 $0x8F2B, s0  }
0xbd: {  	[sflag:s0] =	ssyncadd.remote.s32 $0x1  }
0xbe: {  	_ =	sfence.sel $0xFFFF  }
0xbf: {  	[dreg:$0x0] =	wrdreg $0xFFFFFFFF;
	(pc) =	sbr.abs _section_cstart, $3  }
0xc0: {  	[dreg:$0x1] =	wrdreg $0xFFFFFFFF  }
0xc1: {  	_ =	task.clear_ibuf [dreg:s6], $0x2FFFF;
	_ =	strace $0x9FFFFFFF  }
0xc2: {  	(tm) =	ssettm $0x7FFFFFFF  }
0xc3: {  	_ =	shalt  }
tec
execute0_lowered:
.L_overlay_start_1:
0x0: {  	(tag) =	ssettag $0x1  }
0x1: {  	s0 =	srdreg.scid;
	s2 =	rddreg [dreg:$0x0]  }
0x2: {  	s11 =	stileid.u32;
	s1 =	simm.s32 $0x0;
	s29 =	simm.s32 $0x3  }
0x3: {  	s28 =	simm.s32 $0x4;
	s31 =	simm.s32 $0x6500;
	s5 =	smul.u32 $0x14000, s11  }
0x4: {  	s30 =	simm.s32 $0xC;
	s0 =	sand.u32 $0x1, s0;
	s10 =	smul.u32 $0x2800, s11  }
0x5: {  	[smem:$0x7FF] =	sst s1;
	s3 =	smul.u32 $0x140000, s0;
	s4 =	sshll.u32 s0, $0x4  }
0x6: {  	s6 =	ssub.s32 $0x2, s0;
	s0 =	smul.u32 $0x28000, s0;
	s4 =	sor.u32 s11, s4  }
0x7: {  	s7 =	sadd.s32 $0x21E00, s2;
	s8 =	sadd.s32 $0x17E00, s2;
	s4 =	smul.u32 $0x2800, s4  }
0x8: {  	s9 =	sshrl.u32 s6, $0x1;
	s3 =	sadd.s32 s5, s3;
	s0 =	sadd.s32 s10, s0  }
0x9: {  	s5 =	ssub.s32 s6, s9;
	s24 =	sor.u32 $0x200, s0;
	s4 =	sshrl.u32 s4, $0x3  }
0xa: {  	s13 =	sor.u32 $0x180, s0;
	s26 =	sshrl.u32 s24, $0x3;
	s16 =	sadd.s32 s8, s4  }
0xb: {  	s9 =	sshrl.u32 s13, $0x3;
	s17 =	sadd.s32 s7, s4;
	[dreg:$0x3] =	wrdreg s16  }
0xc: {  	s24 =	sadd.s32 $0x2BE00, s2;
	s10 =	sadd.s32 s26, s7;
	[dreg:$0x4] =	wrdreg s17  }
0xd: {  	s18 =	sor.u32 $0x8, s4;
	s15 =	sadd.s32 s9, s7;
	[dreg:$0xd] =	wrdreg s10  }
0xe: {  	s13 =	simm.s32 $0x10;
	s12 =	sadd.s32 s8, s18;
	[dreg:$0xf] =	wrdreg s15  }
0xf: {  	s19 =	sor.u32 $0x10, s4;
	s6 =	sadd.s32 s7, s18;
	[dreg:$0x5] =	wrdreg s12  }
0x10: {  	s22 =	sor.u32 $0x18, s4;
	s20 =	sadd.s32 s8, s19;
	[dreg:$0x6] =	wrdreg s6  }
0x11: {  	s4 =	sor.u32 $0x20, s4;
	s21 =	sadd.s32 s7, s19;
	[dreg:$0x7] =	wrdreg s20  }
0x12: {  	s23 =	sadd.s32 s8, s22;
	s25 =	sadd.s32 s8, s4;
	[dreg:$0x8] =	wrdreg s21  }
0x13: {  	s4 =	sadd.s32 s7, s4;
	s10 =	sor.u32 $0x240, s0;
	[dreg:$0x9] =	wrdreg s23  }
0x14: {  	s17 =	sadd.s32 s9, s8;
	s19 =	smul.u32 $0x50000, s11;
	[dreg:$0xb] =	wrdreg s25  }
0x15: {  	s9 =	simm.s32 $0x1;
	s15 =	simm.s32 $0x12;
	[dreg:$0xc] =	wrdreg s4  }
0x16: {  	s6 =	sadd.s32 s7, s22;
	s12 =	sor.u32 $0x1C0, s0;
	[dreg:$0x14] =	wrdreg s17  }
0x17: {  	s10 =	sshrl.u32 s10, $0x3;
	s0 =	sor.u32 $0x140, s0;
	s21 =	rddreg [dreg:$0x1]  }
0x18: {  	s20 =	sshrl.u32 s3, $0x3;
	s25 =	sshll.u32 s11, $0x6;
	s17 =	simm.s32 $0x15  }
0x19: {  	s11 =	simm.s32 $0x6;
	s3 =	simm.s32 $0xE;
	[dreg:$0xa] =	wrdreg s6  }
0x1a: {  	s4 =	sshrl.u32 s12, $0x3;
	s16 =	sadd.s32 s10, s7;
	s10 =	sadd.s32 s10, s8  }
0x1b: {  	s6 =	sadd.s32 s26, s8;
	s0 =	sshrl.u32 s0, $0x3;
	s22 =	sshrl.u32 s19, $0x2  }
0x1c: {  	s26 =	smax.u32 s5, $0x1;
	s19 =	simm.s32 $0x400;
	[dreg:$0x10] =	wrdreg s16  }
0x1d: {  	s5 =	simm.s32 $0xA;
	s12 =	simm.s32 $0xF;
	[dreg:$0x11] =	wrdreg s10  }
0x1e: {  	s14 =	sadd.s32 s4, s7;
	[dreg:$0x12] =	wrdreg s6;
	s4 =	sadd.s32 s4, s8  }
0x1f: {  	s18 =	sadd.s32 s0, s7;
	s0 =	sadd.s32 s0, s8;
	s23 =	sadd.s32 s22, s21  }
0x20: {  	s6 =	sor.u32 $0x1C15, s25;
	s8 =	simm.s32 $0x300;
	[dreg:$0xe] =	wrdreg s14  }
0x21: {  	s7 =	simm.s32 $0x480;
	s10 =	simm.s32 $0x40;
	[dreg:$0x13] =	wrdreg s4  }
0x22: {  	s25 =	simm.s32 $0x2;
	s16 =	simm.s32 $0x13;
	[dreg:$0x15] =	wrdreg s18  }
0x23: {  	[dreg:$0x16] =	wrdreg s0;
	s0 =	sadd.s32 s20, s2;
	s2 =	sadd.s32 $0x4000, s2  }
.Ltmp0:
0x24: {  	_ =	strace $0x8000004D;
	[dreg:$0x17] =	wrdreg s2;
	(pc) =	sbr.rel .LBB2_1-.Ltmp0, $4  }
0x25: {  	s22 =	simm.s32 $0x14;
	s18 =	simm.s32 $0x5;
	[dreg:$0x18] =	wrdreg s23  }
0x26: {  	s4 =	simm.s32 $0x8500;
	s14 =	simm.s32 $0x11;
	[dreg:$0x1b] =	wrdreg s26  }
0x27: {  	s20 =	simm.s32 $0x0;
	s0 =	sadd.s32 $0x53E00, s0;
	[dreg:$0x19] =	wrdreg s6  }
0x28: {  	s26 =	simm.s32 $0x2500;
	[dreg:$0x1a] =	wrdreg s0;
	s0 =	simm.s32 $0x8  }
.LBB2_3:
0x29: {  	_ =	swait.ge [sflag:s12], $0x40  }
0x2a: {  	[sflag:s12] =	ssyncset.done $0x0  }
0x2b: {  	s8 =	simm.s32 $0x300;
	[sflag:s12] =	ssyncadd.s32 $0xFFFFFFC0  }
0x2c: {  	[spmem:s21] =	stream.indirect.scatter.add.f32 [tilespmem:s4], [sflag:$0x14], $0x80, s7, s10, $0xb8;
	[tilespmem:$0x1E500] =	vst v63  }
.LBB2_5:
0x2d: {  	_ =	swait.ge [sflag:s13], $0x2000  }
0x2e: {  	[sflag:s13] =	ssyncset.done $0x0  }
0x2f: {  	[sflag:s13] =	ssyncadd.s32 $0xFFFFE000  }
0x30: {  	_ =	swait.ge [sflag:s14], $0x2000  }
0x31: {  	[sflag:s14] =	ssyncset.done $0x0  }
0x32: {  	[sflag:s14] =	ssyncadd.s32 $0xFFFFE000  }
0x33: {  	_ =	swait.ge [sflag:s15], $0x2000  }
0x34: {  	[sflag:s15] =	ssyncset.done $0x0  }
0x35: {  	[sflag:s15] =	ssyncadd.s32 $0xFFFFE000  }
0x36: {  	_ =	swait.ge [sflag:s16], $0x2000  }
0x37: {  	[sflag:s16] =	ssyncset.done $0x0  }
0x38: {  	[sflag:s16] =	ssyncadd.s32 $0xFFFFE000  }
0x39: {  	_ =	swait.ge [sflag:s22], $0x2000  }
0x3a: {  	[sflag:s22] =	ssyncset.done $0x0  }
0x3b: {  	[sflag:s22] =	ssyncadd.s32 $0xFFFFE000  }
0x3c: {  	[bflag:$0x0] =	sbarrier.arrive $0xFFFF  }
0x3d: {  	s6 =	rddreg [dreg:$0x19]  }
0x3e: {  	s2 =	rddreg [dreg:$0x1a]  }
0x3f: {  	s17 =	rddreg [dreg:$0x1d]  }
0x40: {  	[hbm:s2], [sflag:s6] =	dma.local [spmem:s17], $0x2800  }
0x41: {  	s17 =	simm.s32 $0x15  }
0x42: {  	_ =	swait.ge [sflag:s17], $0x2800  }
0x43: {  	s20 =	rddreg [dreg:$0x1c]  }
0x44: {  	s23 =	rddreg [dreg:$0x1b];
	s20 =	sadd.s32 $0x1, s20  }
0x45: {  	p0 =	sne.s32 s20, s23  }
.Ltmp1:
0x46: {  	_ = 	snop;
	(pc) =	sbr.rel @!p0 .LBB2_6-.Ltmp1, $3  }
0x47: {  	_ =	sdelay $0x1  }
0x48: {  	[sflag:s17] =	ssyncset.done $0x0  }
0x49: {  	[sflag:s17] =	ssyncadd.s32 $0xFFFFD800  }
.LBB2_1:
0x4a: {  	[dreg:$0x1c] =	wrdreg s20  }
0x4b: {  	s2 =	rddreg [dreg:$0x18]  }
0x4c: {  	s23 =	rddreg [dreg:$0x17];
	s2 =	sshrl.u32 s2, $0x3  }
0x4d: {  	[dreg:$0x1d] =	wrdreg s2  }
0x4e: {  	[spmem:s2], [sflag:s6] =	dma.local [hbm:s23], $0x2800  }
0x4f: {  	_ =	swait.ge [sflag:s17], $0x2800  }
0x50: {  	[sflag:s17] =	ssyncset.done $0x0  }
0x51: {  	[sflag:s17] =	ssyncadd.s32 $0xFFFFD800  }
0x52: {  	[bflag:$0x0] =	sbarrier.arrive $0xFFFF  }
0x53: {  	s23 =	rddreg [dreg:$0x3]  }
0x54: {  	[tilespmem:s1], [sflag:$0x1] =	stream.linear.gather [hbm4b:s23+s1], $0x40, $0x38;
	[tilespmem:$0x1E500] =	vst v63  }
0x55: {  	s17 =	simm.s32 $0x280;
	s6 =	rddreg [dreg:$0x4]  }
0x56: {  	[tilespmem:s17], [sflag:$0xB] =	stream.linear.gather [hbm4b:s6+s1], $0x40, $0x38;
	[tilespmem:$0x1E500] =	vst v63  }
0x57: {  	s20 =	rddreg [dreg:$0x5];
	s6 =	simm.s32 $0x80  }
0x58: {  	[tilespmem:s6], [sflag:$0x2] =	stream.linear.gather [hbm4b:s20+s1], $0x40, $0x38;
	[tilespmem:$0x1E500] =	vst v63  }
0x59: {  	s23 =	rddreg [dreg:$0x6]  }
0x5a: {  	[tilespmem:s8], [sflag:$0xC] =	stream.linear.gather [hbm4b:s23+s1], $0x40, $0x38;
	[tilespmem:$0x1E500] =	vst v63  }
0x5b: {  	s17 =	rddreg [dreg:$0x7];
	s8 =	simm.s32 $0x100  }
0x5c: {  	[tilespmem:s8], [sflag:$0x3] =	stream.linear.gather [hbm4b:s17+s1], $0x40, $0x38;
	[tilespmem:$0x1E500] =	vst v63  }
0x5d: {  	s20 =	rddreg [dreg:$0x8];
	s23 =	simm.s32 $0x380  }
0x5e: {  	[tilespmem:s23], [sflag:$0xD] =	stream.linear.gather [hbm4b:s20+s1], $0x40, $0x38;
	[tilespmem:$0x1E500] =	vst v63  }
0x5f: {  	s17 =	simm.s32 $0x180;
	s20 =	rddreg [dreg:$0x9]  }
0x60: {  	[tilespmem:s17], [sflag:$0x4] =	stream.linear.gather [hbm4b:s20+s1], $0x40, $0x38;
	[tilespmem:$0x1E500] =	vst v63  }
0x61: {  	s23 =	rddreg [dreg:$0xa]  }
0x62: {  	[tilespmem:s19], [sflag:$0xE] =	stream.linear.gather [hbm4b:s23+s1], $0x40, $0x38;
	[tilespmem:$0x1E500] =	vst v63  }
0x63: {  	s20 =	rddreg [dreg:$0xb];
	s19 =	simm.s32 $0x200  }
0x64: {  	[tilespmem:s19], [sflag:$0x5] =	stream.linear.gather [hbm4b:s20+s1], $0x40, $0x38;
	[tilespmem:$0x1E500] =	vst v63  }
0x65: {  	s23 =	rddreg [dreg:$0xc]  }
0x66: {  	[tilespmem:s7], [sflag:$0xF] =	stream.linear.gather [hbm4b:s23+s1], $0x40, $0x38;
	[tilespmem:$0x1E500] =	vst v63  }
0x67: {  	_ =	swait.ge [sflag:s9], $0x40  }
0x68: {  	[sflag:s9] =	ssyncset.done $0x0  }
0x69: {  	s20 =	simm.s32 $0x500;
	[sflag:s9] =	ssyncadd.s32 $0xFFFFFFC0  }
0x6a: {  	[tilespmem:s20], [sflag:$0x6] =	stream.indirect.gather [hbm4b:s24+s10], $0x80, s1, s10, $0xb8;
	[tilespmem:$0x1E500] =	vst v63  }
0x6b: {  	_ =	swait.ge [sflag:s25], $0x40  }
0x6c: {  	[sflag:s25] =	ssyncset.done $0x0  }
0x6d: {  	[sflag:s25] =	ssyncadd.s32 $0xFFFFFFC0  }
0x6e: {  	[tilespmem:s26], [sflag:$0x7] =	stream.indirect.gather [hbm4b:s24+s10], $0x80, s6, s10, $0xb8;
	[tilespmem:$0x1E500] =	vst v63  }
0x6f: {  	_ =	swait.ge [sflag:s29], $0x40  }
0x70: {  	[sflag:s29] =	ssyncset.done $0x0  }
0x71: {  	s23 =	simm.s32 $0x4500;
	[sflag:s29] =	ssyncadd.s32 $0xFFFFFFC0  }
0x72: {  	[tilespmem:s23], [sflag:$0x8] =	stream.indirect.gather [hbm4b:s24+s10], $0x80, s8, s10, $0xb8;
	[tilespmem:$0x1E500] =	vst v63  }
0x73: {  	_ =	swait.ge [sflag:s28], $0x40  }
0x74: {  	[sflag:s28] =	ssyncset.done $0x0  }
0x75: {  	[sflag:s28] =	ssyncadd.s32 $0xFFFFFFC0  }
0x76: {  	[tilespmem:s31], [sflag:$0x9] =	stream.indirect.gather [hbm4b:s24+s10], $0x80, s17, s10, $0xb8;
	[tilespmem:$0x1E500] =	vst v63  }
0x77: {  	_ =	swait.ge [sflag:s18], $0x40  }
0x78: {  	[sflag:s18] =	ssyncset.done $0x0  }
0x79: {  	s17 =	simm.s32 $0x0;
	[sflag:s18] =	ssyncadd.s32 $0xFFFFFFC0  }
0x7a: {  	[tilespmem:s4], [sflag:$0xA] =	stream.indirect.gather [hbm4b:s24+s10], $0x80, s19, s10, $0xb8;
	[tilespmem:$0x1E500] =	vst v63  }
.LBB2_2:
0x7b: {  	_ =	swait.ge [sflag:s11], $0x2000  }
0x7c: {  	p0 =	seq.s32 s17, $0x4D8;
	[sflag:s11] =	ssyncset.done $0x0  }
0x7d: {  	s19 =	simm.s32 @p0 $0xB;
	[sflag:s11] =	ssyncadd.s32 $0xFFFFE000  }
0x7e: {  	_ =	swait.ge @p0 [sflag:s19], $0x40  }
0x7f: {  	s20 =	simm.s32 @p0 $0x280;
	[sflag:s19] =	ssyncset.done @p0 $0x0  }
0x80: {  	s23 =	simm.s32 @p0 $0x500;
	[sflag:s19] =	ssyncadd.s32 @p0 $0xFFFFFFC0;
	s19 =	simm.s32 @p0 $0x40  }
0x81: {  	[spmem:s21] =	stream.indirect.scatter.add.f32 @p0 [tilespmem:s23], [sflag:$0x10], $0x80, s20, s19, $0xb8;
	[tilespmem:$0x1E500] =	vst v63  }
0x82: {  	s20 =	simm.s32 @p0 $0x7  }
0x83: {  	_ =	swait.ge @p0 [sflag:s20], $0x2000  }
0x84: {  	[sflag:s20] =	ssyncset.done @p0 $0x0;
	s2 =	rddreg [dreg:$0x16]  }
0x85: {  	s23 =	simm.s32 @!p0 $0x0;
	[sflag:s20] =	ssyncadd.s32 @p0 $0xFFFFE000;
	s20 =	sadd.s32 @!p0 s17, s2  }
0x86: {  	[tilespmem:s23], [sflag:$0x1] =	stream.linear.gather @!p0 [hbm4b:s20+s23], $0x40, $0x38;
	[tilespmem:$0x1E500] =	vst v63  }
0x87: {  	s20 =	simm.s32 @!p0 $0xB  }
0x88: {  	_ =	swait.ge @!p0 [sflag:s20], $0x40  }
0x89: {  	s6 =	simm.s32 @!p0 $0x500;
	[sflag:s20] =	ssyncset.done @!p0 $0x0  }
0x8a: {  	s2 =	simm.s32 @!p0 $0x280;
	[sflag:s20] =	ssyncadd.s32 @!p0 $0xFFFFFFC0;
	s20 =	simm.s32 @!p0 $0x40  }
0x8b: {  	[spmem:s21] =	stream.indirect.scatter.add.f32 @!p0 [tilespmem:s6], [sflag:$0x10], $0x80, s2, s20, $0xb8;
	[tilespmem:$0x1E500] =	vst v63  }
0x8c: {  	s2 =	simm.s32 @!p0 $0x7  }
0x8d: {  	_ =	swait.ge @!p0 [sflag:s2], $0x2000  }
0x8e: {  	[sflag:s2] =	ssyncset.done @!p0 $0x0  }
0x8f: {  	[sflag:s2] =	ssyncadd.s32 @!p0 $0xFFFFE000;
	s2 =	rddreg [dreg:$0x14]  }
0x90: {  	s6 =	simm.s32 @!p0 $0x80;
	s2 =	sadd.s32 @!p0 s17, s2  }
0x91: {  	[tilespmem:s6], [sflag:$0x2] =	stream.linear.gather @!p0 [hbm4b:s2+s23], $0x40, $0x38;
	[tilespmem:$0x1E500] =	vst v63  }
0x92: {  	_ =	swait.ge [sflag:s30], $0x40  }
0x93: {  	[sflag:s30] =	ssyncset.done $0x0  }
0x94: {  	s8 =	simm.s32 $0x300;
	[sflag:s30] =	ssyncadd.s32 $0xFFFFFFC0  }
0x95: {  	[spmem:s21] =	stream.indirect.scatter.add.f32 [tilespmem:s26], [sflag:$0x11], $0x80, s8, s10, $0xb8;
	[tilespmem:$0x1E500] =	vst v63  }
0x96: {  	_ =	swait.ge [sflag:s0], $0x2000  }
0x97: {  	[sflag:s0] =	ssyncset.done $0x0  }
0x98: {  	s2 =	simm.s32 @p0 $0xD;
	[sflag:s0] =	ssyncadd.s32 $0xFFFFE000  }
0x99: {  	_ =	swait.ge @p0 [sflag:s2], $0x40  }
0x9a: {  	[sflag:s2] =	ssyncset.done @p0 $0x0  }
0x9b: {  	s6 =	simm.s32 @p0 $0x4500;
	[sflag:s2] =	ssyncadd.s32 @p0 $0xFFFFFFC0;
	s2 =	simm.s32 @p0 $0x380  }
0x9c: {  	[spmem:s21] =	stream.indirect.scatter.add.f32 @p0 [tilespmem:s6], [sflag:$0x12], $0x80, s2, s19, $0xb8;
	[tilespmem:$0x1E500] =	vst v63  }
0x9d: {  	s2 =	simm.s32 @p0 $0x9  }
0x9e: {  	_ =	swait.ge @p0 [sflag:s2], $0x2000  }
0x9f: {  	[sflag:s2] =	ssyncset.done @p0 $0x0  }
0xa0: {  	[sflag:s2] =	ssyncadd.s32 @p0 $0xFFFFE000;
	s2 =	rddreg [dreg:$0x13]  }
0xa1: {  	s6 =	simm.s32 @!p0 $0x100;
	s2 =	sadd.s32 @!p0 s17, s2  }
0xa2: {  	[tilespmem:s6], [sflag:$0x3] =	stream.linear.gather @!p0 [hbm4b:s2+s23], $0x40, $0x38;
	[tilespmem:$0x1E500] =	vst v63  }
0xa3: {  	s2 =	simm.s32 @!p0 $0xD  }
0xa4: {  	_ =	swait.ge @!p0 [sflag:s2], $0x40  }
0xa5: {  	[sflag:s2] =	ssyncset.done @!p0 $0x0  }
0xa6: {  	s6 =	simm.s32 @!p0 $0x4500;
	[sflag:s2] =	ssyncadd.s32 @!p0 $0xFFFFFFC0;
	s2 =	simm.s32 @!p0 $0x380  }
0xa7: {  	[spmem:s21] =	stream.indirect.scatter.add.f32 @!p0 [tilespmem:s6], [sflag:$0x12], $0x80, s2, s20, $0xb8;
	[tilespmem:$0x1E500] =	vst v63  }
0xa8: {  	s2 =	simm.s32 @!p0 $0x9  }
0xa9: {  	_ =	swait.ge @!p0 [sflag:s2], $0x2000  }
0xaa: {  	[sflag:s2] =	ssyncset.done @!p0 $0x0  }
0xab: {  	[sflag:s2] =	ssyncadd.s32 @!p0 $0xFFFFE000;
	s2 =	rddreg [dreg:$0x12]  }
0xac: {  	s6 =	simm.s32 @!p0 $0x180;
	s2 =	sadd.s32 @!p0 s17, s2  }
0xad: {  	[tilespmem:s6], [sflag:$0x4] =	stream.linear.gather @!p0 [hbm4b:s2+s23], $0x40, $0x38;
	[tilespmem:$0x1E500] =	vst v63  }
0xae: {  	_ =	swait.ge [sflag:s3], $0x40  }
0xaf: {  	p0 =	sne.s32 s17, $0x4D8;
	[sflag:s3] =	ssyncset.done $0x0  }
.Ltmp2:
0xb0: {  	s19 =	simm.s32 $0x400;
	[sflag:s3] =	ssyncadd.s32 $0xFFFFFFC0;
	(pc) =	sbr.rel @!p0 .LBB2_3-.Ltmp2, $4  }
0xb1: {  	[spmem:s21] =	stream.indirect.scatter.add.f32 [tilespmem:s31], [sflag:$0x13], $0x80, s19, s10, $0xb8;
	[tilespmem:$0x1E500] =	vst v63  }
0xb2: {  	_ =	swait.ge [sflag:s5], $0x2000  }
0xb3: {  	[sflag:s5] =	ssyncset.done $0x0  }
0xb4: {  	[sflag:s5] =	ssyncadd.s32 $0xFFFFE000  }
0xb5: {  	s2 =	rddreg [dreg:$0x11]  }
0xb6: {  	s23 =	simm.s32 $0x200;
	s2 =	sadd.s32 s17, s2  }
0xb7: {  	[tilespmem:s23], [sflag:$0x5] =	stream.linear.gather [hbm4b:s2+s1], $0x40, $0x38;
	[tilespmem:$0x1E500] =	vst v63  }
0xb8: {  	_ =	swait.ge [sflag:s12], $0x40  }
0xb9: {  	[sflag:s12] =	ssyncset.done $0x0  }
0xba: {  	s20 =	simm.s32 $0x480;
	[sflag:s12] =	ssyncadd.s32 $0xFFFFFFC0  }
0xbb: {  	[spmem:s21] =	stream.indirect.scatter.add.f32 [tilespmem:s4], [sflag:$0x14], $0x80, s20, s10, $0xb8;
	[tilespmem:$0x1E500] =	vst v63  }
0xbc: {  	_ =	swait.ge [sflag:s13], $0x2000  }
0xbd: {  	[sflag:s13] =	ssyncset.done $0x0;
	s7 =	rddreg [dreg:$0x15]  }
0xbe: {  	s6 =	simm.s32 $0x280;
	[sflag:s13] =	ssyncadd.s32 $0xFFFFE000;
	s2 =	sadd.s32 s17, s7  }
0xbf: {  	[tilespmem:s6], [sflag:$0xB] =	stream.linear.gather [hbm4b:s2+s1], $0x40, $0x38;
	[tilespmem:$0x1E500] =	vst v63  }
0xc0: {  	_ =	swait.ge [sflag:s9], $0x40  }
0xc1: {  	[sflag:s9] =	ssyncset.done $0x0  }
0xc2: {  	s6 =	simm.s32 $0x500;
	[sflag:s9] =	ssyncadd.s32 $0xFFFFFFC0  }
0xc3: {  	[tilespmem:s6], [sflag:$0x6] =	stream.indirect.gather [hbm4b:s24+s10], $0x80, s1, s10, $0xb8;
	[tilespmem:$0x1E500] =	vst v63  }
0xc4: {  	_ =	swait.ge [sflag:s14], $0x2000  }
0xc5: {  	[sflag:s14] =	ssyncset.done $0x0;
	s7 =	rddreg [dreg:$0xf]  }
0xc6: {  	[sflag:s14] =	ssyncadd.s32 $0xFFFFE000;
	s2 =	sadd.s32 s17, s7  }
0xc7: {  	[tilespmem:s8], [sflag:$0xC] =	stream.linear.gather [hbm4b:s2+s1], $0x40, $0x38;
	[tilespmem:$0x1E500] =	vst v63  }
0xc8: {  	_ =	swait.ge [sflag:s25], $0x40  }
0xc9: {  	[sflag:s25] =	ssyncset.done $0x0  }
0xca: {  	s6 =	simm.s32 $0x80;
	[sflag:s25] =	ssyncadd.s32 $0xFFFFFFC0  }
0xcb: {  	[tilespmem:s26], [sflag:$0x7] =	stream.indirect.gather [hbm4b:s24+s10], $0x80, s6, s10, $0xb8;
	[tilespmem:$0x1E500] =	vst v63  }
0xcc: {  	_ =	swait.ge [sflag:s15], $0x2000  }
0xcd: {  	[sflag:s15] =	ssyncset.done $0x0;
	s7 =	rddreg [dreg:$0xe]  }
0xce: {  	s8 =	simm.s32 $0x380;
	[sflag:s15] =	ssyncadd.s32 $0xFFFFE000;
	s2 =	sadd.s32 s17, s7  }
0xcf: {  	[tilespmem:s8], [sflag:$0xD] =	stream.linear.gather [hbm4b:s2+s1], $0x40, $0x38;
	[tilespmem:$0x1E500] =	vst v63  }
0xd0: {  	_ =	swait.ge [sflag:s29], $0x40  }
0xd1: {  	[sflag:s29] =	ssyncset.done $0x0  }
0xd2: {  	s7 =	simm.s32 $0x100;
	s8 =	simm.s32 $0x4500;
	[sflag:s29] =	ssyncadd.s32 $0xFFFFFFC0  }
0xd3: {  	[tilespmem:s8], [sflag:$0x8] =	stream.indirect.gather [hbm4b:s24+s10], $0x80, s7, s10, $0xb8;
	[tilespmem:$0x1E500] =	vst v63  }
0xd4: {  	_ =	swait.ge [sflag:s16], $0x2000  }
0xd5: {  	[sflag:s16] =	ssyncset.done $0x0;
	s6 =	rddreg [dreg:$0xd]  }
0xd6: {  	[sflag:s16] =	ssyncadd.s32 $0xFFFFE000;
	s2 =	sadd.s32 s17, s6  }
0xd7: {  	[tilespmem:s19], [sflag:$0xE] =	stream.linear.gather [hbm4b:s2+s1], $0x40, $0x38;
	[tilespmem:$0x1E500] =	vst v63  }
0xd8: {  	_ =	swait.ge [sflag:s28], $0x40  }
0xd9: {  	[sflag:s28] =	ssyncset.done $0x0  }
0xda: {  	s7 =	simm.s32 $0x180;
	[sflag:s28] =	ssyncadd.s32 $0xFFFFFFC0  }
0xdb: {  	[tilespmem:s31], [sflag:$0x9] =	stream.indirect.gather [hbm4b:s24+s10], $0x80, s7, s10, $0xb8;
	[tilespmem:$0x1E500] =	vst v63  }
0xdc: {  	_ =	swait.ge [sflag:s22], $0x2000  }
0xdd: {  	[sflag:s22] =	ssyncset.done $0x0;
	s8 =	rddreg [dreg:$0x10]  }
0xde: {  	[sflag:s22] =	ssyncadd.s32 $0xFFFFE000;
	s2 =	sadd.s32 s17, s8;
	s17 =	sadd.s32 $0x28, s17  }
0xdf: {  	[tilespmem:s20], [sflag:$0xF] =	stream.linear.gather [hbm4b:s2+s1], $0x40, $0x38;
	[tilespmem:$0x1E500] =	vst v63  }
0xe0: {  	p0 =	sne.s32 s17, $0x500  }
.Ltmp3:
0xe1: {  	_ = 	snop;
	(pc) =	sbr.rel @p0 .LBB2_2-.Ltmp3, $4  }
.Ltmp4:
0xe2: {  	_ =	swait.ge [sflag:s18], $0x40;
	(pc) =	sbr.rel @!p0 .LBB2_5-.Ltmp4, $4  }
0xe3: {  	[sflag:s18] =	ssyncset.done $0x0  }
0xe4: {  	s7 =	simm.s32 $0x480;
	s8 =	simm.s32 $0x300;
	[sflag:s18] =	ssyncadd.s32 $0xFFFFFFC0  }
0xe5: {  	[tilespmem:s4], [sflag:$0xA] =	stream.indirect.gather [hbm4b:s24+s10], $0x80, s23, s10, $0xb8;
	[tilespmem:$0x1E500] =	vst v63  }
0xe6: {  	_ = 	snop  }
.LBB2_6:
0xe7: {  	_ =	sfence.sel $0x180000  }
0xe8: {  	[bflag:$0x0] =	sbarrier.arrive $0xFFFF  }
0xe9: {  	_ =	strace $0x9000004D  }
0xea: {  	s0 =	stileid.u32;
	[bflag:$0x2] =	sbarrier.arrive $0xFFFF  }
0xeb: {  	p0 =	sne.s32 s0, $0x0;
	s0 =	rddreg [dreg:$0x2]  }
0xec: {  	s0 =	sadd.s32 @!p0 $0x100000, s0  }
0xed: {  	[sflag:s0] =	ssyncadd.tile.s32 @!p0 $0x1;
	_ =	shalt  }
.Lfunc_end2:
_tile_overlayer_lowered:
.L_overlay_start_2:
0xee: {  	(tag) =	ssettag $0x2  }
0xef: {  	s0 =	rddreg [dreg:$0x0];
	s2 =	stileid.u32  }
0xf0: {  	s1 =	rddreg [dreg:$0x1];
	p0 =	sne.s32 s2, $0x0  }
0xf1: {  	s3 =	rddreg [dreg:$0x2];
	[bflag:$0x3] =	sbarrier.arrive $0xFFFF;
	s2 =	simm.s32 @!p0 $0x1C15  }
0xf2: {  	[timem:s3], [sflag:s2] =	dma.local @!p0 [hbm:s0], s1  }
0xf3: {  	s0 =	simm.s32 @!p0 $0x15  }
0xf4: {  	_ =	swait.ge @!p0 [sflag:s0], s1  }
0xf5: {  	s1 =	ssub.s32 @!p0 $0x0, s1;
	[sflag:s0] =	ssyncset.done @!p0 $0x0  }
0xf6: {  	[sflag:s0] =	ssyncadd.s32 @!p0 s1  }
0xf7: {  	[bflag:$0x3] =	sbarrier.arrive $0xFFFF  }
0xf8: {  	_ =	shalt  }

// kernel: kernel.8.cloned.1.call-start
scs
__scs_entry_jumppad:
0x0: {  	(pc) =	sbr.rel $0x88, $3  }
0x1: {  	(tag) =	ssettag $0x0;
	lr =	simm.s32 $0x1  }
0x2: {  	[smem:$0x3F91] =	sst lr;
	_ =	strace $0xD0000000  }
0x3: {  	_ = 	snop  }
0x4: {  	_ = 	snop  }
0x5: {  	_ = 	snop  }
0x6: {  	_ = 	snop  }
0x7: {  	_ = 	snop  }
__scs_overlays_trampoline_lowered:
0x8: {  	[smem:$0x3FA0] =	sst s0  }
0x9: {  	[smem:$0x3FA1] =	sst s1  }
0xa: {  	[smem:$0x3FA2] =	sst s2  }
0xb: {  	[smem:$0x3FA3] =	sst s3  }
0xc: {  	[smem:$0x3FA4] =	sst s4  }
0xd: {  	[smem:$0x3FA5] =	sst s5  }
0xe: {  	[smem:$0x3FA6] =	sst s6  }
0xf: {  	[smem:$0x3FA7] =	sst s7  }
0x10: {  	[smem:$0x3FA8] =	sst s8  }
0x11: {  	[smem:$0x3FA9] =	sst s9;
	s0 =	simm.s32 @!p0 $0x0  }
0x12: {  	s1 =	sld [smem:$0x3F8F];
	s0 =	simm.s32 @p0 $0x1  }
0x13: {  	[smem:$0x3FAA] =	sst s0;
	s0 =	simm.s32 @!p1 $0x0  }
0x14: {  	s2 =	sld [smem:$0x3F8E];
	s0 =	simm.s32 @p1 $0x1  }
0x15: {  	[smem:$0x3FAB] =	sst s0;
	s0 =	simm.s32 @!p2 $0x0  }
0x16: {  	s3 =	sld [smem:$0x3FDB];
	s0 =	simm.s32 @p2 $0x1  }
0x17: {  	s4 =	simm.s32 $0x1BF5;
	[smem:$0x3FAD] =	sst s0  }
0x18: {  	s0 =	sld [smem:$0x3F90];
	_ =	swait.ge [sflag:s4], $0x0  }
0x19: {  	s7 =	sld [smem:$0x3F91]  }
0x1a: {  	s8 =	sadd.s32 $0xFFFFE003, lr  }
0x1b: {  	s9 =	sadd.s32 $0xFFFFFEF7, lr;
	s5 =	simm.s32 $0xFFFFFFFF;
	p2 =	slt.u32 s8, $0xFFFFF086  }
0x1c: {  	p1 =	slt.u32 s9, $0xF7A;
	s5 =	simm.s32 @!p2 $0x0  }
0x1d: {  	s5 =	simm.s32 @p1 $0x1;
	p0 =	seq.s32 s7, s2  }
0x1e: {  	s7 =	smul.u32 @!p0 $0xF7A, s2;
	p2 =	seq.s32 @!p0 s5, $0x0  }
0x1f: {  	s9 =	smul.u32 $0xF7A, s1;
	s8 =	simm.s32 @!p0 $0x1BF5;
	p2 =	por !p2, p0  }
0x20: {  	[sflag:s8] =	ssyncset.s32 @!p0 $0xFFFFF086;
	s6 =	sadd.s32 @!p0 s3, s7;
	s7 =	simm.s32 @!p0 $0x108  }
0x21: {  	s3 =	sadd.s32 s3, s9;
	s6 =	sadd.s32 @!p0 $0x88, s6;
	s7 =	simm.s32 @p2 $0x1082  }
0x22: {  	[simem:s7], [sflag:s8] =	dma.local @!p0 [hbm:s6], $0xF7A  }
0x23: {  	s9 =	sor.u32 $0xD0000000, s2;
	s6 =	simm.s32 $0x108;
	_ =	swait.ge @!p0 [sflag:s8], $0x0  }
0x24: {  	s3 =	sadd.s32 $0x88, s3;
	s6 =	simm.s32 @!p1 $0x1082;
	[sflag:s4] =	ssyncset.s32 $0xFFFFF086  }
0x25: {  	[simem:s6], [sflag:s4] =	dma.local [hbm:s3], $0xF7A  }
0x26: {  	[smem:$0x3F91] =	sst s1;
	(tag) =	ssettag s2;
	_ =	strace s9  }
0x27: {  	s1 =	sld [smem:$0x3FA1]  }
0x28: {  	s2 =	sld [smem:$0x3FA2]  }
0x29: {  	s4 =	sld [smem:$0x3FA4]  }
0x2a: {  	p0 =	seq.s32 s5, $0x0;
	s5 =	sld [smem:$0x3FA5]  }
0x2b: {  	s6 =	sld [smem:$0x3FA6]  }
0x2c: {  	s7 =	sld [smem:$0x3FA7]  }
0x2d: {  	s3 =	simm.s32 $0x108;
	s8 =	sld [smem:$0x3FA8]  }
0x2e: {  	s3 =	simm.s32 @!p0 $0x1082;
	s9 =	sld [smem:$0x3FA9]  }
0x2f: {  	lr =	sadd.s32 s0, s3;
	s0 =	sld [smem:$0x3FA0]  }
0x30: {  	s3 =	sld [smem:$0x3FA3]  }
0x31: {  	[smem:$0x3FAC] =	sst s10  }
0x32: {  	s10 =	sld [smem:$0x3FAA];
	_ =	sdelay $0x3  }
0x33: {  	p0 =	seq.s32 s10, $0x1;
	s10 =	sld [smem:$0x3FAC];
	_ =	sdelay $0x3  }
0x34: {  	[smem:$0x3FAC] =	sst s10  }
0x35: {  	s10 =	sld [smem:$0x3FAB];
	_ =	sdelay $0x3  }
0x36: {  	p1 =	seq.s32 s10, $0x1;
	s10 =	sld [smem:$0x3FAC];
	_ =	sdelay $0x3  }
0x37: {  	[smem:$0x3FAC] =	sst s10  }
0x38: {  	s10 =	sld [smem:$0x3FAD]  }
0x39: {  	_ = 	snop;
	(pc) =	sbr.ind lr, $3  }
0x3a: {  	_ = 	snop  }
0x3b: {  	_ = 	snop  }
0x3c: {  	p2 =	seq.s32 s10, $0x1;
	s10 =	sld [smem:$0x3FAC]  }
0x3d: {  	_ =	shalt  }
0x3e: {  	_ =	shalt  }
0x3f: {  	_ =	shalt  }
0x40: {  	_ =	shalt  }
0x41: {  	_ =	shalt  }
0x42: {  	_ =	shalt  }
0x43: {  	_ =	shalt  }
0x44: {  	_ =	shalt  }
0x45: {  	_ =	shalt  }
0x46: {  	_ =	shalt  }
0x47: {  	_ =	shalt  }
0x48: {  	_ =	shalt  }
0x49: {  	_ =	shalt  }
0x4a: {  	_ =	shalt  }
0x4b: {  	_ =	shalt  }
0x4c: {  	_ =	shalt  }
0x4d: {  	_ =	shalt  }
0x4e: {  	_ =	shalt  }
0x4f: {  	_ =	shalt  }
0x50: {  	_ =	shalt  }
0x51: {  	_ =	shalt  }
0x52: {  	_ =	shalt  }
0x53: {  	_ =	shalt  }
0x54: {  	_ =	shalt  }
0x55: {  	_ =	shalt  }
0x56: {  	_ =	shalt  }
0x57: {  	_ =	shalt  }
0x58: {  	_ =	shalt  }
0x59: {  	_ =	shalt  }
0x5a: {  	_ =	shalt  }
0x5b: {  	_ =	shalt  }
0x5c: {  	_ =	shalt  }
0x5d: {  	_ =	shalt  }
0x5e: {  	_ =	shalt  }
0x5f: {  	_ =	shalt  }
0x60: {  	_ =	shalt  }
0x61: {  	_ =	shalt  }
0x62: {  	_ =	shalt  }
0x63: {  	_ =	shalt  }
0x64: {  	_ =	shalt  }
0x65: {  	_ =	shalt  }
0x66: {  	_ =	shalt  }
0x67: {  	_ =	shalt  }
0x68: {  	_ =	shalt  }
0x69: {  	_ =	shalt  }
0x6a: {  	_ =	shalt  }
0x6b: {  	_ =	shalt  }
0x6c: {  	_ =	shalt  }
0x6d: {  	_ =	shalt  }
0x6e: {  	_ =	shalt  }
0x6f: {  	_ =	shalt  }
0x70: {  	_ =	shalt  }
0x71: {  	_ =	shalt  }
0x72: {  	_ =	shalt  }
0x73: {  	_ =	shalt  }
0x74: {  	_ =	shalt  }
0x75: {  	_ =	shalt  }
0x76: {  	_ =	shalt  }
0x77: {  	_ =	shalt  }
0x78: {  	_ =	shalt  }
0x79: {  	_ =	shalt  }
0x7a: {  	_ =	shalt  }
0x7b: {  	_ =	shalt  }
0x7c: {  	_ =	shalt  }
0x7d: {  	_ =	shalt  }
0x7e: {  	_ =	shalt  }
0x7f: {  	_ =	shalt  }
0x80: {  	_ =	shalt  }
0x81: {  	_ =	shalt  }
0x82: {  	_ =	shalt  }
0x83: {  	_ =	shalt  }
0x84: {  	_ =	shalt  }
0x85: {  	_ =	shalt  }
0x86: {  	_ =	shalt  }
0x87: {  	_ =	shalt  }
.Lfunc_end0:
.L_simem_size_0:
called_computation_lowered:
.L_overlay_start_0:
0x88: {  	s2 =	sld [smem:$0x3FD9]  }
0x89: {  	s3 =	sld [smem:$0x3FFE];
	_ =	sdelay $0x1  }
0x8a: {  	s1 =	srdreg.scid  }
0x8b: {  	s0 =	sand.u32 $0x1, s1  }
0x8c: {  	s16 =	sshll.u32 s0, $0xA;
	s2 =	sadd.s32 s3, s2  }
0x8d: {  	s2 =	sadd.s32 s2, s16  }
0x8e: {  	[smem:$0x3FB8] =	sst s2  }
0x8f: {  	_ = 	snop  }
0x90: {  	(tm) =	ssettm $0x1  }
0x91: {  	s17 =	sld [smem:$0x3FFB];
	_ =	sdelay $0x3  }
0x92: {  	_ =	strace s17  }
0x93: {  	s2 =	sld [smem:$0x3FFC];
	_ =	sdelay $0x3  }
0x94: {  	_ =	strace s2  }
0x95: {  	s2 =	sld [smem:$0x3FFD];
	_ =	sdelay $0x3  }
0x96: {  	_ =	strace s2  }
0x97: {  	_ =	strace $0x8FFFFFFF  }
0x98: {  	s18 =	sld [smem:$0x3FDB];
	_ =	sdelay $0x1  }
0x99: {  	s19 =	simm.s32 $_scs_section_size  }
0x9a: {  	s4 =	simm.s32 $_size__tile_overlayer_lowered;
	s5 =	simm.s32 $_tile_overlayer_lowered  }
0x9b: {  	s22 =	simm.s32 $0x1BFF;
	s21 =	sshll.u32 s5, $0x1;
	s2 =	sadd.s32 s19, s18  }
0x9c: {  	s6 =	simm.s32 $0x0;
	s20 =	sshll.u32 s4, $0x1;
	s4 =	sadd.s32 s21, s2  }
0x9d: {  	[timem:s6], [sflag:s22] =	dma.local [hbm:s4], s20  }
0x9e: {  	_ =	swait.ge [sflag:s22], s20  }
0x9f: {  	s3 =	ssub.s32 $0x0, s20;
	[sflag:s22] =	ssyncset.done $0x0  }
0xa0: {  	[sflag:s22] =	ssyncadd.s32 s3;
	_ =	sdelay $0x1  }
0xa1: {  	s23 =	simm.s32 $0x1B8B  }
0xa2: {  	_ =	swait.ge [sflag:s23], $0x1  }
0xa3: {  	[sflag:s23] =	ssyncset.done $0x0  }
0xa4: {  	s25 =	simm.s32 $0x1B8E;
	s24 =	sld [smem:$0x3FFE];
	[sflag:s23] =	ssyncadd.s32 $0xFFFFFFFF  }
0xa5: {  	s26 =	simm.s32 $execute0_lowered;
	[smem:$0x3FD2] =	sst s25  }
0xa6: {  	s4 =	sshll.u32 s26, $0x1;
	_ =	strace $0x80000046;
	[dreg:$0x1] =	wrdreg $0xFFFFFFFF  }
0xa7: {  	s28 =	simm.s32 $_size_execute0_lowered;
	s2 =	sadd.s32 s2, s4;
	[dreg:$0x0] =	wrdreg $0x0  }
0xa8: {  	s4 =	sshll.u32 s28, $0x1;
	[dreg:$0x2] =	wrdreg s2  }
0xa9: {  	[dreg:$0x3] =	wrdreg s4  }
0xaa: {  	[dreg:$0x4] =	wrdreg $0xC0  }
0xab: {  	_ =	task [dreg:s6], $0x5FFFF  }
0xac: {  	[dreg:$0x1] =	wrdreg $0xFFFFFFFF  }
0xad: {  	[dreg:$0x0] =	wrdreg $0x60  }
0xae: {  	[dreg:$0x2] =	wrdreg s24  }
0xaf: {  	[dreg:$0x3] =	wrdreg $0x9  }
0xb0: {  	_ =	task.clear_ibuf [dreg:s6], $0x4FFFF;
	_ =	strace $0x90000046  }
0xb1: {  	s29 =	simm.s32 $0x9;
	_ =	strace $0x80000048  }
0xb2: {  	_ =	swait.ge [sflag:s29], $0x1  }
0xb3: {  	[sflag:s29] =	ssyncadd.s32 $0xFFFFFFFF  }
0xb4: {  	_ =	strace $0x90000048  }
0xb5: {  	_ =	sfence  }
0xb6: {  	s30 =	sld [smem:$0x0];
	_ =	sdelay $0x2  }
0xb7: {  	s31 =	sshll.u32 s1, $0xD;
	s1 =	sshrl.u32 s1, $0x2  }
0xb8: {  	s3 =	sand.u32 $0x4000, s31;
	s1 =	sadd.s32 s1, s30  }
0xb9: {  	s0 =	sor.u32 s3, s0;
	s1 =	sshll.u32 s1, $0x11  }
0xba: {  	s0 =	sor.u32 s1, s0  }
0xbb: {  	s0 =	sadd.s32 $0x8F2B, s0  }
0xbc: {  	[sflag:s0] =	ssyncadd.remote.s32 $0x1  }
0xbd: {  	_ =	sfence.sel $0xFFFF  }
0xbe: {  	[dreg:$0x0] =	wrdreg $0xFFFFFFFF;
	(pc) =	sbr.abs _section_cstart, $3  }
0xbf: {  	[dreg:$0x1] =	wrdreg $0xFFFFFFFF  }
0xc0: {  	_ =	task.clear_ibuf [dreg:s6], $0x2FFFF;
	_ =	strace $0x9FFFFFFF  }
0xc1: {  	(tm) =	ssettm $0x7FFFFFFF  }
tec
execute0_lowered:
.L_overlay_start_1:
0x0: {  	(tag) =	ssettag $0x1  }
0x1: {  	s0 =	srdreg.scid  }
0x2: {  	s5 =	rddreg [dreg:$0x0];
	s3 =	sand.u32 $0x1, s0  }
0x3: {  	s2 =	simm.s32 $0x0;
	s0 =	stileid.u32;
	s1 =	sshll.u32 s3, $0x4  }
0x4: {  	s8 =	simm.s32 $0x80;
	s9 =	simm.s32 $0x400;
	s4 =	sor.u32 s0, s1  }
0x5: {  	s10 =	simm.s32 $0x0;
	[smem:$0x7FF] =	sst s2;
	s1 =	sshrl.u32 s4, $0x3  }
0x6: {  	s7 =	sshll.u32 s0, $0x7;
	s3 =	ssub.s32 $0x2, s3;
	s6 =	smul.u32 $0x14000, s1  }
0x7: {  	s7 =	sand.u32 $0x380, s7;
	s31 =	sshrl.u32 s3, $0x1;
	s4 =	smul.u32 $0x4E2, s4  }
0x8: {  	s1 =	rddreg [dreg:$0x1];
	_ =	strace $0x80000047;
	s6 =	sor.u32 s7, s6  }
0x9: {  	s4 =	sadd.s32 s4, s5;
	s7 =	simm.s32 $0x2780;
	s6 =	sshrl.u32 s6, $0x3  }
0xa: {  	s5 =	sadd.s32 s6, s5;
	s6 =	ssub.s32 s3, s31;
	s3 =	sadd.s32 $0x4000, s4  }
0xb: {  	v0 =	vimm.f32 $0.0e+00;
	v1 =	vimm.f32 $1.000000000e+00;
	s4 =	sadd.s32 $0xDE00, s5;
	s5 =	smax.u32 s6, $0x1;
	s6 =	simm.s32 $0x1  }
.LBB2_1:
0xc: {  	[tilespmem:s2], [sflag:$0x1] =	stream.linear.gather [hbm4b:s3+s2], $0x2710, $0x38;
	[tilespmem:$0x4F80] =	vst v63  }
0xd: {  	_ =	swait.ge [sflag:s6], $0x2710  }
0xe: {  	[sflag:s6] =	ssyncset.done $0x0  }
0xf: {  	s11 =	simm.s32 $0x0;
	[sflag:s6] =	ssyncadd.s32 $0xFFFFD8F0  }
.LBB2_2:
0x10: {  	p0 =	sne.s32 s11, $0x9FC0  }
.Ltmp0:
0x11: {  	_ = 	snop;
	(pc) =	sbr.rel @p0 .LBB2_2-.Ltmp0, $3  }
0x12: {  	_ =	sdelay $0x1  }
0x13: {  	s12 =	sshra.s32 s11, $0x2  }
0x14: {  	s11 =	sadd.s32 $0x40, s11;
	[tilespmem:s12+$0x2780] =	vst v0  }
0x15: {  	s12 =	simm.s32 $0x0;
	s11 =	simm.s32 $0x40  }
.LBB2_4:
0x16: {  	p0 =	sne.s32 s11, $0x9C00;
	v2 =	vld [tilespmem:s12+$0x0];
	_ =	sdelay $0x3  }
.Ltmp1:
0x17: {  	(pc) =	sbr.rel @p0 .LBB2_4-.Ltmp1, $2  }
0x18: {  	_ =	sdelay $0x2  }
0x19: {  	s12 =	sshra.s32 s11, $0x2;
	s11 =	sadd.s32 $0x40, s11;
	[tilespmem:v2+s7+$0x0] =	vst.idx.add.f32.msk $0xffff, v1  }
0x1a: {  	v2 =	vld [tilespmem:s12+$0x0];
	_ =	sdelay $0x5  }
0x1b: {  	s10 =	sadd.s32 $0x1, s10  }
0x1c: {  	p0 =	sne.s32 s10, s5  }
.Ltmp2:
0x1d: {  	[tilespmem:v2+s7+$0x0] =	vst.idx.add.f32.msk $0xffff, v1;
	(pc) =	sbr.rel @p0 .LBB2_1-.Ltmp2, $4  }
0x1e: {  	[hbm4b:s4+s8] =	stream.strided.scatter [tilespmem:s7], [sflag:$0x1], $0x2800, s9, s8, $0x38;
	[tilespmem:$0x4F80] =	vst v63  }
0x1f: {  	_ =	swait.ge [sflag:s6], $0x2800  }
0x20: {  	[sflag:s6] =	ssyncset.done $0x0  }
0x21: {  	[sflag:s6] =	ssyncadd.s32 $0xFFFFD800  }
0x22: {  	_ =	sfence.sel $0x180000  }
0x23: {  	[bflag:$0x0] =	sbarrier.arrive $0xFFFF  }
0x24: {  	p0 =	sne.s32 s0, $0x0;
	_ =	strace $0x90000047  }
0x25: {  	s0 =	sadd.s32 @!p0 $0x100000, s1;
	[bflag:$0x2] =	sbarrier.arrive $0xFFFF  }
0x26: {  	[sflag:s0] =	ssyncadd.tile.s32 @!p0 $0x1;
	_ =	shalt  }
.Lfunc_end2:
_tile_overlayer_lowered:
.L_overlay_start_2:
0x27: {  	(tag) =	ssettag $0x2  }
0x28: {  	s0 =	rddreg [dreg:$0x0];
	s2 =	stileid.u32  }
0x29: {  	s1 =	rddreg [dreg:$0x1];
	p0 =	sne.s32 s2, $0x0  }
0x2a: {  	s3 =	rddreg [dreg:$0x2];
	[bflag:$0x3] =	sbarrier.arrive $0xFFFF;
	s2 =	simm.s32 @!p0 $0x1C01  }
0x2b: {  	[timem:s3], [sflag:s2] =	dma.local @!p0 [hbm:s0], s1  }
0x2c: {  	s0 =	simm.s32 @!p0 $0x1  }
0x2d: {  	_ =	swait.ge @!p0 [sflag:s0], s1  }
0x2e: {  	s1 =	ssub.s32 @!p0 $0x0, s1;
	[sflag:s0] =	ssyncset.done @!p0 $0x0  }
0x2f: {  	[sflag:s0] =	ssyncadd.s32 @!p0 s1  }
0x30: {  	[bflag:$0x3] =	sbarrier.arrive $0xFFFF  }
0x31: {  	_ =	shalt  }

</sc_bundles>
